<compile_context>
chip_gen: v7x
topology: tpu7x:2x2x1
jax: 0.10.2.dev20260603
libtpu: 0.0.44.dev20260713+nightly
codegen_flags: <defaults>
</compile_context>

<pallas_src>
import functools

import jax
import jax.numpy as jnp
from jax import lax
from jax.experimental import pallas as pl
from jax.experimental.pallas import tpu as pltpu
from jax.experimental.pallas import tpu_sc as plsc

B = 16384
DIM = 150
MAIN = 128
TAILW = DIM - MAIN
NC = 2
NS = 16
NW = NC * NS
RPT = B // NW
CHUNK = 64
NG = RPT // CHUNK
NMAIN = MAIN // 16


def _sc_body(ph, pr, pt, nh, nr, nt, ent, rel, ent_t, rel_t, out_hbm,
             i0, i1, i2, i3, i4, i5,
             t0, t1, t2, t3, t4, t5,
             m0, m1, m2, m3, m4, m5,
             u0, u1, u2, u3, u4, u5,
             outv, sem):
    wid = lax.axis_index("s") * NC + lax.axis_index("c")
    base = wid * RPT

    idx_hbm = (ph, pr, pt, nh, nr, nt)
    ivs = (i0, i1, i2, i3, i4, i5)
    tls = (t0, t1, t2, t3, t4, t5)
    mbufs = (m0, m1, m2, m3, m4, m5)
    tbufs = (u0, u1, u2, u3, u4, u5)
    tabs = (ent, rel, ent, ent, rel, ent)
    ttabs = (ent_t, rel_t, ent_t, ent_t, rel_t, ent_t)

    for t in range(6):
        pltpu.sync_copy(idx_hbm[t].at[pl.ds(base, RPT)],
                        ivs[t].at[pl.ds(0, RPT)])

    iota16 = lax.broadcasted_iota(jnp.int32, (16,), 0)
    tail_mask = iota16 < (TAILW - 16)

    def compute(o, lv):
        def row(i, lv):
            j = o + i

            def row_slices(t):
                m = ivs[t][pl.ds(j, 16)][0]
                cols = (m & 3) * TAILW + iota16
                rows = jnp.full((16,), 0, jnp.int32) + i
                vals = [mbufs[t][i, pl.ds(c * 16, 16)] for c in range(NMAIN)]
                vals.append(plsc.load_gather(tbufs[t], [rows, cols]))
                vals.append(plsc.load_gather(tbufs[t], [rows, cols + 16]))
                return vals

            phv, prv, ptv, nhv, nrv, ntv = (row_slices(t) for t in range(6))
            acc = jnp.zeros((16,), jnp.float32)
            for c in range(NMAIN + 1):
                xp = phv[c] + prv[c] - ptv[c]
                xn = nhv[c] + nrv[c] - ntv[c]
                acc = acc + (jnp.abs(xp) - jnp.abs(xn))
            c = NMAIN + 1
            xp = phv[c] + prv[c] - ptv[c]
            xn = nhv[c] + nrv[c] - ntv[c]
            acc = acc + jnp.where(tail_mask, jnp.abs(xp) - jnp.abs(xn), 0.0)
            for sh in (8, 4, 2, 1):
                acc = acc + jnp.take(acc, (iota16 + sh) & 15)
            hinge = jnp.maximum(acc + 1.0, 0.0)
            return lv + jnp.where(iota16 == 0, hinge, 0.0)

        return lax.fori_loop(0, CHUNK, row, lv)

    def chunk_body(g, lv):
        o = g * CHUNK
        for t in range(6):
            for v in range(CHUNK // 16):
                tls[t][pl.ds(v * 16, 16)] = \
                    lax.shift_right_logical(ivs[t][pl.ds(o + v * 16, 16)], 2)
        descs = []
        for t in range(6):
            descs.append(pltpu.async_copy(
                tabs[t].at[:, pl.ds(0, MAIN)].at[ivs[t].at[pl.ds(o, CHUNK)]],
                mbufs[t], sem))
            descs.append(pltpu.async_copy(
                ttabs[t].at[tls[t]], tbufs[t], sem))
        for d in descs:
            d.wait()
        return compute(o, lv)

    loss_vec = lax.fori_loop(0, NG, chunk_body,
                             jnp.zeros((16,), jnp.float32))

    outv[...] = loss_vec
    pltpu.sync_copy(outv, out_hbm.at[wid])


@functools.partial(
    pl.kernel,
    out_type=jax.ShapeDtypeStruct((NW, 16), jnp.float32),
    mesh=plsc.VectorSubcoreMesh(core_axis_name="c", subcore_axis_name="s",
                                num_cores=NC, num_subcores=NS),
    compiler_params=pltpu.CompilerParams(needs_layout_passes=False,
                                         use_tc_tiling_on_sc=True),
    scratch_types=(
        [pltpu.VMEM((RPT + 16,), jnp.int32)] * 6
        + [pltpu.VMEM((CHUNK,), jnp.int32)] * 6
        + [pltpu.VMEM((CHUNK, MAIN), jnp.float32)] * 6
        + [pltpu.VMEM((CHUNK, MAIN), jnp.float32)] * 6
        + [pltpu.VMEM((16,), jnp.float32),
           pltpu.SemaphoreType.DMA]),
)
def _sc_partials(*args):
    _sc_body(*args)


def _finish_body(p_ref, o_ref):
    o_ref[...] = jnp.sum(p_ref[...]).reshape(1, 1)


def _pack_tails(emb):
    r = emb.shape[0]
    t = emb[:, MAIN:].reshape(r // 4, 4 * TAILW)
    return jnp.pad(t, ((0, 0), (0, MAIN - 4 * TAILW)))


def kernel(pos_h, pos_r, pos_t, neg_h, neg_r, neg_t, ent_emb, rel_emb):
    idxs = [a.astype(jnp.int32) for a in
            (pos_h, pos_r, pos_t, neg_h, neg_r, neg_t)]
    ent_t = _pack_tails(ent_emb)
    rel_t = _pack_tails(rel_emb)
    partials = _sc_partials(*idxs, ent_emb, rel_emb, ent_t, rel_t)
    loss = pl.pallas_call(
        _finish_body,
        out_shape=jax.ShapeDtypeStruct((1, 1), jnp.float32),
    )(partials)
    return loss[0, 0]

# --- scband reference (transcript-rebuilt; emitter-appended) ---
"""Pipeline reference for scband-trans-e-39702677684838 (READ-ONLY COPY).

The authoritative reference and input builder live on the scoring server;
editing this copy changes nothing except your own understanding.
"""

import jax, jax.numpy as jnp
import numpy as np

B = 16384
E_NUM = 1000000
R_NUM = 1000
DIM = 150


def setup_inputs(seed: int = 0) -> dict:
    key = jax.random.key(seed)
    ks = jax.random.split(key, 8)
    pos_h = jax.random.randint(ks[0], (B,), 0, E_NUM)
    pos_r = jax.random.randint(ks[1], (B,), 0, R_NUM)
    pos_t = jax.random.randint(ks[2], (B,), 0, E_NUM)
    neg_h = jax.random.randint(ks[3], (B,), 0, E_NUM)
    neg_r = jax.random.randint(ks[4], (B,), 0, R_NUM)
    neg_t = jax.random.randint(ks[5], (B,), 0, E_NUM)
    # learned parameters (xavier-uniform-ish init)
    bound_e = float(np.sqrt(6.0 / (E_NUM + DIM)))
    bound_r = float(np.sqrt(6.0 / (R_NUM + DIM)))
    ent_emb = jax.random.uniform(ks[6], (E_NUM, DIM), jnp.float32, -bound_e, bound_e)
    rel_emb = jax.random.uniform(ks[7], (R_NUM, DIM), jnp.float32, -bound_r, bound_r)
    return {
        'pos_h': pos_h, 'pos_r': pos_r, 'pos_t': pos_t,
        'neg_h': neg_h, 'neg_r': neg_r, 'neg_t': neg_t,
        'ent_emb': ent_emb, 'rel_emb': rel_emb,
    }


def reference(pos_h, pos_r, pos_t, neg_h, neg_r, neg_t, ent_emb, rel_emb):
    pos_h_e = jnp.take(ent_emb, pos_h, axis=0)
    pos_r_e = jnp.take(rel_emb, pos_r, axis=0)
    pos_t_e = jnp.take(ent_emb, pos_t, axis=0)
    neg_h_e = jnp.take(ent_emb, neg_h, axis=0)
    neg_r_e = jnp.take(rel_emb, neg_r, axis=0)
    neg_t_e = jnp.take(ent_emb, neg_t, axis=0)
    p_score = jnp.abs(pos_h_e + pos_r_e - pos_t_e).reshape(-1, 1, DIM)
    n_score = jnp.abs(neg_h_e + neg_r_e - neg_t_e).reshape(-1, 1, DIM)
    pos = jnp.sum(jnp.mean(p_score, axis=1), axis=1)
    neg = jnp.sum(jnp.mean(n_score, axis=1), axis=1)
    # MarginRankingLoss(margin=1, size_average=False) with y = -1 -> sum reduction
    y = -1.0
    loss = jnp.sum(jnp.maximum(0.0, -y * (pos - neg) + 1.0))
    return loss

if __name__ == "__main__":
    import jax
    _d = setup_inputs()
    print(jax.jit(kernel)(*tuple(_d.values())))

</pallas_src>

<mosaic_0001>
#map = affine_map<(d0, d1) -> (0)>
#map1 = affine_map<(d0, d1) -> (0, 0)>
module attributes {stable_mosaic.version = 14 : i64} {
  func.func @_sc_partials(%arg0: i32, %arg1: i32, %arg2: memref<16384xi32, #tpu.memory_space<hbm>>, %arg3: memref<16384xi32, #tpu.memory_space<hbm>>, %arg4: memref<16384xi32, #tpu.memory_space<hbm>>, %arg5: memref<16384xi32, #tpu.memory_space<hbm>>, %arg6: memref<16384xi32, #tpu.memory_space<hbm>>, %arg7: memref<16384xi32, #tpu.memory_space<hbm>>, %arg8: memref<1000000x150xf32, #tpu.memory_space<hbm>>, %arg9: memref<1000x150xf32, #tpu.memory_space<hbm>>, %arg10: memref<250000x128xf32, #tpu.memory_space<hbm>>, %arg11: memref<250x128xf32, #tpu.memory_space<hbm>>, %arg12: memref<32x16xf32, #tpu.memory_space<hbm>>, %arg13: memref<528xi32, #tpu.memory_space<vmem>>, %arg14: memref<528xi32, #tpu.memory_space<vmem>>, %arg15: memref<528xi32, #tpu.memory_space<vmem>>, %arg16: memref<528xi32, #tpu.memory_space<vmem>>, %arg17: memref<528xi32, #tpu.memory_space<vmem>>, %arg18: memref<528xi32, #tpu.memory_space<vmem>>, %arg19: memref<64xi32, #tpu.memory_space<vmem>>, %arg20: memref<64xi32, #tpu.memory_space<vmem>>, %arg21: memref<64xi32, #tpu.memory_space<vmem>>, %arg22: memref<64xi32, #tpu.memory_space<vmem>>, %arg23: memref<64xi32, #tpu.memory_space<vmem>>, %arg24: memref<64xi32, #tpu.memory_space<vmem>>, %arg25: memref<64x128xf32, #tpu.memory_space<vmem>>, %arg26: memref<64x128xf32, #tpu.memory_space<vmem>>, %arg27: memref<64x128xf32, #tpu.memory_space<vmem>>, %arg28: memref<64x128xf32, #tpu.memory_space<vmem>>, %arg29: memref<64x128xf32, #tpu.memory_space<vmem>>, %arg30: memref<64x128xf32, #tpu.memory_space<vmem>>, %arg31: memref<64x128xf32, #tpu.memory_space<vmem>>, %arg32: memref<64x128xf32, #tpu.memory_space<vmem>>, %arg33: memref<64x128xf32, #tpu.memory_space<vmem>>, %arg34: memref<64x128xf32, #tpu.memory_space<vmem>>, %arg35: memref<64x128xf32, #tpu.memory_space<vmem>>, %arg36: memref<64x128xf32, #tpu.memory_space<vmem>>, %arg37: memref<16xf32, #tpu.memory_space<vmem>>, %arg38: memref<!tpu.dma_semaphore, #tpu.memory_space<semaphore_mem>>) attributes {dimension_semantics = [#tpu.dimension_semantics<core_parallel>, #tpu.dimension_semantics<subcore_parallel>], iteration_bounds = array<i64: 2, 16>, scalar_prefetch = 0 : i64, scratch_operands = 26 : i64, tpu.core_type = #tpu.core_type<sc_vector_subcore>, window_params = [{transform_indices = #map}, {transform_indices = #map}, {transform_indices = #map}, {transform_indices = #map}, {transform_indices = #map}, {transform_indices = #map}, {transform_indices = #map1}, {transform_indices = #map1}, {transform_indices = #map1}, {transform_indices = #map1}, {transform_indices = #map1}]} {
    %mul3A = arith.constant 2 : i32
    %mul3A_0 = arith.muli %arg1, %mul3A : i32
    %add3A = arith.addi %mul3A_0, %arg0 : i32
    %mul3A_1 = arith.constant 512 : i32
    %mul3A_2 = arith.muli %add3A, %mul3A_1 : i32
    "tpu.region"() ({
      %run_scoped3A = tpu.sem_alloc : memref<!tpu.dma_semaphore, #tpu.memory_space<semaphore_mem>>
      %dma_start3A = arith.constant 0 : i32
      %dma_start3A_12 = tpu.memref_slice %arg13[%dma_start3A] : memref<528xi32, #tpu.memory_space<vmem>> -> memref<512xi32, #tpu.memory_space<vmem>>
      %dma_start3A_13 = tpu.memref_slice %arg2[%mul3A_2] : memref<16384xi32, #tpu.memory_space<hbm>> -> memref<512xi32, #tpu.memory_space<hbm>>
      %dma_start3A_14 = arith.constant 0 : i32
      %dma_start3A_15 = tpu.memref_slice %arg13[%dma_start3A_14] : memref<528xi32, #tpu.memory_space<vmem>> -> memref<512xi32, #tpu.memory_space<vmem>>
      %dma_start3A_16 = tpu.memref_slice %arg2[%mul3A_2] : memref<16384xi32, #tpu.memory_space<hbm>> -> memref<512xi32, #tpu.memory_space<hbm>>
      tpu.enqueue_dma source(%dma_start3A_16 : memref<512xi32, #tpu.memory_space<hbm>>) target(%dma_start3A_15 : memref<512xi32, #tpu.memory_space<vmem>>) target_semaphore(%run_scoped3A : memref<!tpu.dma_semaphore, #tpu.memory_space<semaphore_mem>>)
      %dma_wait3A = arith.constant 0 : i32
      %dma_wait3A_17 = tpu.memref_slice %arg13[%dma_wait3A] : memref<528xi32, #tpu.memory_space<vmem>> -> memref<512xi32, #tpu.memory_space<vmem>>
      %dma_wait3A_18 = tpu.memref_slice %arg2[%mul3A_2] : memref<16384xi32, #tpu.memory_space<hbm>> -> memref<512xi32, #tpu.memory_space<hbm>>
      %dma_wait3A_19 = arith.constant 0 : i32
      %dma_wait3A_20 = tpu.memref_slice %arg13[%dma_wait3A_19] : memref<528xi32, #tpu.memory_space<vmem>> -> memref<512xi32, #tpu.memory_space<vmem>>
      %dma_wait3A_21 = tpu.memref_slice %arg2[%mul3A_2] : memref<16384xi32, #tpu.memory_space<hbm>> -> memref<512xi32, #tpu.memory_space<hbm>>
      tpu.wait_dma2 semaphore(%run_scoped3A : memref<!tpu.dma_semaphore, #tpu.memory_space<semaphore_mem>>) src(%dma_wait3A_21 : memref<512xi32, #tpu.memory_space<hbm>>) dst(%dma_wait3A_20 : memref<512xi32, #tpu.memory_space<vmem>>)
      tpu.yield
    }) : () -> ()
    "tpu.region"() ({
      %run_scoped3A = tpu.sem_alloc : memref<!tpu.dma_semaphore, #tpu.memory_space<semaphore_mem>>
      %dma_start3A = arith.constant 0 : i32
      %dma_start3A_12 = tpu.memref_slice %arg14[%dma_start3A] : memref<528xi32, #tpu.memory_space<vmem>> -> memref<512xi32, #tpu.memory_space<vmem>>
      %dma_start3A_13 = tpu.memref_slice %arg3[%mul3A_2] : memref<16384xi32, #tpu.memory_space<hbm>> -> memref<512xi32, #tpu.memory_space<hbm>>
      %dma_start3A_14 = arith.constant 0 : i32
      %dma_start3A_15 = tpu.memref_slice %arg14[%dma_start3A_14] : memref<528xi32, #tpu.memory_space<vmem>> -> memref<512xi32, #tpu.memory_space<vmem>>
      %dma_start3A_16 = tpu.memref_slice %arg3[%mul3A_2] : memref<16384xi32, #tpu.memory_space<hbm>> -> memref<512xi32, #tpu.memory_space<hbm>>
      tpu.enqueue_dma source(%dma_start3A_16 : memref<512xi32, #tpu.memory_space<hbm>>) target(%dma_start3A_15 : memref<512xi32, #tpu.memory_space<vmem>>) target_semaphore(%run_scoped3A : memref<!tpu.dma_semaphore, #tpu.memory_space<semaphore_mem>>)
      %dma_wait3A = arith.constant 0 : i32
      %dma_wait3A_17 = tpu.memref_slice %arg14[%dma_wait3A] : memref<528xi32, #tpu.memory_space<vmem>> -> memref<512xi32, #tpu.memory_space<vmem>>
      %dma_wait3A_18 = tpu.memref_slice %arg3[%mul3A_2] : memref<16384xi32, #tpu.memory_space<hbm>> -> memref<512xi32, #tpu.memory_space<hbm>>
      %dma_wait3A_19 = arith.constant 0 : i32
      %dma_wait3A_20 = tpu.memref_slice %arg14[%dma_wait3A_19] : memref<528xi32, #tpu.memory_space<vmem>> -> memref<512xi32, #tpu.memory_space<vmem>>
      %dma_wait3A_21 = tpu.memref_slice %arg3[%mul3A_2] : memref<16384xi32, #tpu.memory_space<hbm>> -> memref<512xi32, #tpu.memory_space<hbm>>
      tpu.wait_dma2 semaphore(%run_scoped3A : memref<!tpu.dma_semaphore, #tpu.memory_space<semaphore_mem>>) src(%dma_wait3A_21 : memref<512xi32, #tpu.memory_space<hbm>>) dst(%dma_wait3A_20 : memref<512xi32, #tpu.memory_space<vmem>>)
      tpu.yield
    }) : () -> ()
    "tpu.region"() ({
      %run_scoped3A = tpu.sem_alloc : memref<!tpu.dma_semaphore, #tpu.memory_space<semaphore_mem>>
      %dma_start3A = arith.constant 0 : i32
      %dma_start3A_12 = tpu.memref_slice %arg15[%dma_start3A] : memref<528xi32, #tpu.memory_space<vmem>> -> memref<512xi32, #tpu.memory_space<vmem>>
      %dma_start3A_13 = tpu.memref_slice %arg4[%mul3A_2] : memref<16384xi32, #tpu.memory_space<hbm>> -> memref<512xi32, #tpu.memory_space<hbm>>
      %dma_start3A_14 = arith.constant 0 : i32
      %dma_start3A_15 = tpu.memref_slice %arg15[%dma_start3A_14] : memref<528xi32, #tpu.memory_space<vmem>> -> memref<512xi32, #tpu.memory_space<vmem>>
      %dma_start3A_16 = tpu.memref_slice %arg4[%mul3A_2] : memref<16384xi32, #tpu.memory_space<hbm>> -> memref<512xi32, #tpu.memory_space<hbm>>
      tpu.enqueue_dma source(%dma_start3A_16 : memref<512xi32, #tpu.memory_space<hbm>>) target(%dma_start3A_15 : memref<512xi32, #tpu.memory_space<vmem>>) target_semaphore(%run_scoped3A : memref<!tpu.dma_semaphore, #tpu.memory_space<semaphore_mem>>)
      %dma_wait3A = arith.constant 0 : i32
      %dma_wait3A_17 = tpu.memref_slice %arg15[%dma_wait3A] : memref<528xi32, #tpu.memory_space<vmem>> -> memref<512xi32, #tpu.memory_space<vmem>>
      %dma_wait3A_18 = tpu.memref_slice %arg4[%mul3A_2] : memref<16384xi32, #tpu.memory_space<hbm>> -> memref<512xi32, #tpu.memory_space<hbm>>
      %dma_wait3A_19 = arith.constant 0 : i32
      %dma_wait3A_20 = tpu.memref_slice %arg15[%dma_wait3A_19] : memref<528xi32, #tpu.memory_space<vmem>> -> memref<512xi32, #tpu.memory_space<vmem>>
      %dma_wait3A_21 = tpu.memref_slice %arg4[%mul3A_2] : memref<16384xi32, #tpu.memory_space<hbm>> -> memref<512xi32, #tpu.memory_space<hbm>>
      tpu.wait_dma2 semaphore(%run_scoped3A : memref<!tpu.dma_semaphore, #tpu.memory_space<semaphore_mem>>) src(%dma_wait3A_21 : memref<512xi32, #tpu.memory_space<hbm>>) dst(%dma_wait3A_20 : memref<512xi32, #tpu.memory_space<vmem>>)
      tpu.yield
    }) : () -> ()
    "tpu.region"() ({
      %run_scoped3A = tpu.sem_alloc : memref<!tpu.dma_semaphore, #tpu.memory_space<semaphore_mem>>
      %dma_start3A = arith.constant 0 : i32
      %dma_start3A_12 = tpu.memref_slice %arg16[%dma_start3A] : memref<528xi32, #tpu.memory_space<vmem>> -> memref<512xi32, #tpu.memory_space<vmem>>
      %dma_start3A_13 = tpu.memref_slice %arg5[%mul3A_2] : memref<16384xi32, #tpu.memory_space<hbm>> -> memref<512xi32, #tpu.memory_space<hbm>>
      %dma_start3A_14 = arith.constant 0 : i32
      %dma_start3A_15 = tpu.memref_slice %arg16[%dma_start3A_14] : memref<528xi32, #tpu.memory_space<vmem>> -> memref<512xi32, #tpu.memory_space<vmem>>
      %dma_start3A_16 = tpu.memref_slice %arg5[%mul3A_2] : memref<16384xi32, #tpu.memory_space<hbm>> -> memref<512xi32, #tpu.memory_space<hbm>>
      tpu.enqueue_dma source(%dma_start3A_16 : memref<512xi32, #tpu.memory_space<hbm>>) target(%dma_start3A_15 : memref<512xi32, #tpu.memory_space<vmem>>) target_semaphore(%run_scoped3A : memref<!tpu.dma_semaphore, #tpu.memory_space<semaphore_mem>>)
      %dma_wait3A = arith.constant 0 : i32
      %dma_wait3A_17 = tpu.memref_slice %arg16[%dma_wait3A] : memref<528xi32, #tpu.memory_space<vmem>> -> memref<512xi32, #tpu.memory_space<vmem>>
      %dma_wait3A_18 = tpu.memref_slice %arg5[%mul3A_2] : memref<16384xi32, #tpu.memory_space<hbm>> -> memref<512xi32, #tpu.memory_space<hbm>>
      %dma_wait3A_19 = arith.constant 0 : i32
      %dma_wait3A_20 = tpu.memref_slice %arg16[%dma_wait3A_19] : memref<528xi32, #tpu.memory_space<vmem>> -> memref<512xi32, #tpu.memory_space<vmem>>
      %dma_wait3A_21 = tpu.memref_slice %arg5[%mul3A_2] : memref<16384xi32, #tpu.memory_space<hbm>> -> memref<512xi32, #tpu.memory_space<hbm>>
      tpu.wait_dma2 semaphore(%run_scoped3A : memref<!tpu.dma_semaphore, #tpu.memory_space<semaphore_mem>>) src(%dma_wait3A_21 : memref<512xi32, #tpu.memory_space<hbm>>) dst(%dma_wait3A_20 : memref<512xi32, #tpu.memory_space<vmem>>)
      tpu.yield
    }) : () -> ()
    "tpu.region"() ({
      %run_scoped3A = tpu.sem_alloc : memref<!tpu.dma_semaphore, #tpu.memory_space<semaphore_mem>>
      %dma_start3A = arith.constant 0 : i32
      %dma_start3A_12 = tpu.memref_slice %arg17[%dma_start3A] : memref<528xi32, #tpu.memory_space<vmem>> -> memref<512xi32, #tpu.memory_space<vmem>>
      %dma_start3A_13 = tpu.memref_slice %arg6[%mul3A_2] : memref<16384xi32, #tpu.memory_space<hbm>> -> memref<512xi32, #tpu.memory_space<hbm>>
      %dma_start3A_14 = arith.constant 0 : i32
      %dma_start3A_15 = tpu.memref_slice %arg17[%dma_start3A_14] : memref<528xi32, #tpu.memory_space<vmem>> -> memref<512xi32, #tpu.memory_space<vmem>>
      %dma_start3A_16 = tpu.memref_slice %arg6[%mul3A_2] : memref<16384xi32, #tpu.memory_space<hbm>> -> memref<512xi32, #tpu.memory_space<hbm>>
      tpu.enqueue_dma source(%dma_start3A_16 : memref<512xi32, #tpu.memory_space<hbm>>) target(%dma_start3A_15 : memref<512xi32, #tpu.memory_space<vmem>>) target_semaphore(%run_scoped3A : memref<!tpu.dma_semaphore, #tpu.memory_space<semaphore_mem>>)
      %dma_wait3A = arith.constant 0 : i32
      %dma_wait3A_17 = tpu.memref_slice %arg17[%dma_wait3A] : memref<528xi32, #tpu.memory_space<vmem>> -> memref<512xi32, #tpu.memory_space<vmem>>
      %dma_wait3A_18 = tpu.memref_slice %arg6[%mul3A_2] : memref<16384xi32, #tpu.memory_space<hbm>> -> memref<512xi32, #tpu.memory_space<hbm>>
      %dma_wait3A_19 = arith.constant 0 : i32
      %dma_wait3A_20 = tpu.memref_slice %arg17[%dma_wait3A_19] : memref<528xi32, #tpu.memory_space<vmem>> -> memref<512xi32, #tpu.memory_space<vmem>>
      %dma_wait3A_21 = tpu.memref_slice %arg6[%mul3A_2] : memref<16384xi32, #tpu.memory_space<hbm>> -> memref<512xi32, #tpu.memory_space<hbm>>
      tpu.wait_dma2 semaphore(%run_scoped3A : memref<!tpu.dma_semaphore, #tpu.memory_space<semaphore_mem>>) src(%dma_wait3A_21 : memref<512xi32, #tpu.memory_space<hbm>>) dst(%dma_wait3A_20 : memref<512xi32, #tpu.memory_space<vmem>>)
      tpu.yield
    }) : () -> ()
    "tpu.region"() ({
      %run_scoped3A = tpu.sem_alloc : memref<!tpu.dma_semaphore, #tpu.memory_space<semaphore_mem>>
      %dma_start3A = arith.constant 0 : i32
      %dma_start3A_12 = tpu.memref_slice %arg18[%dma_start3A] : memref<528xi32, #tpu.memory_space<vmem>> -> memref<512xi32, #tpu.memory_space<vmem>>
      %dma_start3A_13 = tpu.memref_slice %arg7[%mul3A_2] : memref<16384xi32, #tpu.memory_space<hbm>> -> memref<512xi32, #tpu.memory_space<hbm>>
      %dma_start3A_14 = arith.constant 0 : i32
      %dma_start3A_15 = tpu.memref_slice %arg18[%dma_start3A_14] : memref<528xi32, #tpu.memory_space<vmem>> -> memref<512xi32, #tpu.memory_space<vmem>>
      %dma_start3A_16 = tpu.memref_slice %arg7[%mul3A_2] : memref<16384xi32, #tpu.memory_space<hbm>> -> memref<512xi32, #tpu.memory_space<hbm>>
      tpu.enqueue_dma source(%dma_start3A_16 : memref<512xi32, #tpu.memory_space<hbm>>) target(%dma_start3A_15 : memref<512xi32, #tpu.memory_space<vmem>>) target_semaphore(%run_scoped3A : memref<!tpu.dma_semaphore, #tpu.memory_space<semaphore_mem>>)
      %dma_wait3A = arith.constant 0 : i32
      %dma_wait3A_17 = tpu.memref_slice %arg18[%dma_wait3A] : memref<528xi32, #tpu.memory_space<vmem>> -> memref<512xi32, #tpu.memory_space<vmem>>
      %dma_wait3A_18 = tpu.memref_slice %arg7[%mul3A_2] : memref<16384xi32, #tpu.memory_space<hbm>> -> memref<512xi32, #tpu.memory_space<hbm>>
      %dma_wait3A_19 = arith.constant 0 : i32
      %dma_wait3A_20 = tpu.memref_slice %arg18[%dma_wait3A_19] : memref<528xi32, #tpu.memory_space<vmem>> -> memref<512xi32, #tpu.memory_space<vmem>>
      %dma_wait3A_21 = tpu.memref_slice %arg7[%mul3A_2] : memref<16384xi32, #tpu.memory_space<hbm>> -> memref<512xi32, #tpu.memory_space<hbm>>
      tpu.wait_dma2 semaphore(%run_scoped3A : memref<!tpu.dma_semaphore, #tpu.memory_space<semaphore_mem>>) src(%dma_wait3A_21 : memref<512xi32, #tpu.memory_space<hbm>>) dst(%dma_wait3A_20 : memref<512xi32, #tpu.memory_space<vmem>>)
      tpu.yield
    }) : () -> ()
    %iota3A = tpu.iota {dimensions = array<i32: 0>} : vector<16xi32>
    %lt3A = arith.constant 6 : i32
    %lt3A_3 = vector.broadcast %lt3A : i32 to vector<16xi32>
    %lt3A_4 = arith.cmpi slt, %iota3A, %lt3A_3 : vector<16xi32>
    %broadcast_in_dim3A = arith.constant 0.000000e+00 : f32
    %broadcast_in_dim3A_5 = vector.broadcast %broadcast_in_dim3A : f32 to vector<16xf32>
    %scan3A = arith.constant 0 : i32
    %scan3A_6 = arith.constant 8 : i32
    %scan3A_7 = arith.addi %scan3A, %scan3A_6 : i32
    %scan3A_8 = arith.constant 1 : i32
    %scan3A_9 = scf.for %scan3A_12 = %scan3A to %scan3A_7 step %scan3A_8 iter_args(%scan3A_13 = %broadcast_in_dim3A_5) -> (vector<16xf32>)  : i32 {
      %mul3A_14 = arith.constant 64 : i32
      %mul3A_15 = arith.muli %scan3A_12, %mul3A_14 : i32
      %add3A_16 = arith.constant 0 : i32
      %add3A_17 = arith.addi %mul3A_15, %add3A_16 : i32
      %get3A = arith.index_cast %add3A_17 : i32 to index
      %get3A_18 = tpu.vector_load %arg13[%get3A] {strides = array<i32>} : memref<528xi32, #tpu.memory_space<vmem>>, vector<16xi32>,
      %shift_right_logical3A = arith.constant 2 : i32
      %shift_right_logical3A_19 = vector.broadcast %shift_right_logical3A : i32 to vector<16xi32>
      %shift_right_logical3A_20 = arith.shrui %get3A_18, %shift_right_logical3A_19 : vector<16xi32>
      %swap3A_21 = arith.constant 0 : index
      %swap3A_22 = tpu.vector_load %arg19[%swap3A_21] {strides = array<i32>} : memref<64xi32, #tpu.memory_space<vmem>>, vector<16xi32>,
      tpu.vector_store %arg19[%swap3A_21], %shift_right_logical3A_20 {strides = array<i32>} : memref<64xi32, #tpu.memory_space<vmem>>, vector<16xi32>,
      %add3A_23 = arith.constant 16 : i32
      %add3A_24 = arith.addi %mul3A_15, %add3A_23 : i32
      %get3A_25 = arith.index_cast %add3A_24 : i32 to index
      %get3A_26 = tpu.vector_load %arg13[%get3A_25] {strides = array<i32>} : memref<528xi32, #tpu.memory_space<vmem>>, vector<16xi32>,
      %shift_right_logical3A_27 = arith.constant 2 : i32
      %shift_right_logical3A_28 = vector.broadcast %shift_right_logical3A_27 : i32 to vector<16xi32>
      %shift_right_logical3A_29 = arith.shrui %get3A_26, %shift_right_logical3A_28 : vector<16xi32>
      %swap3A_30 = arith.constant 16 : index
      %swap3A_31 = tpu.vector_load %arg19[%swap3A_30] {strides = array<i32>} : memref<64xi32, #tpu.memory_space<vmem>>, vector<16xi32>,
      tpu.vector_store %arg19[%swap3A_30], %shift_right_logical3A_29 {strides = array<i32>} : memref<64xi32, #tpu.memory_space<vmem>>, vector<16xi32>,
      %add3A_32 = arith.constant 32 : i32
      %add3A_33 = arith.addi %mul3A_15, %add3A_32 : i32
      %get3A_34 = arith.index_cast %add3A_33 : i32 to index
      %get3A_35 = tpu.vector_load %arg13[%get3A_34] {strides = array<i32>} : memref<528xi32, #tpu.memory_space<vmem>>, vector<16xi32>,
      %shift_right_logical3A_36 = arith.constant 2 : i32
      %shift_right_logical3A_37 = vector.broadcast %shift_right_logical3A_36 : i32 to vector<16xi32>
      %shift_right_logical3A_38 = arith.shrui %get3A_35, %shift_right_logical3A_37 : vector<16xi32>
      %swap3A_39 = arith.constant 32 : index
      %swap3A_40 = tpu.vector_load %arg19[%swap3A_39] {strides = array<i32>} : memref<64xi32, #tpu.memory_space<vmem>>, vector<16xi32>,
      tpu.vector_store %arg19[%swap3A_39], %shift_right_logical3A_38 {strides = array<i32>} : memref<64xi32, #tpu.memory_space<vmem>>, vector<16xi32>,
      %add3A_41 = arith.constant 48 : i32
      %add3A_42 = arith.addi %mul3A_15, %add3A_41 : i32
      %get3A_43 = arith.index_cast %add3A_42 : i32 to index
      %get3A_44 = tpu.vector_load %arg13[%get3A_43] {strides = array<i32>} : memref<528xi32, #tpu.memory_space<vmem>>, vector<16xi32>,
      %shift_right_logical3A_45 = arith.constant 2 : i32
      %shift_right_logical3A_46 = vector.broadcast %shift_right_logical3A_45 : i32 to vector<16xi32>
      %shift_right_logical3A_47 = arith.shrui %get3A_44, %shift_right_logical3A_46 : vector<16xi32>
      %swap3A_48 = arith.constant 48 : index
      %swap3A_49 = tpu.vector_load %arg19[%swap3A_48] {strides = array<i32>} : memref<64xi32, #tpu.memory_space<vmem>>, vector<16xi32>,
      tpu.vector_store %arg19[%swap3A_48], %shift_right_logical3A_47 {strides = array<i32>} : memref<64xi32, #tpu.memory_space<vmem>>, vector<16xi32>,
      %add3A_50 = arith.constant 0 : i32
      %add3A_51 = arith.addi %mul3A_15, %add3A_50 : i32
      %get3A_52 = arith.index_cast %add3A_51 : i32 to index
      %get3A_53 = tpu.vector_load %arg14[%get3A_52] {strides = array<i32>} : memref<528xi32, #tpu.memory_space<vmem>>, vector<16xi32>,
      %shift_right_logical3A_54 = arith.constant 2 : i32
      %shift_right_logical3A_55 = vector.broadcast %shift_right_logical3A_54 : i32 to vector<16xi32>
      %shift_right_logical3A_56 = arith.shrui %get3A_53, %shift_right_logical3A_55 : vector<16xi32>
      %swap3A_57 = arith.constant 0 : index
      %swap3A_58 = tpu.vector_load %arg20[%swap3A_57] {strides = array<i32>} : memref<64xi32, #tpu.memory_space<vmem>>, vector<16xi32>,
      tpu.vector_store %arg20[%swap3A_57], %shift_right_logical3A_56 {strides = array<i32>} : memref<64xi32, #tpu.memory_space<vmem>>, vector<16xi32>,
      %add3A_59 = arith.constant 16 : i32
      %add3A_60 = arith.addi %mul3A_15, %add3A_59 : i32
      %get3A_61 = arith.index_cast %add3A_60 : i32 to index
      %get3A_62 = tpu.vector_load %arg14[%get3A_61] {strides = array<i32>} : memref<528xi32, #tpu.memory_space<vmem>>, vector<16xi32>,
      %shift_right_logical3A_63 = arith.constant 2 : i32
      %shift_right_logical3A_64 = vector.broadcast %shift_right_logical3A_63 : i32 to vector<16xi32>
      %shift_right_logical3A_65 = arith.shrui %get3A_62, %shift_right_logical3A_64 : vector<16xi32>
      %swap3A_66 = arith.constant 16 : index
      %swap3A_67 = tpu.vector_load %arg20[%swap3A_66] {strides = array<i32>} : memref<64xi32, #tpu.memory_space<vmem>>, vector<16xi32>,
      tpu.vector_store %arg20[%swap3A_66], %shift_right_logical3A_65 {strides = array<i32>} : memref<64xi32, #tpu.memory_space<vmem>>, vector<16xi32>,
      %add3A_68 = arith.constant 32 : i32
      %add3A_69 = arith.addi %mul3A_15, %add3A_68 : i32
      %get3A_70 = arith.index_cast %add3A_69 : i32 to index
      %get3A_71 = tpu.vector_load %arg14[%get3A_70] {strides = array<i32>} : memref<528xi32, #tpu.memory_space<vmem>>, vector<16xi32>,
      %shift_right_logical3A_72 = arith.constant 2 : i32
      %shift_right_logical3A_73 = vector.broadcast %shift_right_logical3A_72 : i32 to vector<16xi32>
      %shift_right_logical3A_74 = arith.shrui %get3A_71, %shift_right_logical3A_73 : vector<16xi32>
      %swap3A_75 = arith.constant 32 : index
      %swap3A_76 = tpu.vector_load %arg20[%swap3A_75] {strides = array<i32>} : memref<64xi32, #tpu.memory_space<vmem>>, vector<16xi32>,
      tpu.vector_store %arg20[%swap3A_75], %shift_right_logical3A_74 {strides = array<i32>} : memref<64xi32, #tpu.memory_space<vmem>>, vector<16xi32>,
      %add3A_77 = arith.constant 48 : i32
      %add3A_78 = arith.addi %mul3A_15, %add3A_77 : i32
      %get3A_79 = arith.index_cast %add3A_78 : i32 to index
      %get3A_80 = tpu.vector_load %arg14[%get3A_79] {strides = array<i32>} : memref<528xi32, #tpu.memory_space<vmem>>, vector<16xi32>,
      %shift_right_logical3A_81 = arith.constant 2 : i32
      %shift_right_logical3A_82 = vector.broadcast %shift_right_logical3A_81 : i32 to vector<16xi32>
      %shift_right_logical3A_83 = arith.shrui %get3A_80, %shift_right_logical3A_82 : vector<16xi32>
      %swap3A_84 = arith.constant 48 : index
      %swap3A_85 = tpu.vector_load %arg20[%swap3A_84] {strides = array<i32>} : memref<64xi32, #tpu.memory_space<vmem>>, vector<16xi32>,
      tpu.vector_store %arg20[%swap3A_84], %shift_right_logical3A_83 {strides = array<i32>} : memref<64xi32, #tpu.memory_space<vmem>>, vector<16xi32>,
      %add3A_86 = arith.constant 0 : i32
      %add3A_87 = arith.addi %mul3A_15, %add3A_86 : i32
      %get3A_88 = arith.index_cast %add3A_87 : i32 to index
      %get3A_89 = tpu.vector_load %arg15[%get3A_88] {strides = array<i32>} : memref<528xi32, #tpu.memory_space<vmem>>, vector<16xi32>,
      %shift_right_logical3A_90 = arith.constant 2 : i32
      %shift_right_logical3A_91 = vector.broadcast %shift_right_logical3A_90 : i32 to vector<16xi32>
      %shift_right_logical3A_92 = arith.shrui %get3A_89, %shift_right_logical3A_91 : vector<16xi32>
      %swap3A_93 = arith.constant 0 : index
      %swap3A_94 = tpu.vector_load %arg21[%swap3A_93] {strides = array<i32>} : memref<64xi32, #tpu.memory_space<vmem>>, vector<16xi32>,
      tpu.vector_store %arg21[%swap3A_93], %shift_right_logical3A_92 {strides = array<i32>} : memref<64xi32, #tpu.memory_space<vmem>>, vector<16xi32>,
      %add3A_95 = arith.constant 16 : i32
      %add3A_96 = arith.addi %mul3A_15, %add3A_95 : i32
      %get3A_97 = arith.index_cast %add3A_96 : i32 to index
      %get3A_98 = tpu.vector_load %arg15[%get3A_97] {strides = array<i32>} : memref<528xi32, #tpu.memory_space<vmem>>, vector<16xi32>,
      %shift_right_logical3A_99 = arith.constant 2 : i32
      %shift_right_logical3A_100 = vector.broadcast %shift_right_logical3A_99 : i32 to vector<16xi32>
      %shift_right_logical3A_101 = arith.shrui %get3A_98, %shift_right_logical3A_100 : vector<16xi32>
      %swap3A_102 = arith.constant 16 : index
      %swap3A_103 = tpu.vector_load %arg21[%swap3A_102] {strides = array<i32>} : memref<64xi32, #tpu.memory_space<vmem>>, vector<16xi32>,
      tpu.vector_store %arg21[%swap3A_102], %shift_right_logical3A_101 {strides = array<i32>} : memref<64xi32, #tpu.memory_space<vmem>>, vector<16xi32>,
      %add3A_104 = arith.constant 32 : i32
      %add3A_105 = arith.addi %mul3A_15, %add3A_104 : i32
      %get3A_106 = arith.index_cast %add3A_105 : i32 to index
      %get3A_107 = tpu.vector_load %arg15[%get3A_106] {strides = array<i32>} : memref<528xi32, #tpu.memory_space<vmem>>, vector<16xi32>,
      %shift_right_logical3A_108 = arith.constant 2 : i32
      %shift_right_logical3A_109 = vector.broadcast %shift_right_logical3A_108 : i32 to vector<16xi32>
      %shift_right_logical3A_110 = arith.shrui %get3A_107, %shift_right_logical3A_109 : vector<16xi32>
      %swap3A_111 = arith.constant 32 : index
      %swap3A_112 = tpu.vector_load %arg21[%swap3A_111] {strides = array<i32>} : memref<64xi32, #tpu.memory_space<vmem>>, vector<16xi32>,
      tpu.vector_store %arg21[%swap3A_111], %shift_right_logical3A_110 {strides = array<i32>} : memref<64xi32, #tpu.memory_space<vmem>>, vector<16xi32>,
      %add3A_113 = arith.constant 48 : i32
      %add3A_114 = arith.addi %mul3A_15, %add3A_113 : i32
      %get3A_115 = arith.index_cast %add3A_114 : i32 to index
      %get3A_116 = tpu.vector_load %arg15[%get3A_115] {strides = array<i32>} : memref<528xi32, #tpu.memory_space<vmem>>, vector<16xi32>,
      %shift_right_logical3A_117 = arith.constant 2 : i32
      %shift_right_logical3A_118 = vector.broadcast %shift_right_logical3A_117 : i32 to vector<16xi32>
      %shift_right_logical3A_119 = arith.shrui %get3A_116, %shift_right_logical3A_118 : vector<16xi32>
      %swap3A_120 = arith.constant 48 : index
      %swap3A_121 = tpu.vector_load %arg21[%swap3A_120] {strides = array<i32>} : memref<64xi32, #tpu.memory_space<vmem>>, vector<16xi32>,
      tpu.vector_store %arg21[%swap3A_120], %shift_right_logical3A_119 {strides = array<i32>} : memref<64xi32, #tpu.memory_space<vmem>>, vector<16xi32>,
      %add3A_122 = arith.constant 0 : i32
      %add3A_123 = arith.addi %mul3A_15, %add3A_122 : i32
      %get3A_124 = arith.index_cast %add3A_123 : i32 to index
      %get3A_125 = tpu.vector_load %arg16[%get3A_124] {strides = array<i32>} : memref<528xi32, #tpu.memory_space<vmem>>, vector<16xi32>,
      %shift_right_logical3A_126 = arith.constant 2 : i32
      %shift_right_logical3A_127 = vector.broadcast %shift_right_logical3A_126 : i32 to vector<16xi32>
      %shift_right_logical3A_128 = arith.shrui %get3A_125, %shift_right_logical3A_127 : vector<16xi32>
      %swap3A_129 = arith.constant 0 : index
      %swap3A_130 = tpu.vector_load %arg22[%swap3A_129] {strides = array<i32>} : memref<64xi32, #tpu.memory_space<vmem>>, vector<16xi32>,
      tpu.vector_store %arg22[%swap3A_129], %shift_right_logical3A_128 {strides = array<i32>} : memref<64xi32, #tpu.memory_space<vmem>>, vector<16xi32>,
      %add3A_131 = arith.constant 16 : i32
      %add3A_132 = arith.addi %mul3A_15, %add3A_131 : i32
      %get3A_133 = arith.index_cast %add3A_132 : i32 to index
      %get3A_134 = tpu.vector_load %arg16[%get3A_133] {strides = array<i32>} : memref<528xi32, #tpu.memory_space<vmem>>, vector<16xi32>,
      %shift_right_logical3A_135 = arith.constant 2 : i32
      %shift_right_logical3A_136 = vector.broadcast %shift_right_logical3A_135 : i32 to vector<16xi32>
      %shift_right_logical3A_137 = arith.shrui %get3A_134, %shift_right_logical3A_136 : vector<16xi32>
      %swap3A_138 = arith.constant 16 : index
      %swap3A_139 = tpu.vector_load %arg22[%swap3A_138] {strides = array<i32>} : memref<64xi32, #tpu.memory_space<vmem>>, vector<16xi32>,
      tpu.vector_store %arg22[%swap3A_138], %shift_right_logical3A_137 {strides = array<i32>} : memref<64xi32, #tpu.memory_space<vmem>>, vector<16xi32>,
      %add3A_140 = arith.constant 32 : i32
      %add3A_141 = arith.addi %mul3A_15, %add3A_140 : i32
      %get3A_142 = arith.index_cast %add3A_141 : i32 to index
      %get3A_143 = tpu.vector_load %arg16[%get3A_142] {strides = array<i32>} : memref<528xi32, #tpu.memory_space<vmem>>, vector<16xi32>,
      %shift_right_logical3A_144 = arith.constant 2 : i32
      %shift_right_logical3A_145 = vector.broadcast %shift_right_logical3A_144 : i32 to vector<16xi32>
      %shift_right_logical3A_146 = arith.shrui %get3A_143, %shift_right_logical3A_145 : vector<16xi32>
      %swap3A_147 = arith.constant 32 : index
      %swap3A_148 = tpu.vector_load %arg22[%swap3A_147] {strides = array<i32>} : memref<64xi32, #tpu.memory_space<vmem>>, vector<16xi32>,
      tpu.vector_store %arg22[%swap3A_147], %shift_right_logical3A_146 {strides = array<i32>} : memref<64xi32, #tpu.memory_space<vmem>>, vector<16xi32>,
      %add3A_149 = arith.constant 48 : i32
      %add3A_150 = arith.addi %mul3A_15, %add3A_149 : i32
      %get3A_151 = arith.index_cast %add3A_150 : i32 to index
      %get3A_152 = tpu.vector_load %arg16[%get3A_151] {strides = array<i32>} : memref<528xi32, #tpu.memory_space<vmem>>, vector<16xi32>,
      %shift_right_logical3A_153 = arith.constant 2 : i32
      %shift_right_logical3A_154 = vector.broadcast %shift_right_logical3A_153 : i32 to vector<16xi32>
      %shift_right_logical3A_155 = arith.shrui %get3A_152, %shift_right_logical3A_154 : vector<16xi32>
      %swap3A_156 = arith.constant 48 : index
      %swap3A_157 = tpu.vector_load %arg22[%swap3A_156] {strides = array<i32>} : memref<64xi32, #tpu.memory_space<vmem>>, vector<16xi32>,
      tpu.vector_store %arg22[%swap3A_156], %shift_right_logical3A_155 {strides = array<i32>} : memref<64xi32, #tpu.memory_space<vmem>>, vector<16xi32>,
      %add3A_158 = arith.constant 0 : i32
      %add3A_159 = arith.addi %mul3A_15, %add3A_158 : i32
      %get3A_160 = arith.index_cast %add3A_159 : i32 to index
      %get3A_161 = tpu.vector_load %arg17[%get3A_160] {strides = array<i32>} : memref<528xi32, #tpu.memory_space<vmem>>, vector<16xi32>,
      %shift_right_logical3A_162 = arith.constant 2 : i32
      %shift_right_logical3A_163 = vector.broadcast %shift_right_logical3A_162 : i32 to vector<16xi32>
      %shift_right_logical3A_164 = arith.shrui %get3A_161, %shift_right_logical3A_163 : vector<16xi32>
      %swap3A_165 = arith.constant 0 : index
      %swap3A_166 = tpu.vector_load %arg23[%swap3A_165] {strides = array<i32>} : memref<64xi32, #tpu.memory_space<vmem>>, vector<16xi32>,
      tpu.vector_store %arg23[%swap3A_165], %shift_right_logical3A_164 {strides = array<i32>} : memref<64xi32, #tpu.memory_space<vmem>>, vector<16xi32>,
      %add3A_167 = arith.constant 16 : i32
      %add3A_168 = arith.addi %mul3A_15, %add3A_167 : i32
      %get3A_169 = arith.index_cast %add3A_168 : i32 to index
      %get3A_170 = tpu.vector_load %arg17[%get3A_169] {strides = array<i32>} : memref<528xi32, #tpu.memory_space<vmem>>, vector<16xi32>,
      %shift_right_logical3A_171 = arith.constant 2 : i32
      %shift_right_logical3A_172 = vector.broadcast %shift_right_logical3A_171 : i32 to vector<16xi32>
      %shift_right_logical3A_173 = arith.shrui %get3A_170, %shift_right_logical3A_172 : vector<16xi32>
      %swap3A_174 = arith.constant 16 : index
      %swap3A_175 = tpu.vector_load %arg23[%swap3A_174] {strides = array<i32>} : memref<64xi32, #tpu.memory_space<vmem>>, vector<16xi32>,
      tpu.vector_store %arg23[%swap3A_174], %shift_right_logical3A_173 {strides = array<i32>} : memref<64xi32, #tpu.memory_space<vmem>>, vector<16xi32>,
      %add3A_176 = arith.constant 32 : i32
      %add3A_177 = arith.addi %mul3A_15, %add3A_176 : i32
      %get3A_178 = arith.index_cast %add3A_177 : i32 to index
      %get3A_179 = tpu.vector_load %arg17[%get3A_178] {strides = array<i32>} : memref<528xi32, #tpu.memory_space<vmem>>, vector<16xi32>,
      %shift_right_logical3A_180 = arith.constant 2 : i32
      %shift_right_logical3A_181 = vector.broadcast %shift_right_logical3A_180 : i32 to vector<16xi32>
      %shift_right_logical3A_182 = arith.shrui %get3A_179, %shift_right_logical3A_181 : vector<16xi32>
      %swap3A_183 = arith.constant 32 : index
      %swap3A_184 = tpu.vector_load %arg23[%swap3A_183] {strides = array<i32>} : memref<64xi32, #tpu.memory_space<vmem>>, vector<16xi32>,
      tpu.vector_store %arg23[%swap3A_183], %shift_right_logical3A_182 {strides = array<i32>} : memref<64xi32, #tpu.memory_space<vmem>>, vector<16xi32>,
      %add3A_185 = arith.constant 48 : i32
      %add3A_186 = arith.addi %mul3A_15, %add3A_185 : i32
      %get3A_187 = arith.index_cast %add3A_186 : i32 to index
      %get3A_188 = tpu.vector_load %arg17[%get3A_187] {strides = array<i32>} : memref<528xi32, #tpu.memory_space<vmem>>, vector<16xi32>,
      %shift_right_logical3A_189 = arith.constant 2 : i32
      %shift_right_logical3A_190 = vector.broadcast %shift_right_logical3A_189 : i32 to vector<16xi32>
      %shift_right_logical3A_191 = arith.shrui %get3A_188, %shift_right_logical3A_190 : vector<16xi32>
      %swap3A_192 = arith.constant 48 : index
      %swap3A_193 = tpu.vector_load %arg23[%swap3A_192] {strides = array<i32>} : memref<64xi32, #tpu.memory_space<vmem>>, vector<16xi32>,
      tpu.vector_store %arg23[%swap3A_192], %shift_right_logical3A_191 {strides = array<i32>} : memref<64xi32, #tpu.memory_space<vmem>>, vector<16xi32>,
      %add3A_194 = arith.constant 0 : i32
      %add3A_195 = arith.addi %mul3A_15, %add3A_194 : i32
      %get3A_196 = arith.index_cast %add3A_195 : i32 to index
      %get3A_197 = tpu.vector_load %arg18[%get3A_196] {strides = array<i32>} : memref<528xi32, #tpu.memory_space<vmem>>, vector<16xi32>,
      %shift_right_logical3A_198 = arith.constant 2 : i32
      %shift_right_logical3A_199 = vector.broadcast %shift_right_logical3A_198 : i32 to vector<16xi32>
      %shift_right_logical3A_200 = arith.shrui %get3A_197, %shift_right_logical3A_199 : vector<16xi32>
      %swap3A_201 = arith.constant 0 : index
      %swap3A_202 = tpu.vector_load %arg24[%swap3A_201] {strides = array<i32>} : memref<64xi32, #tpu.memory_space<vmem>>, vector<16xi32>,
      tpu.vector_store %arg24[%swap3A_201], %shift_right_logical3A_200 {strides = array<i32>} : memref<64xi32, #tpu.memory_space<vmem>>, vector<16xi32>,
      %add3A_203 = arith.constant 16 : i32
      %add3A_204 = arith.addi %mul3A_15, %add3A_203 : i32
      %get3A_205 = arith.index_cast %add3A_204 : i32 to index
      %get3A_206 = tpu.vector_load %arg18[%get3A_205] {strides = array<i32>} : memref<528xi32, #tpu.memory_space<vmem>>, vector<16xi32>,
      %shift_right_logical3A_207 = arith.constant 2 : i32
      %shift_right_logical3A_208 = vector.broadcast %shift_right_logical3A_207 : i32 to vector<16xi32>
      %shift_right_logical3A_209 = arith.shrui %get3A_206, %shift_right_logical3A_208 : vector<16xi32>
      %swap3A_210 = arith.constant 16 : index
      %swap3A_211 = tpu.vector_load %arg24[%swap3A_210] {strides = array<i32>} : memref<64xi32, #tpu.memory_space<vmem>>, vector<16xi32>,
      tpu.vector_store %arg24[%swap3A_210], %shift_right_logical3A_209 {strides = array<i32>} : memref<64xi32, #tpu.memory_space<vmem>>, vector<16xi32>,
      %add3A_212 = arith.constant 32 : i32
      %add3A_213 = arith.addi %mul3A_15, %add3A_212 : i32
      %get3A_214 = arith.index_cast %add3A_213 : i32 to index
      %get3A_215 = tpu.vector_load %arg18[%get3A_214] {strides = array<i32>} : memref<528xi32, #tpu.memory_space<vmem>>, vector<16xi32>,
      %shift_right_logical3A_216 = arith.constant 2 : i32
      %shift_right_logical3A_217 = vector.broadcast %shift_right_logical3A_216 : i32 to vector<16xi32>
      %shift_right_logical3A_218 = arith.shrui %get3A_215, %shift_right_logical3A_217 : vector<16xi32>
      %swap3A_219 = arith.constant 32 : index
      %swap3A_220 = tpu.vector_load %arg24[%swap3A_219] {strides = array<i32>} : memref<64xi32, #tpu.memory_space<vmem>>, vector<16xi32>,
      tpu.vector_store %arg24[%swap3A_219], %shift_right_logical3A_218 {strides = array<i32>} : memref<64xi32, #tpu.memory_space<vmem>>, vector<16xi32>,
      %add3A_221 = arith.constant 48 : i32
      %add3A_222 = arith.addi %mul3A_15, %add3A_221 : i32
      %get3A_223 = arith.index_cast %add3A_222 : i32 to index
      %get3A_224 = tpu.vector_load %arg18[%get3A_223] {strides = array<i32>} : memref<528xi32, #tpu.memory_space<vmem>>, vector<16xi32>,
      %shift_right_logical3A_225 = arith.constant 2 : i32
      %shift_right_logical3A_226 = vector.broadcast %shift_right_logical3A_225 : i32 to vector<16xi32>
      %shift_right_logical3A_227 = arith.shrui %get3A_224, %shift_right_logical3A_226 : vector<16xi32>
      %swap3A_228 = arith.constant 48 : index
      %swap3A_229 = tpu.vector_load %arg24[%swap3A_228] {strides = array<i32>} : memref<64xi32, #tpu.memory_space<vmem>>, vector<16xi32>,
      tpu.vector_store %arg24[%swap3A_228], %shift_right_logical3A_227 {strides = array<i32>} : memref<64xi32, #tpu.memory_space<vmem>>, vector<16xi32>,
      %dma_start3A = tpu.memref_slice %arg13[%mul3A_15] : memref<528xi32, #tpu.memory_space<vmem>> -> memref<64xi32, #tpu.memory_space<vmem>>
      %dma_start3A_230 = arith.constant 0 : i32
      %dma_start3A_231 = arith.constant 0 : i32
      %dma_start3A_232 = tpu.memref_slice %arg8[%dma_start3A_230, %dma_start3A_231] : memref<1000000x150xf32, #tpu.memory_space<hbm>> -> memref<1000000x128xf32, #tpu.memory_space<hbm>>
      %dma_start3A_233 = arith.constant 0 : i32
      %dma_start3A_234 = arith.constant 0 : i32
      %dma_start3A_235 = tpu.memref_slice %dma_start3A_232[%dma_start3A_233, %dma_start3A_234] : memref<1000000x128xf32, #tpu.memory_space<hbm>> -> memref<1000000x128xf32, #tpu.memory_space<hbm>>
      tpu.enqueue_indirect_dma source(%dma_start3A_235 : memref<1000000x128xf32, #tpu.memory_space<hbm>>) target(%arg25 : memref<64x128xf32, #tpu.memory_space<vmem>>) offsets(%dma_start3A : memref<64xi32, #tpu.memory_space<vmem>>) semaphore(%arg38 : memref<!tpu.dma_semaphore, #tpu.memory_space<semaphore_mem>>)
      %dma_start3A_236 = arith.constant 0 : i32
      %dma_start3A_237 = arith.constant 0 : i32
      %dma_start3A_238 = tpu.memref_slice %arg10[%dma_start3A_236, %dma_start3A_237] : memref<250000x128xf32, #tpu.memory_space<hbm>> -> memref<250000x128xf32, #tpu.memory_space<hbm>>
      tpu.enqueue_indirect_dma source(%dma_start3A_238 : memref<250000x128xf32, #tpu.memory_space<hbm>>) target(%arg31 : memref<64x128xf32, #tpu.memory_space<vmem>>) offsets(%arg19 : memref<64xi32, #tpu.memory_space<vmem>>) semaphore(%arg38 : memref<!tpu.dma_semaphore, #tpu.memory_space<semaphore_mem>>)
      %dma_start3A_239 = tpu.memref_slice %arg14[%mul3A_15] : memref<528xi32, #tpu.memory_space<vmem>> -> memref<64xi32, #tpu.memory_space<vmem>>
      %dma_start3A_240 = arith.constant 0 : i32
      %dma_start3A_241 = arith.constant 0 : i32
      %dma_start3A_242 = tpu.memref_slice %arg9[%dma_start3A_240, %dma_start3A_241] : memref<1000x150xf32, #tpu.memory_space<hbm>> -> memref<1000x128xf32, #tpu.memory_space<hbm>>
      %dma_start3A_243 = arith.constant 0 : i32
      %dma_start3A_244 = arith.constant 0 : i32
      %dma_start3A_245 = tpu.memref_slice %dma_start3A_242[%dma_start3A_243, %dma_start3A_244] : memref<1000x128xf32, #tpu.memory_space<hbm>> -> memref<1000x128xf32, #tpu.memory_space<hbm>>
      tpu.enqueue_indirect_dma source(%dma_start3A_245 : memref<1000x128xf32, #tpu.memory_space<hbm>>) target(%arg26 : memref<64x128xf32, #tpu.memory_space<vmem>>) offsets(%dma_start3A_239 : memref<64xi32, #tpu.memory_space<vmem>>) semaphore(%arg38 : memref<!tpu.dma_semaphore, #tpu.memory_space<semaphore_mem>>)
      %dma_start3A_246 = arith.constant 0 : i32
      %dma_start3A_247 = arith.constant 0 : i32
      %dma_start3A_248 = tpu.memref_slice %arg11[%dma_start3A_246, %dma_start3A_247] : memref<250x128xf32, #tpu.memory_space<hbm>> -> memref<250x128xf32, #tpu.memory_space<hbm>>
      tpu.enqueue_indirect_dma source(%dma_start3A_248 : memref<250x128xf32, #tpu.memory_space<hbm>>) target(%arg32 : memref<64x128xf32, #tpu.memory_space<vmem>>) offsets(%arg20 : memref<64xi32, #tpu.memory_space<vmem>>) semaphore(%arg38 : memref<!tpu.dma_semaphore, #tpu.memory_space<semaphore_mem>>)
      %dma_start3A_249 = tpu.memref_slice %arg15[%mul3A_15] : memref<528xi32, #tpu.memory_space<vmem>> -> memref<64xi32, #tpu.memory_space<vmem>>
      %dma_start3A_250 = arith.constant 0 : i32
      %dma_start3A_251 = arith.constant 0 : i32
      %dma_start3A_252 = tpu.memref_slice %arg8[%dma_start3A_250, %dma_start3A_251] : memref<1000000x150xf32, #tpu.memory_space<hbm>> -> memref<1000000x128xf32, #tpu.memory_space<hbm>>
      %dma_start3A_253 = arith.constant 0 : i32
      %dma_start3A_254 = arith.constant 0 : i32
      %dma_start3A_255 = tpu.memref_slice %dma_start3A_252[%dma_start3A_253, %dma_start3A_254] : memref<1000000x128xf32, #tpu.memory_space<hbm>> -> memref<1000000x128xf32, #tpu.memory_space<hbm>>
      tpu.enqueue_indirect_dma source(%dma_start3A_255 : memref<1000000x128xf32, #tpu.memory_space<hbm>>) target(%arg27 : memref<64x128xf32, #tpu.memory_space<vmem>>) offsets(%dma_start3A_249 : memref<64xi32, #tpu.memory_space<vmem>>) semaphore(%arg38 : memref<!tpu.dma_semaphore, #tpu.memory_space<semaphore_mem>>)
      %dma_start3A_256 = arith.constant 0 : i32
      %dma_start3A_257 = arith.constant 0 : i32
      %dma_start3A_258 = tpu.memref_slice %arg10[%dma_start3A_256, %dma_start3A_257] : memref<250000x128xf32, #tpu.memory_space<hbm>> -> memref<250000x128xf32, #tpu.memory_space<hbm>>
      tpu.enqueue_indirect_dma source(%dma_start3A_258 : memref<250000x128xf32, #tpu.memory_space<hbm>>) target(%arg33 : memref<64x128xf32, #tpu.memory_space<vmem>>) offsets(%arg21 : memref<64xi32, #tpu.memory_space<vmem>>) semaphore(%arg38 : memref<!tpu.dma_semaphore, #tpu.memory_space<semaphore_mem>>)
      %dma_start3A_259 = tpu.memref_slice %arg16[%mul3A_15] : memref<528xi32, #tpu.memory_space<vmem>> -> memref<64xi32, #tpu.memory_space<vmem>>
      %dma_start3A_260 = arith.constant 0 : i32
      %dma_start3A_261 = arith.constant 0 : i32
      %dma_start3A_262 = tpu.memref_slice %arg8[%dma_start3A_260, %dma_start3A_261] : memref<1000000x150xf32, #tpu.memory_space<hbm>> -> memref<1000000x128xf32, #tpu.memory_space<hbm>>
      %dma_start3A_263 = arith.constant 0 : i32
      %dma_start3A_264 = arith.constant 0 : i32
      %dma_start3A_265 = tpu.memref_slice %dma_start3A_262[%dma_start3A_263, %dma_start3A_264] : memref<1000000x128xf32, #tpu.memory_space<hbm>> -> memref<1000000x128xf32, #tpu.memory_space<hbm>>
      tpu.enqueue_indirect_dma source(%dma_start3A_265 : memref<1000000x128xf32, #tpu.memory_space<hbm>>) target(%arg28 : memref<64x128xf32, #tpu.memory_space<vmem>>) offsets(%dma_start3A_259 : memref<64xi32, #tpu.memory_space<vmem>>) semaphore(%arg38 : memref<!tpu.dma_semaphore, #tpu.memory_space<semaphore_mem>>)
      %dma_start3A_266 = arith.constant 0 : i32
      %dma_start3A_267 = arith.constant 0 : i32
      %dma_start3A_268 = tpu.memref_slice %arg10[%dma_start3A_266, %dma_start3A_267] : memref<250000x128xf32, #tpu.memory_space<hbm>> -> memref<250000x128xf32, #tpu.memory_space<hbm>>
      tpu.enqueue_indirect_dma source(%dma_start3A_268 : memref<250000x128xf32, #tpu.memory_space<hbm>>) target(%arg34 : memref<64x128xf32, #tpu.memory_space<vmem>>) offsets(%arg22 : memref<64xi32, #tpu.memory_space<vmem>>) semaphore(%arg38 : memref<!tpu.dma_semaphore, #tpu.memory_space<semaphore_mem>>)
      %dma_start3A_269 = tpu.memref_slice %arg17[%mul3A_15] : memref<528xi32, #tpu.memory_space<vmem>> -> memref<64xi32, #tpu.memory_space<vmem>>
      %dma_start3A_270 = arith.constant 0 : i32
      %dma_start3A_271 = arith.constant 0 : i32
      %dma_start3A_272 = tpu.memref_slice %arg9[%dma_start3A_270, %dma_start3A_271] : memref<1000x150xf32, #tpu.memory_space<hbm>> -> memref<1000x128xf32, #tpu.memory_space<hbm>>
      %dma_start3A_273 = arith.constant 0 : i32
      %dma_start3A_274 = arith.constant 0 : i32
      %dma_start3A_275 = tpu.memref_slice %dma_start3A_272[%dma_start3A_273, %dma_start3A_274] : memref<1000x128xf32, #tpu.memory_space<hbm>> -> memref<1000x128xf32, #tpu.memory_space<hbm>>
      tpu.enqueue_indirect_dma source(%dma_start3A_275 : memref<1000x128xf32, #tpu.memory_space<hbm>>) target(%arg29 : memref<64x128xf32, #tpu.memory_space<vmem>>) offsets(%dma_start3A_269 : memref<64xi32, #tpu.memory_space<vmem>>) semaphore(%arg38 : memref<!tpu.dma_semaphore, #tpu.memory_space<semaphore_mem>>)
      %dma_start3A_276 = arith.constant 0 : i32
      %dma_start3A_277 = arith.constant 0 : i32
      %dma_start3A_278 = tpu.memref_slice %arg11[%dma_start3A_276, %dma_start3A_277] : memref<250x128xf32, #tpu.memory_space<hbm>> -> memref<250x128xf32, #tpu.memory_space<hbm>>
      tpu.enqueue_indirect_dma source(%dma_start3A_278 : memref<250x128xf32, #tpu.memory_space<hbm>>) target(%arg35 : memref<64x128xf32, #tpu.memory_space<vmem>>) offsets(%arg23 : memref<64xi32, #tpu.memory_space<vmem>>) semaphore(%arg38 : memref<!tpu.dma_semaphore, #tpu.memory_space<semaphore_mem>>)
      %dma_start3A_279 = tpu.memref_slice %arg18[%mul3A_15] : memref<528xi32, #tpu.memory_space<vmem>> -> memref<64xi32, #tpu.memory_space<vmem>>
      %dma_start3A_280 = arith.constant 0 : i32
      %dma_start3A_281 = arith.constant 0 : i32
      %dma_start3A_282 = tpu.memref_slice %arg8[%dma_start3A_280, %dma_start3A_281] : memref<1000000x150xf32, #tpu.memory_space<hbm>> -> memref<1000000x128xf32, #tpu.memory_space<hbm>>
      %dma_start3A_283 = arith.constant 0 : i32
      %dma_start3A_284 = arith.constant 0 : i32
      %dma_start3A_285 = tpu.memref_slice %dma_start3A_282[%dma_start3A_283, %dma_start3A_284] : memref<1000000x128xf32, #tpu.memory_space<hbm>> -> memref<1000000x128xf32, #tpu.memory_space<hbm>>
      tpu.enqueue_indirect_dma source(%dma_start3A_285 : memref<1000000x128xf32, #tpu.memory_space<hbm>>) target(%arg30 : memref<64x128xf32, #tpu.memory_space<vmem>>) offsets(%dma_start3A_279 : memref<64xi32, #tpu.memory_space<vmem>>) semaphore(%arg38 : memref<!tpu.dma_semaphore, #tpu.memory_space<semaphore_mem>>)
      %dma_start3A_286 = arith.constant 0 : i32
      %dma_start3A_287 = arith.constant 0 : i32
      %dma_start3A_288 = tpu.memref_slice %arg10[%dma_start3A_286, %dma_start3A_287] : memref<250000x128xf32, #tpu.memory_space<hbm>> -> memref<250000x128xf32, #tpu.memory_space<hbm>>
      tpu.enqueue_indirect_dma source(%dma_start3A_288 : memref<250000x128xf32, #tpu.memory_space<hbm>>) target(%arg36 : memref<64x128xf32, #tpu.memory_space<vmem>>) offsets(%arg24 : memref<64xi32, #tpu.memory_space<vmem>>) semaphore(%arg38 : memref<!tpu.dma_semaphore, #tpu.memory_space<semaphore_mem>>)
      %dma_wait3A = tpu.memref_slice %arg13[%mul3A_15] : memref<528xi32, #tpu.memory_space<vmem>> -> memref<64xi32, #tpu.memory_space<vmem>>
      %dma_wait3A_289 = arith.constant 0 : i32
      %dma_wait3A_290 = arith.constant 0 : i32
      %dma_wait3A_291 = tpu.memref_slice %arg8[%dma_wait3A_289, %dma_wait3A_290] : memref<1000000x150xf32, #tpu.memory_space<hbm>> -> memref<1000000x128xf32, #tpu.memory_space<hbm>>
      %dma_wait3A_292 = arith.constant 0 : i32
      %dma_wait3A_293 = arith.constant 0 : i32
      %dma_wait3A_294 = tpu.memref_slice %dma_wait3A_291[%dma_wait3A_292, %dma_wait3A_293] : memref<1000000x128xf32, #tpu.memory_space<hbm>> -> memref<1000000x128xf32, #tpu.memory_space<hbm>>
      tpu.wait_indirect_dma semaphore(%arg38 : memref<!tpu.dma_semaphore, #tpu.memory_space<semaphore_mem>>) src(%dma_wait3A_294 : memref<1000000x128xf32, #tpu.memory_space<hbm>>) dst(%arg25 : memref<64x128xf32, #tpu.memory_space<vmem>>)
      %dma_wait3A_295 = arith.constant 0 : i32
      %dma_wait3A_296 = arith.constant 0 : i32
      %dma_wait3A_297 = tpu.memref_slice %arg10[%dma_wait3A_295, %dma_wait3A_296] : memref<250000x128xf32, #tpu.memory_space<hbm>> -> memref<250000x128xf32, #tpu.memory_space<hbm>>
      tpu.wait_indirect_dma semaphore(%arg38 : memref<!tpu.dma_semaphore, #tpu.memory_space<semaphore_mem>>) src(%dma_wait3A_297 : memref<250000x128xf32, #tpu.memory_space<hbm>>) dst(%arg31 : memref<64x128xf32, #tpu.memory_space<vmem>>)
      %dma_wait3A_298 = tpu.memref_slice %arg14[%mul3A_15] : memref<528xi32, #tpu.memory_space<vmem>> -> memref<64xi32, #tpu.memory_space<vmem>>
      %dma_wait3A_299 = arith.constant 0 : i32
      %dma_wait3A_300 = arith.constant 0 : i32
      %dma_wait3A_301 = tpu.memref_slice %arg9[%dma_wait3A_299, %dma_wait3A_300] : memref<1000x150xf32, #tpu.memory_space<hbm>> -> memref<1000x128xf32, #tpu.memory_space<hbm>>
      %dma_wait3A_302 = arith.constant 0 : i32
      %dma_wait3A_303 = arith.constant 0 : i32
      %dma_wait3A_304 = tpu.memref_slice %dma_wait3A_301[%dma_wait3A_302, %dma_wait3A_303] : memref<1000x128xf32, #tpu.memory_space<hbm>> -> memref<1000x128xf32, #tpu.memory_space<hbm>>
      tpu.wait_indirect_dma semaphore(%arg38 : memref<!tpu.dma_semaphore, #tpu.memory_space<semaphore_mem>>) src(%dma_wait3A_304 : memref<1000x128xf32, #tpu.memory_space<hbm>>) dst(%arg26 : memref<64x128xf32, #tpu.memory_space<vmem>>)
      %dma_wait3A_305 = arith.constant 0 : i32
      %dma_wait3A_306 = arith.constant 0 : i32
      %dma_wait3A_307 = tpu.memref_slice %arg11[%dma_wait3A_305, %dma_wait3A_306] : memref<250x128xf32, #tpu.memory_space<hbm>> -> memref<250x128xf32, #tpu.memory_space<hbm>>
      tpu.wait_indirect_dma semaphore(%arg38 : memref<!tpu.dma_semaphore, #tpu.memory_space<semaphore_mem>>) src(%dma_wait3A_307 : memref<250x128xf32, #tpu.memory_space<hbm>>) dst(%arg32 : memref<64x128xf32, #tpu.memory_space<vmem>>)
      %dma_wait3A_308 = tpu.memref_slice %arg15[%mul3A_15] : memref<528xi32, #tpu.memory_space<vmem>> -> memref<64xi32, #tpu.memory_space<vmem>>
      %dma_wait3A_309 = arith.constant 0 : i32
      %dma_wait3A_310 = arith.constant 0 : i32
      %dma_wait3A_311 = tpu.memref_slice %arg8[%dma_wait3A_309, %dma_wait3A_310] : memref<1000000x150xf32, #tpu.memory_space<hbm>> -> memref<1000000x128xf32, #tpu.memory_space<hbm>>
      %dma_wait3A_312 = arith.constant 0 : i32
      %dma_wait3A_313 = arith.constant 0 : i32
      %dma_wait3A_314 = tpu.memref_slice %dma_wait3A_311[%dma_wait3A_312, %dma_wait3A_313] : memref<1000000x128xf32, #tpu.memory_space<hbm>> -> memref<1000000x128xf32, #tpu.memory_space<hbm>>
      tpu.wait_indirect_dma semaphore(%arg38 : memref<!tpu.dma_semaphore, #tpu.memory_space<semaphore_mem>>) src(%dma_wait3A_314 : memref<1000000x128xf32, #tpu.memory_space<hbm>>) dst(%arg27 : memref<64x128xf32, #tpu.memory_space<vmem>>)
      %dma_wait3A_315 = arith.constant 0 : i32
      %dma_wait3A_316 = arith.constant 0 : i32
      %dma_wait3A_317 = tpu.memref_slice %arg10[%dma_wait3A_315, %dma_wait3A_316] : memref<250000x128xf32, #tpu.memory_space<hbm>> -> memref<250000x128xf32, #tpu.memory_space<hbm>>
      tpu.wait_indirect_dma semaphore(%arg38 : memref<!tpu.dma_semaphore, #tpu.memory_space<semaphore_mem>>) src(%dma_wait3A_317 : memref<250000x128xf32, #tpu.memory_space<hbm>>) dst(%arg33 : memref<64x128xf32, #tpu.memory_space<vmem>>)
      %dma_wait3A_318 = tpu.memref_slice %arg16[%mul3A_15] : memref<528xi32, #tpu.memory_space<vmem>> -> memref<64xi32, #tpu.memory_space<vmem>>
      %dma_wait3A_319 = arith.constant 0 : i32
      %dma_wait3A_320 = arith.constant 0 : i32
      %dma_wait3A_321 = tpu.memref_slice %arg8[%dma_wait3A_319, %dma_wait3A_320] : memref<1000000x150xf32, #tpu.memory_space<hbm>> -> memref<1000000x128xf32, #tpu.memory_space<hbm>>
      %dma_wait3A_322 = arith.constant 0 : i32
      %dma_wait3A_323 = arith.constant 0 : i32
      %dma_wait3A_324 = tpu.memref_slice %dma_wait3A_321[%dma_wait3A_322, %dma_wait3A_323] : memref<1000000x128xf32, #tpu.memory_space<hbm>> -> memref<1000000x128xf32, #tpu.memory_space<hbm>>
      tpu.wait_indirect_dma semaphore(%arg38 : memref<!tpu.dma_semaphore, #tpu.memory_space<semaphore_mem>>) src(%dma_wait3A_324 : memref<1000000x128xf32, #tpu.memory_space<hbm>>) dst(%arg28 : memref<64x128xf32, #tpu.memory_space<vmem>>)
      %dma_wait3A_325 = arith.constant 0 : i32
      %dma_wait3A_326 = arith.constant 0 : i32
      %dma_wait3A_327 = tpu.memref_slice %arg10[%dma_wait3A_325, %dma_wait3A_326] : memref<250000x128xf32, #tpu.memory_space<hbm>> -> memref<250000x128xf32, #tpu.memory_space<hbm>>
      tpu.wait_indirect_dma semaphore(%arg38 : memref<!tpu.dma_semaphore, #tpu.memory_space<semaphore_mem>>) src(%dma_wait3A_327 : memref<250000x128xf32, #tpu.memory_space<hbm>>) dst(%arg34 : memref<64x128xf32, #tpu.memory_space<vmem>>)
      %dma_wait3A_328 = tpu.memref_slice %arg17[%mul3A_15] : memref<528xi32, #tpu.memory_space<vmem>> -> memref<64xi32, #tpu.memory_space<vmem>>
      %dma_wait3A_329 = arith.constant 0 : i32
      %dma_wait3A_330 = arith.constant 0 : i32
      %dma_wait3A_331 = tpu.memref_slice %arg9[%dma_wait3A_329, %dma_wait3A_330] : memref<1000x150xf32, #tpu.memory_space<hbm>> -> memref<1000x128xf32, #tpu.memory_space<hbm>>
      %dma_wait3A_332 = arith.constant 0 : i32
      %dma_wait3A_333 = arith.constant 0 : i32
      %dma_wait3A_334 = tpu.memref_slice %dma_wait3A_331[%dma_wait3A_332, %dma_wait3A_333] : memref<1000x128xf32, #tpu.memory_space<hbm>> -> memref<1000x128xf32, #tpu.memory_space<hbm>>
      tpu.wait_indirect_dma semaphore(%arg38 : memref<!tpu.dma_semaphore, #tpu.memory_space<semaphore_mem>>) src(%dma_wait3A_334 : memref<1000x128xf32, #tpu.memory_space<hbm>>) dst(%arg29 : memref<64x128xf32, #tpu.memory_space<vmem>>)
      %dma_wait3A_335 = arith.constant 0 : i32
      %dma_wait3A_336 = arith.constant 0 : i32
      %dma_wait3A_337 = tpu.memref_slice %arg11[%dma_wait3A_335, %dma_wait3A_336] : memref<250x128xf32, #tpu.memory_space<hbm>> -> memref<250x128xf32, #tpu.memory_space<hbm>>
      tpu.wait_indirect_dma semaphore(%arg38 : memref<!tpu.dma_semaphore, #tpu.memory_space<semaphore_mem>>) src(%dma_wait3A_337 : memref<250x128xf32, #tpu.memory_space<hbm>>) dst(%arg35 : memref<64x128xf32, #tpu.memory_space<vmem>>)
      %dma_wait3A_338 = tpu.memref_slice %arg18[%mul3A_15] : memref<528xi32, #tpu.memory_space<vmem>> -> memref<64xi32, #tpu.memory_space<vmem>>
      %dma_wait3A_339 = arith.constant 0 : i32
      %dma_wait3A_340 = arith.constant 0 : i32
      %dma_wait3A_341 = tpu.memref_slice %arg8[%dma_wait3A_339, %dma_wait3A_340] : memref<1000000x150xf32, #tpu.memory_space<hbm>> -> memref<1000000x128xf32, #tpu.memory_space<hbm>>
      %dma_wait3A_342 = arith.constant 0 : i32
      %dma_wait3A_343 = arith.constant 0 : i32
      %dma_wait3A_344 = tpu.memref_slice %dma_wait3A_341[%dma_wait3A_342, %dma_wait3A_343] : memref<1000000x128xf32, #tpu.memory_space<hbm>> -> memref<1000000x128xf32, #tpu.memory_space<hbm>>
      tpu.wait_indirect_dma semaphore(%arg38 : memref<!tpu.dma_semaphore, #tpu.memory_space<semaphore_mem>>) src(%dma_wait3A_344 : memref<1000000x128xf32, #tpu.memory_space<hbm>>) dst(%arg30 : memref<64x128xf32, #tpu.memory_space<vmem>>)
      %dma_wait3A_345 = arith.constant 0 : i32
      %dma_wait3A_346 = arith.constant 0 : i32
      %dma_wait3A_347 = tpu.memref_slice %arg10[%dma_wait3A_345, %dma_wait3A_346] : memref<250000x128xf32, #tpu.memory_space<hbm>> -> memref<250000x128xf32, #tpu.memory_space<hbm>>
      tpu.wait_indirect_dma semaphore(%arg38 : memref<!tpu.dma_semaphore, #tpu.memory_space<semaphore_mem>>) src(%dma_wait3A_347 : memref<250000x128xf32, #tpu.memory_space<hbm>>) dst(%arg36 : memref<64x128xf32, #tpu.memory_space<vmem>>)
      %scan3A_348 = arith.constant 0 : i32
      %scan3A_349 = arith.constant 64 : i32
      %scan3A_350 = arith.addi %scan3A_348, %scan3A_349 : i32
      %scan3A_351 = arith.constant 1 : i32
      %scan3A_352 = scf.for %scan3A_354 = %scan3A_348 to %scan3A_350 step %scan3A_351 iter_args(%scan3A_355 = %scan3A_13) -> (vector<16xf32>)  : i32 {
        %add3A_356 = arith.addi %mul3A_15, %scan3A_354 : i32
        %get3A_357 = arith.index_cast %add3A_356 : i32 to index
        %get3A_358 = tpu.vector_load %arg13[%get3A_357] {strides = array<i32>} : memref<528xi32, #tpu.memory_space<vmem>>, vector<16xi32>,
        %slice3A = vector.extract_strided_slice %get3A_358 {offsets = [0], sizes = [1], strides = [1]} : vector<16xi32> to vector<1xi32>
        %squeeze3A = vector.extract %slice3A[0] : i32 from vector<1xi32>
        %and3A = arith.constant 3 : i32
        %and3A_359 = arith.andi %squeeze3A, %and3A : i32
        %mul3A_360 = arith.constant 22 : i32
        %mul3A_361 = arith.muli %and3A_359, %mul3A_360 : i32
        %add3A_362 = vector.broadcast %mul3A_361 : i32 to vector<16xi32>
        %add3A_363 = arith.addi %add3A_362, %iota3A : vector<16xi32>
        %broadcast_in_dim3A_364 = arith.constant 0 : i32
        %broadcast_in_dim3A_365 = vector.broadcast %broadcast_in_dim3A_364 : i32 to vector<16xi32>
        %add3A_366 = vector.broadcast %scan3A_354 : i32 to vector<16xi32>
        %add3A_367 = arith.addi %broadcast_in_dim3A_365, %add3A_366 : vector<16xi32>
        %get3A_368 = arith.index_cast %scan3A_354 : i32 to index
        %get3A_369 = arith.constant 0 : index
        %get3A_370 = tpu.vector_load %arg25[%get3A_368, %get3A_369] {strides = array<i32>} : memref<64x128xf32, #tpu.memory_space<vmem>>, vector<16xf32>,
        %get3A_371 = arith.index_cast %scan3A_354 : i32 to index
        %get3A_372 = arith.constant 16 : index
        %get3A_373 = tpu.vector_load %arg25[%get3A_371, %get3A_372] {strides = array<i32>} : memref<64x128xf32, #tpu.memory_space<vmem>>, vector<16xf32>,
        %get3A_374 = arith.index_cast %scan3A_354 : i32 to index
        %get3A_375 = arith.constant 32 : index
        %get3A_376 = tpu.vector_load %arg25[%get3A_374, %get3A_375] {strides = array<i32>} : memref<64x128xf32, #tpu.memory_space<vmem>>, vector<16xf32>,
        %get3A_377 = arith.index_cast %scan3A_354 : i32 to index
        %get3A_378 = arith.constant 48 : index
        %get3A_379 = tpu.vector_load %arg25[%get3A_377, %get3A_378] {strides = array<i32>} : memref<64x128xf32, #tpu.memory_space<vmem>>, vector<16xf32>,
        %get3A_380 = arith.index_cast %scan3A_354 : i32 to index
        %get3A_381 = arith.constant 64 : index
        %get3A_382 = tpu.vector_load %arg25[%get3A_380, %get3A_381] {strides = array<i32>} : memref<64x128xf32, #tpu.memory_space<vmem>>, vector<16xf32>,
        %get3A_383 = arith.index_cast %scan3A_354 : i32 to index
        %get3A_384 = arith.constant 80 : index
        %get3A_385 = tpu.vector_load %arg25[%get3A_383, %get3A_384] {strides = array<i32>} : memref<64x128xf32, #tpu.memory_space<vmem>>, vector<16xf32>,
        %get3A_386 = arith.index_cast %scan3A_354 : i32 to index
        %get3A_387 = arith.constant 96 : index
        %get3A_388 = tpu.vector_load %arg25[%get3A_386, %get3A_387] {strides = array<i32>} : memref<64x128xf32, #tpu.memory_space<vmem>>, vector<16xf32>,
        %get3A_389 = arith.index_cast %scan3A_354 : i32 to index
        %get3A_390 = arith.constant 112 : index
        %get3A_391 = tpu.vector_load %arg25[%get3A_389, %get3A_390] {strides = array<i32>} : memref<64x128xf32, #tpu.memory_space<vmem>>, vector<16xf32>,
        %gather3A = tpu.vector_load_idx %arg31[%add3A_367, %add3A_363] : memref<64x128xf32, #tpu.memory_space<vmem>>[vector<16xi32>, vector<16xi32>], vector<16xf32>,
        %add3A_392 = arith.constant 16 : i32
        %add3A_393 = vector.broadcast %add3A_392 : i32 to vector<16xi32>
        %add3A_394 = arith.addi %add3A_363, %add3A_393 : vector<16xi32>
        %gather3A_395 = tpu.vector_load_idx %arg31[%add3A_367, %add3A_394] : memref<64x128xf32, #tpu.memory_space<vmem>>[vector<16xi32>, vector<16xi32>], vector<16xf32>,
        %get3A_396 = arith.index_cast %add3A_356 : i32 to index
        %get3A_397 = tpu.vector_load %arg14[%get3A_396] {strides = array<i32>} : memref<528xi32, #tpu.memory_space<vmem>>, vector<16xi32>,
        %slice3A_398 = vector.extract_strided_slice %get3A_397 {offsets = [0], sizes = [1], strides = [1]} : vector<16xi32> to vector<1xi32>
        %squeeze3A_399 = vector.extract %slice3A_398[0] : i32 from vector<1xi32>
        %and3A_400 = arith.constant 3 : i32
        %and3A_401 = arith.andi %squeeze3A_399, %and3A_400 : i32
        %mul3A_402 = arith.constant 22 : i32
        %mul3A_403 = arith.muli %and3A_401, %mul3A_402 : i32
        %add3A_404 = vector.broadcast %mul3A_403 : i32 to vector<16xi32>
        %add3A_405 = arith.addi %add3A_404, %iota3A : vector<16xi32>
        %broadcast_in_dim3A_406 = arith.constant 0 : i32
        %broadcast_in_dim3A_407 = vector.broadcast %broadcast_in_dim3A_406 : i32 to vector<16xi32>
        %add3A_408 = vector.broadcast %scan3A_354 : i32 to vector<16xi32>
        %add3A_409 = arith.addi %broadcast_in_dim3A_407, %add3A_408 : vector<16xi32>
        %get3A_410 = arith.index_cast %scan3A_354 : i32 to index
        %get3A_411 = arith.constant 0 : index
        %get3A_412 = tpu.vector_load %arg26[%get3A_410, %get3A_411] {strides = array<i32>} : memref<64x128xf32, #tpu.memory_space<vmem>>, vector<16xf32>,
        %get3A_413 = arith.index_cast %scan3A_354 : i32 to index
        %get3A_414 = arith.constant 16 : index
        %get3A_415 = tpu.vector_load %arg26[%get3A_413, %get3A_414] {strides = array<i32>} : memref<64x128xf32, #tpu.memory_space<vmem>>, vector<16xf32>,
        %get3A_416 = arith.index_cast %scan3A_354 : i32 to index
        %get3A_417 = arith.constant 32 : index
        %get3A_418 = tpu.vector_load %arg26[%get3A_416, %get3A_417] {strides = array<i32>} : memref<64x128xf32, #tpu.memory_space<vmem>>, vector<16xf32>,
        %get3A_419 = arith.index_cast %scan3A_354 : i32 to index
        %get3A_420 = arith.constant 48 : index
        %get3A_421 = tpu.vector_load %arg26[%get3A_419, %get3A_420] {strides = array<i32>} : memref<64x128xf32, #tpu.memory_space<vmem>>, vector<16xf32>,
        %get3A_422 = arith.index_cast %scan3A_354 : i32 to index
        %get3A_423 = arith.constant 64 : index
        %get3A_424 = tpu.vector_load %arg26[%get3A_422, %get3A_423] {strides = array<i32>} : memref<64x128xf32, #tpu.memory_space<vmem>>, vector<16xf32>,
        %get3A_425 = arith.index_cast %scan3A_354 : i32 to index
        %get3A_426 = arith.constant 80 : index
        %get3A_427 = tpu.vector_load %arg26[%get3A_425, %get3A_426] {strides = array<i32>} : memref<64x128xf32, #tpu.memory_space<vmem>>, vector<16xf32>,
        %get3A_428 = arith.index_cast %scan3A_354 : i32 to index
        %get3A_429 = arith.constant 96 : index
        %get3A_430 = tpu.vector_load %arg26[%get3A_428, %get3A_429] {strides = array<i32>} : memref<64x128xf32, #tpu.memory_space<vmem>>, vector<16xf32>,
        %get3A_431 = arith.index_cast %scan3A_354 : i32 to index
        %get3A_432 = arith.constant 112 : index
        %get3A_433 = tpu.vector_load %arg26[%get3A_431, %get3A_432] {strides = array<i32>} : memref<64x128xf32, #tpu.memory_space<vmem>>, vector<16xf32>,
        %gather3A_434 = tpu.vector_load_idx %arg32[%add3A_409, %add3A_405] : memref<64x128xf32, #tpu.memory_space<vmem>>[vector<16xi32>, vector<16xi32>], vector<16xf32>,
        %add3A_435 = arith.constant 16 : i32
        %add3A_436 = vector.broadcast %add3A_435 : i32 to vector<16xi32>
        %add3A_437 = arith.addi %add3A_405, %add3A_436 : vector<16xi32>
        %gather3A_438 = tpu.vector_load_idx %arg32[%add3A_409, %add3A_437] : memref<64x128xf32, #tpu.memory_space<vmem>>[vector<16xi32>, vector<16xi32>], vector<16xf32>,
        %get3A_439 = arith.index_cast %add3A_356 : i32 to index
        %get3A_440 = tpu.vector_load %arg15[%get3A_439] {strides = array<i32>} : memref<528xi32, #tpu.memory_space<vmem>>, vector<16xi32>,
        %slice3A_441 = vector.extract_strided_slice %get3A_440 {offsets = [0], sizes = [1], strides = [1]} : vector<16xi32> to vector<1xi32>
        %squeeze3A_442 = vector.extract %slice3A_441[0] : i32 from vector<1xi32>
        %and3A_443 = arith.constant 3 : i32
        %and3A_444 = arith.andi %squeeze3A_442, %and3A_443 : i32
        %mul3A_445 = arith.constant 22 : i32
        %mul3A_446 = arith.muli %and3A_444, %mul3A_445 : i32
        %add3A_447 = vector.broadcast %mul3A_446 : i32 to vector<16xi32>
        %add3A_448 = arith.addi %add3A_447, %iota3A : vector<16xi32>
        %broadcast_in_dim3A_449 = arith.constant 0 : i32
        %broadcast_in_dim3A_450 = vector.broadcast %broadcast_in_dim3A_449 : i32 to vector<16xi32>
        %add3A_451 = vector.broadcast %scan3A_354 : i32 to vector<16xi32>
        %add3A_452 = arith.addi %broadcast_in_dim3A_450, %add3A_451 : vector<16xi32>
        %get3A_453 = arith.index_cast %scan3A_354 : i32 to index
        %get3A_454 = arith.constant 0 : index
        %get3A_455 = tpu.vector_load %arg27[%get3A_453, %get3A_454] {strides = array<i32>} : memref<64x128xf32, #tpu.memory_space<vmem>>, vector<16xf32>,
        %get3A_456 = arith.index_cast %scan3A_354 : i32 to index
        %get3A_457 = arith.constant 16 : index
        %get3A_458 = tpu.vector_load %arg27[%get3A_456, %get3A_457] {strides = array<i32>} : memref<64x128xf32, #tpu.memory_space<vmem>>, vector<16xf32>,
        %get3A_459 = arith.index_cast %scan3A_354 : i32 to index
        %get3A_460 = arith.constant 32 : index
        %get3A_461 = tpu.vector_load %arg27[%get3A_459, %get3A_460] {strides = array<i32>} : memref<64x128xf32, #tpu.memory_space<vmem>>, vector<16xf32>,
        %get3A_462 = arith.index_cast %scan3A_354 : i32 to index
        %get3A_463 = arith.constant 48 : index
        %get3A_464 = tpu.vector_load %arg27[%get3A_462, %get3A_463] {strides = array<i32>} : memref<64x128xf32, #tpu.memory_space<vmem>>, vector<16xf32>,
        %get3A_465 = arith.index_cast %scan3A_354 : i32 to index
        %get3A_466 = arith.constant 64 : index
        %get3A_467 = tpu.vector_load %arg27[%get3A_465, %get3A_466] {strides = array<i32>} : memref<64x128xf32, #tpu.memory_space<vmem>>, vector<16xf32>,
        %get3A_468 = arith.index_cast %scan3A_354 : i32 to index
        %get3A_469 = arith.constant 80 : index
        %get3A_470 = tpu.vector_load %arg27[%get3A_468, %get3A_469] {strides = array<i32>} : memref<64x128xf32, #tpu.memory_space<vmem>>, vector<16xf32>,
        %get3A_471 = arith.index_cast %scan3A_354 : i32 to index
        %get3A_472 = arith.constant 96 : index
        %get3A_473 = tpu.vector_load %arg27[%get3A_471, %get3A_472] {strides = array<i32>} : memref<64x128xf32, #tpu.memory_space<vmem>>, vector<16xf32>,
        %get3A_474 = arith.index_cast %scan3A_354 : i32 to index
        %get3A_475 = arith.constant 112 : index
        %get3A_476 = tpu.vector_load %arg27[%get3A_474, %get3A_475] {strides = array<i32>} : memref<64x128xf32, #tpu.memory_space<vmem>>, vector<16xf32>,
        %gather3A_477 = tpu.vector_load_idx %arg33[%add3A_452, %add3A_448] : memref<64x128xf32, #tpu.memory_space<vmem>>[vector<16xi32>, vector<16xi32>], vector<16xf32>,
        %add3A_478 = arith.constant 16 : i32
        %add3A_479 = vector.broadcast %add3A_478 : i32 to vector<16xi32>
        %add3A_480 = arith.addi %add3A_448, %add3A_479 : vector<16xi32>
        %gather3A_481 = tpu.vector_load_idx %arg33[%add3A_452, %add3A_480] : memref<64x128xf32, #tpu.memory_space<vmem>>[vector<16xi32>, vector<16xi32>], vector<16xf32>,
        %get3A_482 = arith.index_cast %add3A_356 : i32 to index
        %get3A_483 = tpu.vector_load %arg16[%get3A_482] {strides = array<i32>} : memref<528xi32, #tpu.memory_space<vmem>>, vector<16xi32>,
        %slice3A_484 = vector.extract_strided_slice %get3A_483 {offsets = [0], sizes = [1], strides = [1]} : vector<16xi32> to vector<1xi32>
        %squeeze3A_485 = vector.extract %slice3A_484[0] : i32 from vector<1xi32>
        %and3A_486 = arith.constant 3 : i32
        %and3A_487 = arith.andi %squeeze3A_485, %and3A_486 : i32
        %mul3A_488 = arith.constant 22 : i32
        %mul3A_489 = arith.muli %and3A_487, %mul3A_488 : i32
        %add3A_490 = vector.broadcast %mul3A_489 : i32 to vector<16xi32>
        %add3A_491 = arith.addi %add3A_490, %iota3A : vector<16xi32>
        %broadcast_in_dim3A_492 = arith.constant 0 : i32
        %broadcast_in_dim3A_493 = vector.broadcast %broadcast_in_dim3A_492 : i32 to vector<16xi32>
        %add3A_494 = vector.broadcast %scan3A_354 : i32 to vector<16xi32>
        %add3A_495 = arith.addi %broadcast_in_dim3A_493, %add3A_494 : vector<16xi32>
        %get3A_496 = arith.index_cast %scan3A_354 : i32 to index
        %get3A_497 = arith.constant 0 : index
        %get3A_498 = tpu.vector_load %arg28[%get3A_496, %get3A_497] {strides = array<i32>} : memref<64x128xf32, #tpu.memory_space<vmem>>, vector<16xf32>,
        %get3A_499 = arith.index_cast %scan3A_354 : i32 to index
        %get3A_500 = arith.constant 16 : index
        %get3A_501 = tpu.vector_load %arg28[%get3A_499, %get3A_500] {strides = array<i32>} : memref<64x128xf32, #tpu.memory_space<vmem>>, vector<16xf32>,
        %get3A_502 = arith.index_cast %scan3A_354 : i32 to index
        %get3A_503 = arith.constant 32 : index
        %get3A_504 = tpu.vector_load %arg28[%get3A_502, %get3A_503] {strides = array<i32>} : memref<64x128xf32, #tpu.memory_space<vmem>>, vector<16xf32>,
        %get3A_505 = arith.index_cast %scan3A_354 : i32 to index
        %get3A_506 = arith.constant 48 : index
        %get3A_507 = tpu.vector_load %arg28[%get3A_505, %get3A_506] {strides = array<i32>} : memref<64x128xf32, #tpu.memory_space<vmem>>, vector<16xf32>,
        %get3A_508 = arith.index_cast %scan3A_354 : i32 to index
        %get3A_509 = arith.constant 64 : index
        %get3A_510 = tpu.vector_load %arg28[%get3A_508, %get3A_509] {strides = array<i32>} : memref<64x128xf32, #tpu.memory_space<vmem>>, vector<16xf32>,
        %get3A_511 = arith.index_cast %scan3A_354 : i32 to index
        %get3A_512 = arith.constant 80 : index
        %get3A_513 = tpu.vector_load %arg28[%get3A_511, %get3A_512] {strides = array<i32>} : memref<64x128xf32, #tpu.memory_space<vmem>>, vector<16xf32>,
        %get3A_514 = arith.index_cast %scan3A_354 : i32 to index
        %get3A_515 = arith.constant 96 : index
        %get3A_516 = tpu.vector_load %arg28[%get3A_514, %get3A_515] {strides = array<i32>} : memref<64x128xf32, #tpu.memory_space<vmem>>, vector<16xf32>,
        %get3A_517 = arith.index_cast %scan3A_354 : i32 to index
        %get3A_518 = arith.constant 112 : index
        %get3A_519 = tpu.vector_load %arg28[%get3A_517, %get3A_518] {strides = array<i32>} : memref<64x128xf32, #tpu.memory_space<vmem>>, vector<16xf32>,
        %gather3A_520 = tpu.vector_load_idx %arg34[%add3A_495, %add3A_491] : memref<64x128xf32, #tpu.memory_space<vmem>>[vector<16xi32>, vector<16xi32>], vector<16xf32>,
        %add3A_521 = arith.constant 16 : i32
        %add3A_522 = vector.broadcast %add3A_521 : i32 to vector<16xi32>
        %add3A_523 = arith.addi %add3A_491, %add3A_522 : vector<16xi32>
        %gather3A_524 = tpu.vector_load_idx %arg34[%add3A_495, %add3A_523] : memref<64x128xf32, #tpu.memory_space<vmem>>[vector<16xi32>, vector<16xi32>], vector<16xf32>,
        %get3A_525 = arith.index_cast %add3A_356 : i32 to index
        %get3A_526 = tpu.vector_load %arg17[%get3A_525] {strides = array<i32>} : memref<528xi32, #tpu.memory_space<vmem>>, vector<16xi32>,
        %slice3A_527 = vector.extract_strided_slice %get3A_526 {offsets = [0], sizes = [1], strides = [1]} : vector<16xi32> to vector<1xi32>
        %squeeze3A_528 = vector.extract %slice3A_527[0] : i32 from vector<1xi32>
        %and3A_529 = arith.constant 3 : i32
        %and3A_530 = arith.andi %squeeze3A_528, %and3A_529 : i32
        %mul3A_531 = arith.constant 22 : i32
        %mul3A_532 = arith.muli %and3A_530, %mul3A_531 : i32
        %add3A_533 = vector.broadcast %mul3A_532 : i32 to vector<16xi32>
        %add3A_534 = arith.addi %add3A_533, %iota3A : vector<16xi32>
        %broadcast_in_dim3A_535 = arith.constant 0 : i32
        %broadcast_in_dim3A_536 = vector.broadcast %broadcast_in_dim3A_535 : i32 to vector<16xi32>
        %add3A_537 = vector.broadcast %scan3A_354 : i32 to vector<16xi32>
        %add3A_538 = arith.addi %broadcast_in_dim3A_536, %add3A_537 : vector<16xi32>
        %get3A_539 = arith.index_cast %scan3A_354 : i32 to index
        %get3A_540 = arith.constant 0 : index
        %get3A_541 = tpu.vector_load %arg29[%get3A_539, %get3A_540] {strides = array<i32>} : memref<64x128xf32, #tpu.memory_space<vmem>>, vector<16xf32>,
        %get3A_542 = arith.index_cast %scan3A_354 : i32 to index
        %get3A_543 = arith.constant 16 : index
        %get3A_544 = tpu.vector_load %arg29[%get3A_542, %get3A_543] {strides = array<i32>} : memref<64x128xf32, #tpu.memory_space<vmem>>, vector<16xf32>,
        %get3A_545 = arith.index_cast %scan3A_354 : i32 to index
        %get3A_546 = arith.constant 32 : index
        %get3A_547 = tpu.vector_load %arg29[%get3A_545, %get3A_546] {strides = array<i32>} : memref<64x128xf32, #tpu.memory_space<vmem>>, vector<16xf32>,
        %get3A_548 = arith.index_cast %scan3A_354 : i32 to index
        %get3A_549 = arith.constant 48 : index
        %get3A_550 = tpu.vector_load %arg29[%get3A_548, %get3A_549] {strides = array<i32>} : memref<64x128xf32, #tpu.memory_space<vmem>>, vector<16xf32>,
        %get3A_551 = arith.index_cast %scan3A_354 : i32 to index
        %get3A_552 = arith.constant 64 : index
        %get3A_553 = tpu.vector_load %arg29[%get3A_551, %get3A_552] {strides = array<i32>} : memref<64x128xf32, #tpu.memory_space<vmem>>, vector<16xf32>,
        %get3A_554 = arith.index_cast %scan3A_354 : i32 to index
        %get3A_555 = arith.constant 80 : index
        %get3A_556 = tpu.vector_load %arg29[%get3A_554, %get3A_555] {strides = array<i32>} : memref<64x128xf32, #tpu.memory_space<vmem>>, vector<16xf32>,
        %get3A_557 = arith.index_cast %scan3A_354 : i32 to index
        %get3A_558 = arith.constant 96 : index
        %get3A_559 = tpu.vector_load %arg29[%get3A_557, %get3A_558] {strides = array<i32>} : memref<64x128xf32, #tpu.memory_space<vmem>>, vector<16xf32>,
        %get3A_560 = arith.index_cast %scan3A_354 : i32 to index
        %get3A_561 = arith.constant 112 : index
        %get3A_562 = tpu.vector_load %arg29[%get3A_560, %get3A_561] {strides = array<i32>} : memref<64x128xf32, #tpu.memory_space<vmem>>, vector<16xf32>,
        %gather3A_563 = tpu.vector_load_idx %arg35[%add3A_538, %add3A_534] : memref<64x128xf32, #tpu.memory_space<vmem>>[vector<16xi32>, vector<16xi32>], vector<16xf32>,
        %add3A_564 = arith.constant 16 : i32
        %add3A_565 = vector.broadcast %add3A_564 : i32 to vector<16xi32>
        %add3A_566 = arith.addi %add3A_534, %add3A_565 : vector<16xi32>
        %gather3A_567 = tpu.vector_load_idx %arg35[%add3A_538, %add3A_566] : memref<64x128xf32, #tpu.memory_space<vmem>>[vector<16xi32>, vector<16xi32>], vector<16xf32>,
        %get3A_568 = arith.index_cast %add3A_356 : i32 to index
        %get3A_569 = tpu.vector_load %arg18[%get3A_568] {strides = array<i32>} : memref<528xi32, #tpu.memory_space<vmem>>, vector<16xi32>,
        %slice3A_570 = vector.extract_strided_slice %get3A_569 {offsets = [0], sizes = [1], strides = [1]} : vector<16xi32> to vector<1xi32>
        %squeeze3A_571 = vector.extract %slice3A_570[0] : i32 from vector<1xi32>
        %and3A_572 = arith.constant 3 : i32
        %and3A_573 = arith.andi %squeeze3A_571, %and3A_572 : i32
        %mul3A_574 = arith.constant 22 : i32
        %mul3A_575 = arith.muli %and3A_573, %mul3A_574 : i32
        %add3A_576 = vector.broadcast %mul3A_575 : i32 to vector<16xi32>
        %add3A_577 = arith.addi %add3A_576, %iota3A : vector<16xi32>
        %broadcast_in_dim3A_578 = arith.constant 0 : i32
        %broadcast_in_dim3A_579 = vector.broadcast %broadcast_in_dim3A_578 : i32 to vector<16xi32>
        %add3A_580 = vector.broadcast %scan3A_354 : i32 to vector<16xi32>
        %add3A_581 = arith.addi %broadcast_in_dim3A_579, %add3A_580 : vector<16xi32>
        %get3A_582 = arith.index_cast %scan3A_354 : i32 to index
        %get3A_583 = arith.constant 0 : index
        %get3A_584 = tpu.vector_load %arg30[%get3A_582, %get3A_583] {strides = array<i32>} : memref<64x128xf32, #tpu.memory_space<vmem>>, vector<16xf32>,
        %get3A_585 = arith.index_cast %scan3A_354 : i32 to index
        %get3A_586 = arith.constant 16 : index
        %get3A_587 = tpu.vector_load %arg30[%get3A_585, %get3A_586] {strides = array<i32>} : memref<64x128xf32, #tpu.memory_space<vmem>>, vector<16xf32>,
        %get3A_588 = arith.index_cast %scan3A_354 : i32 to index
        %get3A_589 = arith.constant 32 : index
        %get3A_590 = tpu.vector_load %arg30[%get3A_588, %get3A_589] {strides = array<i32>} : memref<64x128xf32, #tpu.memory_space<vmem>>, vector<16xf32>,
        %get3A_591 = arith.index_cast %scan3A_354 : i32 to index
        %get3A_592 = arith.constant 48 : index
        %get3A_593 = tpu.vector_load %arg30[%get3A_591, %get3A_592] {strides = array<i32>} : memref<64x128xf32, #tpu.memory_space<vmem>>, vector<16xf32>,
        %get3A_594 = arith.index_cast %scan3A_354 : i32 to index
        %get3A_595 = arith.constant 64 : index
        %get3A_596 = tpu.vector_load %arg30[%get3A_594, %get3A_595] {strides = array<i32>} : memref<64x128xf32, #tpu.memory_space<vmem>>, vector<16xf32>,
        %get3A_597 = arith.index_cast %scan3A_354 : i32 to index
        %get3A_598 = arith.constant 80 : index
        %get3A_599 = tpu.vector_load %arg30[%get3A_597, %get3A_598] {strides = array<i32>} : memref<64x128xf32, #tpu.memory_space<vmem>>, vector<16xf32>,
        %get3A_600 = arith.index_cast %scan3A_354 : i32 to index
        %get3A_601 = arith.constant 96 : index
        %get3A_602 = tpu.vector_load %arg30[%get3A_600, %get3A_601] {strides = array<i32>} : memref<64x128xf32, #tpu.memory_space<vmem>>, vector<16xf32>,
        %get3A_603 = arith.index_cast %scan3A_354 : i32 to index
        %get3A_604 = arith.constant 112 : index
        %get3A_605 = tpu.vector_load %arg30[%get3A_603, %get3A_604] {strides = array<i32>} : memref<64x128xf32, #tpu.memory_space<vmem>>, vector<16xf32>,
        %gather3A_606 = tpu.vector_load_idx %arg36[%add3A_581, %add3A_577] : memref<64x128xf32, #tpu.memory_space<vmem>>[vector<16xi32>, vector<16xi32>], vector<16xf32>,
        %add3A_607 = arith.constant 16 : i32
        %add3A_608 = vector.broadcast %add3A_607 : i32 to vector<16xi32>
        %add3A_609 = arith.addi %add3A_577, %add3A_608 : vector<16xi32>
        %gather3A_610 = tpu.vector_load_idx %arg36[%add3A_581, %add3A_609] : memref<64x128xf32, #tpu.memory_space<vmem>>[vector<16xi32>, vector<16xi32>], vector<16xf32>,
        %broadcast_in_dim3A_611 = arith.constant 0.000000e+00 : f32
        %broadcast_in_dim3A_612 = vector.broadcast %broadcast_in_dim3A_611 : f32 to vector<16xf32>
        %add3A_613 = arith.addf %get3A_370, %get3A_412 : vector<16xf32>
        %sub3A = arith.subf %add3A_613, %get3A_455 : vector<16xf32>
        %add3A_614 = arith.addf %get3A_498, %get3A_541 : vector<16xf32>
        %sub3A_615 = arith.subf %add3A_614, %get3A_584 : vector<16xf32>
        %abs3A = math.absf %sub3A : vector<16xf32>
        %abs3A_616 = math.absf %sub3A_615 : vector<16xf32>
        %sub3A_617 = arith.subf %abs3A, %abs3A_616 : vector<16xf32>
        %add3A_618 = arith.addf %broadcast_in_dim3A_612, %sub3A_617 : vector<16xf32>
        %add3A_619 = arith.addf %get3A_373, %get3A_415 : vector<16xf32>
        %sub3A_620 = arith.subf %add3A_619, %get3A_458 : vector<16xf32>
        %add3A_621 = arith.addf %get3A_501, %get3A_544 : vector<16xf32>
        %sub3A_622 = arith.subf %add3A_621, %get3A_587 : vector<16xf32>
        %abs3A_623 = math.absf %sub3A_620 : vector<16xf32>
        %abs3A_624 = math.absf %sub3A_622 : vector<16xf32>
        %sub3A_625 = arith.subf %abs3A_623, %abs3A_624 : vector<16xf32>
        %add3A_626 = arith.addf %add3A_618, %sub3A_625 : vector<16xf32>
        %add3A_627 = arith.addf %get3A_376, %get3A_418 : vector<16xf32>
        %sub3A_628 = arith.subf %add3A_627, %get3A_461 : vector<16xf32>
        %add3A_629 = arith.addf %get3A_504, %get3A_547 : vector<16xf32>
        %sub3A_630 = arith.subf %add3A_629, %get3A_590 : vector<16xf32>
        %abs3A_631 = math.absf %sub3A_628 : vector<16xf32>
        %abs3A_632 = math.absf %sub3A_630 : vector<16xf32>
        %sub3A_633 = arith.subf %abs3A_631, %abs3A_632 : vector<16xf32>
        %add3A_634 = arith.addf %add3A_626, %sub3A_633 : vector<16xf32>
        %add3A_635 = arith.addf %get3A_379, %get3A_421 : vector<16xf32>
        %sub3A_636 = arith.subf %add3A_635, %get3A_464 : vector<16xf32>
        %add3A_637 = arith.addf %get3A_507, %get3A_550 : vector<16xf32>
        %sub3A_638 = arith.subf %add3A_637, %get3A_593 : vector<16xf32>
        %abs3A_639 = math.absf %sub3A_636 : vector<16xf32>
        %abs3A_640 = math.absf %sub3A_638 : vector<16xf32>
        %sub3A_641 = arith.subf %abs3A_639, %abs3A_640 : vector<16xf32>
        %add3A_642 = arith.addf %add3A_634, %sub3A_641 : vector<16xf32>
        %add3A_643 = arith.addf %get3A_382, %get3A_424 : vector<16xf32>
        %sub3A_644 = arith.subf %add3A_643, %get3A_467 : vector<16xf32>
        %add3A_645 = arith.addf %get3A_510, %get3A_553 : vector<16xf32>
        %sub3A_646 = arith.subf %add3A_645, %get3A_596 : vector<16xf32>
        %abs3A_647 = math.absf %sub3A_644 : vector<16xf32>
        %abs3A_648 = math.absf %sub3A_646 : vector<16xf32>
        %sub3A_649 = arith.subf %abs3A_647, %abs3A_648 : vector<16xf32>
        %add3A_650 = arith.addf %add3A_642, %sub3A_649 : vector<16xf32>
        %add3A_651 = arith.addf %get3A_385, %get3A_427 : vector<16xf32>
        %sub3A_652 = arith.subf %add3A_651, %get3A_470 : vector<16xf32>
        %add3A_653 = arith.addf %get3A_513, %get3A_556 : vector<16xf32>
        %sub3A_654 = arith.subf %add3A_653, %get3A_599 : vector<16xf32>
        %abs3A_655 = math.absf %sub3A_652 : vector<16xf32>
        %abs3A_656 = math.absf %sub3A_654 : vector<16xf32>
        %sub3A_657 = arith.subf %abs3A_655, %abs3A_656 : vector<16xf32>
        %add3A_658 = arith.addf %add3A_650, %sub3A_657 : vector<16xf32>
        %add3A_659 = arith.addf %get3A_388, %get3A_430 : vector<16xf32>
        %sub3A_660 = arith.subf %add3A_659, %get3A_473 : vector<16xf32>
        %add3A_661 = arith.addf %get3A_516, %get3A_559 : vector<16xf32>
        %sub3A_662 = arith.subf %add3A_661, %get3A_602 : vector<16xf32>
        %abs3A_663 = math.absf %sub3A_660 : vector<16xf32>
        %abs3A_664 = math.absf %sub3A_662 : vector<16xf32>
        %sub3A_665 = arith.subf %abs3A_663, %abs3A_664 : vector<16xf32>
        %add3A_666 = arith.addf %add3A_658, %sub3A_665 : vector<16xf32>
        %add3A_667 = arith.addf %get3A_391, %get3A_433 : vector<16xf32>
        %sub3A_668 = arith.subf %add3A_667, %get3A_476 : vector<16xf32>
        %add3A_669 = arith.addf %get3A_519, %get3A_562 : vector<16xf32>
        %sub3A_670 = arith.subf %add3A_669, %get3A_605 : vector<16xf32>
        %abs3A_671 = math.absf %sub3A_668 : vector<16xf32>
        %abs3A_672 = math.absf %sub3A_670 : vector<16xf32>
        %sub3A_673 = arith.subf %abs3A_671, %abs3A_672 : vector<16xf32>
        %add3A_674 = arith.addf %add3A_666, %sub3A_673 : vector<16xf32>
        %add3A_675 = arith.addf %gather3A, %gather3A_434 : vector<16xf32>
        %sub3A_676 = arith.subf %add3A_675, %gather3A_477 : vector<16xf32>
        %add3A_677 = arith.addf %gather3A_520, %gather3A_563 : vector<16xf32>
        %sub3A_678 = arith.subf %add3A_677, %gather3A_606 : vector<16xf32>
        %abs3A_679 = math.absf %sub3A_676 : vector<16xf32>
        %abs3A_680 = math.absf %sub3A_678 : vector<16xf32>
        %sub3A_681 = arith.subf %abs3A_679, %abs3A_680 : vector<16xf32>
        %add3A_682 = arith.addf %add3A_674, %sub3A_681 : vector<16xf32>
        %add3A_683 = arith.addf %gather3A_395, %gather3A_438 : vector<16xf32>
        %sub3A_684 = arith.subf %add3A_683, %gather3A_481 : vector<16xf32>
        %add3A_685 = arith.addf %gather3A_524, %gather3A_567 : vector<16xf32>
        %sub3A_686 = arith.subf %add3A_685, %gather3A_610 : vector<16xf32>
        %abs3A_687 = math.absf %sub3A_684 : vector<16xf32>
        %abs3A_688 = math.absf %sub3A_686 : vector<16xf32>
        %sub3A_689 = arith.subf %abs3A_687, %abs3A_688 : vector<16xf32>
        %jit3A = arith.constant 0.000000e+00 : f32
        %broadcast_in_dim3A_690 = vector.broadcast %jit3A : f32 to vector<16xf32>
        %select_n3A = arith.select %lt3A_4, %sub3A_689, %broadcast_in_dim3A_690 : vector<16xi1>, vector<16xf32>
        %add3A_691 = arith.addf %add3A_682, %select_n3A : vector<16xf32>
        %add3A_692 = arith.constant 8 : i32
        %add3A_693 = vector.broadcast %add3A_692 : i32 to vector<16xi32>
        %add3A_694 = arith.addi %iota3A, %add3A_693 : vector<16xi32>
        %and3A_695 = arith.constant 15 : i32
        %and3A_696 = vector.broadcast %and3A_695 : i32 to vector<16xi32>
        %and3A_697 = arith.andi %add3A_694, %and3A_696 : vector<16xi32>
        %lt3A_698 = arith.constant 0 : i32
        %lt3A_699 = vector.broadcast %lt3A_698 : i32 to vector<16xi32>
        %lt3A_700 = arith.cmpi slt, %and3A_697, %lt3A_699 : vector<16xi32>
        %add3A_701 = arith.constant 16 : i32
        %add3A_702 = vector.broadcast %add3A_701 : i32 to vector<16xi32>
        %add3A_703 = arith.addi %and3A_697, %add3A_702 : vector<16xi32>
        %select_n3A_704 = arith.select %lt3A_700, %add3A_703, %and3A_697 : vector<16xi1>, vector<16xi32>
        %broadcast_in_dim3A_705 = vector.shape_cast %select_n3A_704 : vector<16xi32> to vector<16x1xi32>
        %gather3A_706 = vector.shape_cast %broadcast_in_dim3A_705 : vector<16x1xi32> to vector<16xi32>
        %gather3A_707 = tpu.dynamic_gather %add3A_691[%gather3A_706] in [0] : vector<16xf32>, vector<16xi32> -> vector<16xf32>
        %add3A_708 = arith.addf %add3A_691, %gather3A_707 : vector<16xf32>
        %add3A_709 = arith.constant 4 : i32
        %add3A_710 = vector.broadcast %add3A_709 : i32 to vector<16xi32>
        %add3A_711 = arith.addi %iota3A, %add3A_710 : vector<16xi32>
        %and3A_712 = arith.constant 15 : i32
        %and3A_713 = vector.broadcast %and3A_712 : i32 to vector<16xi32>
        %and3A_714 = arith.andi %add3A_711, %and3A_713 : vector<16xi32>
        %lt3A_715 = arith.constant 0 : i32
        %lt3A_716 = vector.broadcast %lt3A_715 : i32 to vector<16xi32>
        %lt3A_717 = arith.cmpi slt, %and3A_714, %lt3A_716 : vector<16xi32>
        %add3A_718 = arith.constant 16 : i32
        %add3A_719 = vector.broadcast %add3A_718 : i32 to vector<16xi32>
        %add3A_720 = arith.addi %and3A_714, %add3A_719 : vector<16xi32>
        %select_n3A_721 = arith.select %lt3A_717, %add3A_720, %and3A_714 : vector<16xi1>, vector<16xi32>
        %broadcast_in_dim3A_722 = vector.shape_cast %select_n3A_721 : vector<16xi32> to vector<16x1xi32>
        %gather3A_723 = vector.shape_cast %broadcast_in_dim3A_722 : vector<16x1xi32> to vector<16xi32>
        %gather3A_724 = tpu.dynamic_gather %add3A_708[%gather3A_723] in [0] : vector<16xf32>, vector<16xi32> -> vector<16xf32>
        %add3A_725 = arith.addf %add3A_708, %gather3A_724 : vector<16xf32>
        %add3A_726 = arith.constant 2 : i32
        %add3A_727 = vector.broadcast %add3A_726 : i32 to vector<16xi32>
        %add3A_728 = arith.addi %iota3A, %add3A_727 : vector<16xi32>
        %and3A_729 = arith.constant 15 : i32
        %and3A_730 = vector.broadcast %and3A_729 : i32 to vector<16xi32>
        %and3A_731 = arith.andi %add3A_728, %and3A_730 : vector<16xi32>
        %lt3A_732 = arith.constant 0 : i32
        %lt3A_733 = vector.broadcast %lt3A_732 : i32 to vector<16xi32>
        %lt3A_734 = arith.cmpi slt, %and3A_731, %lt3A_733 : vector<16xi32>
        %add3A_735 = arith.constant 16 : i32
        %add3A_736 = vector.broadcast %add3A_735 : i32 to vector<16xi32>
        %add3A_737 = arith.addi %and3A_731, %add3A_736 : vector<16xi32>
        %select_n3A_738 = arith.select %lt3A_734, %add3A_737, %and3A_731 : vector<16xi1>, vector<16xi32>
        %broadcast_in_dim3A_739 = vector.shape_cast %select_n3A_738 : vector<16xi32> to vector<16x1xi32>
        %gather3A_740 = vector.shape_cast %broadcast_in_dim3A_739 : vector<16x1xi32> to vector<16xi32>
        %gather3A_741 = tpu.dynamic_gather %add3A_725[%gather3A_740] in [0] : vector<16xf32>, vector<16xi32> -> vector<16xf32>
        %add3A_742 = arith.addf %add3A_725, %gather3A_741 : vector<16xf32>
        %add3A_743 = arith.constant 1 : i32
        %add3A_744 = vector.broadcast %add3A_743 : i32 to vector<16xi32>
        %add3A_745 = arith.addi %iota3A, %add3A_744 : vector<16xi32>
        %and3A_746 = arith.constant 15 : i32
        %and3A_747 = vector.broadcast %and3A_746 : i32 to vector<16xi32>
        %and3A_748 = arith.andi %add3A_745, %and3A_747 : vector<16xi32>
        %lt3A_749 = arith.constant 0 : i32
        %lt3A_750 = vector.broadcast %lt3A_749 : i32 to vector<16xi32>
        %lt3A_751 = arith.cmpi slt, %and3A_748, %lt3A_750 : vector<16xi32>
        %add3A_752 = arith.constant 16 : i32
        %add3A_753 = vector.broadcast %add3A_752 : i32 to vector<16xi32>
        %add3A_754 = arith.addi %and3A_748, %add3A_753 : vector<16xi32>
        %select_n3A_755 = arith.select %lt3A_751, %add3A_754, %and3A_748 : vector<16xi1>, vector<16xi32>
        %broadcast_in_dim3A_756 = vector.shape_cast %select_n3A_755 : vector<16xi32> to vector<16x1xi32>
        %gather3A_757 = vector.shape_cast %broadcast_in_dim3A_756 : vector<16x1xi32> to vector<16xi32>
        %gather3A_758 = tpu.dynamic_gather %add3A_742[%gather3A_757] in [0] : vector<16xf32>, vector<16xi32> -> vector<16xf32>
        %add3A_759 = arith.addf %add3A_742, %gather3A_758 : vector<16xf32>
        %add3A_760 = arith.constant 1.000000e+00 : f32
        %add3A_761 = vector.broadcast %add3A_760 : f32 to vector<16xf32>
        %add3A_762 = arith.addf %add3A_759, %add3A_761 : vector<16xf32>
        %max3A = arith.constant 0.000000e+00 : f32
        %max3A_763 = vector.broadcast %max3A : f32 to vector<16xf32>
        %max3A_764 = arith.maximumf %add3A_762, %max3A_763 : vector<16xf32>
        %eq3A = arith.constant 0 : i32
        %eq3A_765 = vector.broadcast %eq3A : i32 to vector<16xi32>
        %eq3A_766 = arith.cmpi eq, %iota3A, %eq3A_765 : vector<16xi32>
        %jit3A_767 = arith.constant 0.000000e+00 : f32
        %broadcast_in_dim3A_768 = vector.broadcast %jit3A_767 : f32 to vector<16xf32>
        %select_n3A_769 = arith.select %eq3A_766, %max3A_764, %broadcast_in_dim3A_768 : vector<16xi1>, vector<16xf32>
        %add3A_770 = arith.addf %scan3A_355, %select_n3A_769 : vector<16xf32>
        scf.yield %add3A_770 : vector<16xf32>
      }
      %scan3A_353 = arith.constant 64 : i32
      scf.yield %scan3A_352 : vector<16xf32>
    }
    %scan3A_10 = arith.constant 8 : i32
    %swap3A = arith.constant 0 : index
    %swap3A_11 = tpu.vector_load %arg37[%swap3A] {strides = array<i32>} : memref<16xf32, #tpu.memory_space<vmem>>, vector<16xf32>,
    tpu.vector_store %arg37[%swap3A], %scan3A_9 {strides = array<i32>} : memref<16xf32, #tpu.memory_space<vmem>>, vector<16xf32>,
    "tpu.region"() ({
      %run_scoped3A = tpu.sem_alloc : memref<!tpu.dma_semaphore, #tpu.memory_space<semaphore_mem>>
      %dma_start3A = arith.constant 0 : i32
      %dma_start3A_12 = tpu.memref_slice %arg12[%add3A, %dma_start3A] : memref<32x16xf32, #tpu.memory_space<hbm>> -> memref<1x16xf32, #tpu.memory_space<hbm>>
      %dma_start3A_13 = tpu.memref_squeeze %dma_start3A_12 : memref<1x16xf32, #tpu.memory_space<hbm>> -> memref<16xf32, #tpu.memory_space<hbm>>
      %dma_start3A_14 = arith.constant 0 : i32
      %dma_start3A_15 = tpu.memref_slice %arg12[%add3A, %dma_start3A_14] : memref<32x16xf32, #tpu.memory_space<hbm>> -> memref<1x16xf32, #tpu.memory_space<hbm>>
      %dma_start3A_16 = tpu.memref_squeeze %dma_start3A_15 : memref<1x16xf32, #tpu.memory_space<hbm>> -> memref<16xf32, #tpu.memory_space<hbm>>
      tpu.enqueue_dma source(%arg37 : memref<16xf32, #tpu.memory_space<vmem>>) target(%dma_start3A_16 : memref<16xf32, #tpu.memory_space<hbm>>) target_semaphore(%run_scoped3A : memref<!tpu.dma_semaphore, #tpu.memory_space<semaphore_mem>>)
      %dma_wait3A = arith.constant 0 : i32
      %dma_wait3A_17 = tpu.memref_slice %arg12[%add3A, %dma_wait3A] : memref<32x16xf32, #tpu.memory_space<hbm>> -> memref<1x16xf32, #tpu.memory_space<hbm>>
      %dma_wait3A_18 = tpu.memref_squeeze %dma_wait3A_17 : memref<1x16xf32, #tpu.memory_space<hbm>> -> memref<16xf32, #tpu.memory_space<hbm>>
      %dma_wait3A_19 = arith.constant 0 : i32
      %dma_wait3A_20 = tpu.memref_slice %arg12[%add3A, %dma_wait3A_19] : memref<32x16xf32, #tpu.memory_space<hbm>> -> memref<1x16xf32, #tpu.memory_space<hbm>>
      %dma_wait3A_21 = tpu.memref_squeeze %dma_wait3A_20 : memref<1x16xf32, #tpu.memory_space<hbm>> -> memref<16xf32, #tpu.memory_space<hbm>>
      tpu.wait_dma2 semaphore(%run_scoped3A : memref<!tpu.dma_semaphore, #tpu.memory_space<semaphore_mem>>) src(%arg37 : memref<16xf32, #tpu.memory_space<vmem>>) dst(%dma_wait3A_21 : memref<16xf32, #tpu.memory_space<hbm>>)
      tpu.yield
    }) : () -> ()
    return
  }
}

module attributes {stable_mosaic.version = 14 : i64} {
  func.func @_finish_body(%arg0: memref<32x16xf32, #tpu.memory_space<vmem>>, %arg1: memref<1x1xf32, #tpu.memory_space<vmem>>) attributes {dimension_semantics = [], scalar_prefetch = 0 : i64, scratch_operands = 0 : i64, tpu.core_type = #tpu.core_type<tc>} {
    %get3A = arith.constant 0 : index
    %get3A_0 = arith.constant 0 : index
    %get3A_1 = vector.load %arg0[%get3A, %get3A_0] : memref<32x16xf32, #tpu.memory_space<vmem>>, vector<32x16xf32>
    %reduce_sum3A = vector.shape_cast %get3A_1 : vector<32x16xf32> to vector<1x32x16xf32>
    %reduce_sum3A_2 = arith.constant dense<0.000000e+00> : vector<1xf32>
    %reduce_sum3A_3 = vector.multi_reduction <add>, %reduce_sum3A, %reduce_sum3A_2 [1, 2] : vector<1x32x16xf32> to vector<1xf32>
    %reduce_sum3A_4 = vector.shape_cast %reduce_sum3A_3 : vector<1xf32> to vector<1x1x1xf32>
    %reduce_sum3A_5 = vector.extract %reduce_sum3A_4[0, 0, 0] : f32 from vector<1x1x1xf32>
    %reshape3A = vector.broadcast %reduce_sum3A_5 : f32 to vector<1x1xf32>
    %swap3A = arith.constant 0 : index
    %swap3A_6 = arith.constant 0 : index
    %swap3A_7 = vector.load %arg1[%swap3A, %swap3A_6] : memref<1x1xf32, #tpu.memory_space<vmem>>, vector<1x1xf32>
    tpu.vector_store %arg1[%swap3A, %swap3A_6], %reshape3A {strides = array<i32>} : memref<1x1xf32, #tpu.memory_space<vmem>>, vector<1x1xf32>,
    return
  }
}

</mosaic_0001>

<sc_bundles>
// kernel: kernel.4.cloned.1.call-start
scs
__scs_entry_jumppad:
0x0: {  	(pc) =	sbr.rel $0x88, $3  }
0x1: {  	(tag) =	ssettag $0x0;
	lr =	simm.s32 $0x1  }
0x2: {  	[smem:$0x3F99] =	sst lr;
	_ =	strace $0xD0000000  }
0x3: {  	_ = 	snop  }
0x4: {  	_ = 	snop  }
0x5: {  	_ = 	snop  }
0x6: {  	_ = 	snop  }
0x7: {  	_ = 	snop  }
__scs_overlays_trampoline_lowered:
0x8: {  	[smem:$0x3FA8] =	sst s0  }
0x9: {  	[smem:$0x3FA9] =	sst s1  }
0xa: {  	[smem:$0x3FAA] =	sst s2  }
0xb: {  	[smem:$0x3FAB] =	sst s3  }
0xc: {  	[smem:$0x3FAC] =	sst s4  }
0xd: {  	[smem:$0x3FAD] =	sst s5  }
0xe: {  	[smem:$0x3FAE] =	sst s6  }
0xf: {  	[smem:$0x3FAF] =	sst s7  }
0x10: {  	[smem:$0x3FB0] =	sst s8  }
0x11: {  	[smem:$0x3FB1] =	sst s9;
	s0 =	simm.s32 @!p0 $0x0  }
0x12: {  	s1 =	sld [smem:$0x3F97];
	s0 =	simm.s32 @p0 $0x1  }
0x13: {  	[smem:$0x3FB2] =	sst s0;
	s0 =	simm.s32 @!p1 $0x0  }
0x14: {  	s2 =	sld [smem:$0x3F96];
	s0 =	simm.s32 @p1 $0x1  }
0x15: {  	[smem:$0x3FB3] =	sst s0;
	s0 =	simm.s32 @!p2 $0x0  }
0x16: {  	s3 =	sld [smem:$0x3FDB];
	s0 =	simm.s32 @p2 $0x1  }
0x17: {  	s4 =	simm.s32 $0x1BF5;
	[smem:$0x3FB5] =	sst s0  }
0x18: {  	s0 =	sld [smem:$0x3F98];
	_ =	swait.ge [sflag:s4], $0x0  }
0x19: {  	s7 =	sld [smem:$0x3F99]  }
0x1a: {  	s8 =	sadd.s32 $0xFFFFE003, lr  }
0x1b: {  	s9 =	sadd.s32 $0xFFFFFEF7, lr;
	s5 =	simm.s32 $0xFFFFFFFF;
	p2 =	slt.u32 s8, $0xFFFFF086  }
0x1c: {  	p1 =	slt.u32 s9, $0xF7A;
	s5 =	simm.s32 @!p2 $0x0  }
0x1d: {  	s5 =	simm.s32 @p1 $0x1;
	p0 =	seq.s32 s7, s2  }
0x1e: {  	s7 =	smul.u32 @!p0 $0xF7A, s2;
	p2 =	seq.s32 @!p0 s5, $0x0  }
0x1f: {  	s9 =	smul.u32 $0xF7A, s1;
	s8 =	simm.s32 @!p0 $0x1BF5;
	p2 =	por !p2, p0  }
0x20: {  	[sflag:s8] =	ssyncset.s32 @!p0 $0xFFFFF086;
	s6 =	sadd.s32 @!p0 s3, s7;
	s7 =	simm.s32 @!p0 $0x108  }
0x21: {  	s3 =	sadd.s32 s3, s9;
	s6 =	sadd.s32 @!p0 $0x88, s6;
	s7 =	simm.s32 @p2 $0x1082  }
0x22: {  	[simem:s7], [sflag:s8] =	dma.local @!p0 [hbm:s6], $0xF7A  }
0x23: {  	s9 =	sor.u32 $0xD0000000, s2;
	s6 =	simm.s32 $0x108;
	_ =	swait.ge @!p0 [sflag:s8], $0x0  }
0x24: {  	s3 =	sadd.s32 $0x88, s3;
	s6 =	simm.s32 @!p1 $0x1082;
	[sflag:s4] =	ssyncset.s32 $0xFFFFF086  }
0x25: {  	[simem:s6], [sflag:s4] =	dma.local [hbm:s3], $0xF7A  }
0x26: {  	[smem:$0x3F99] =	sst s1;
	(tag) =	ssettag s2;
	_ =	strace s9  }
0x27: {  	s1 =	sld [smem:$0x3FA9]  }
0x28: {  	s2 =	sld [smem:$0x3FAA]  }
0x29: {  	s4 =	sld [smem:$0x3FAC]  }
0x2a: {  	p0 =	seq.s32 s5, $0x0;
	s5 =	sld [smem:$0x3FAD]  }
0x2b: {  	s6 =	sld [smem:$0x3FAE]  }
0x2c: {  	s7 =	sld [smem:$0x3FAF]  }
0x2d: {  	s3 =	simm.s32 $0x108;
	s8 =	sld [smem:$0x3FB0]  }
0x2e: {  	s3 =	simm.s32 @!p0 $0x1082;
	s9 =	sld [smem:$0x3FB1]  }
0x2f: {  	lr =	sadd.s32 s0, s3;
	s0 =	sld [smem:$0x3FA8]  }
0x30: {  	s3 =	sld [smem:$0x3FAB]  }
0x31: {  	[smem:$0x3FB4] =	sst s10  }
0x32: {  	s10 =	sld [smem:$0x3FB2];
	_ =	sdelay $0x3  }
0x33: {  	p0 =	seq.s32 s10, $0x1;
	s10 =	sld [smem:$0x3FB4];
	_ =	sdelay $0x3  }
0x34: {  	[smem:$0x3FB4] =	sst s10  }
0x35: {  	s10 =	sld [smem:$0x3FB3];
	_ =	sdelay $0x3  }
0x36: {  	p1 =	seq.s32 s10, $0x1;
	s10 =	sld [smem:$0x3FB4];
	_ =	sdelay $0x3  }
0x37: {  	[smem:$0x3FB4] =	sst s10  }
0x38: {  	s10 =	sld [smem:$0x3FB5]  }
0x39: {  	_ = 	snop;
	(pc) =	sbr.ind lr, $3  }
0x3a: {  	_ = 	snop  }
0x3b: {  	_ = 	snop  }
0x3c: {  	p2 =	seq.s32 s10, $0x1;
	s10 =	sld [smem:$0x3FB4]  }
0x3d: {  	_ =	shalt  }
0x3e: {  	_ =	shalt  }
0x3f: {  	_ =	shalt  }
0x40: {  	_ =	shalt  }
0x41: {  	_ =	shalt  }
0x42: {  	_ =	shalt  }
0x43: {  	_ =	shalt  }
0x44: {  	_ =	shalt  }
0x45: {  	_ =	shalt  }
0x46: {  	_ =	shalt  }
0x47: {  	_ =	shalt  }
0x48: {  	_ =	shalt  }
0x49: {  	_ =	shalt  }
0x4a: {  	_ =	shalt  }
0x4b: {  	_ =	shalt  }
0x4c: {  	_ =	shalt  }
0x4d: {  	_ =	shalt  }
0x4e: {  	_ =	shalt  }
0x4f: {  	_ =	shalt  }
0x50: {  	_ =	shalt  }
0x51: {  	_ =	shalt  }
0x52: {  	_ =	shalt  }
0x53: {  	_ =	shalt  }
0x54: {  	_ =	shalt  }
0x55: {  	_ =	shalt  }
0x56: {  	_ =	shalt  }
0x57: {  	_ =	shalt  }
0x58: {  	_ =	shalt  }
0x59: {  	_ =	shalt  }
0x5a: {  	_ =	shalt  }
0x5b: {  	_ =	shalt  }
0x5c: {  	_ =	shalt  }
0x5d: {  	_ =	shalt  }
0x5e: {  	_ =	shalt  }
0x5f: {  	_ =	shalt  }
0x60: {  	_ =	shalt  }
0x61: {  	_ =	shalt  }
0x62: {  	_ =	shalt  }
0x63: {  	_ =	shalt  }
0x64: {  	_ =	shalt  }
0x65: {  	_ =	shalt  }
0x66: {  	_ =	shalt  }
0x67: {  	_ =	shalt  }
0x68: {  	_ =	shalt  }
0x69: {  	_ =	shalt  }
0x6a: {  	_ =	shalt  }
0x6b: {  	_ =	shalt  }
0x6c: {  	_ =	shalt  }
0x6d: {  	_ =	shalt  }
0x6e: {  	_ =	shalt  }
0x6f: {  	_ =	shalt  }
0x70: {  	_ =	shalt  }
0x71: {  	_ =	shalt  }
0x72: {  	_ =	shalt  }
0x73: {  	_ =	shalt  }
0x74: {  	_ =	shalt  }
0x75: {  	_ =	shalt  }
0x76: {  	_ =	shalt  }
0x77: {  	_ =	shalt  }
0x78: {  	_ =	shalt  }
0x79: {  	_ =	shalt  }
0x7a: {  	_ =	shalt  }
0x7b: {  	_ =	shalt  }
0x7c: {  	_ =	shalt  }
0x7d: {  	_ =	shalt  }
0x7e: {  	_ =	shalt  }
0x7f: {  	_ =	shalt  }
0x80: {  	_ =	shalt  }
0x81: {  	_ =	shalt  }
0x82: {  	_ =	shalt  }
0x83: {  	_ =	shalt  }
0x84: {  	_ =	shalt  }
0x85: {  	_ =	shalt  }
0x86: {  	_ =	shalt  }
0x87: {  	_ =	shalt  }
.Lfunc_end0:
.L_simem_size_0:
called_computation.1_lowered:
.L_overlay_start_0:
0x88: {  	s2 =	sld [smem:$0x3FD9]  }
0x89: {  	s3 =	sld [smem:$0x3FFE];
	_ =	sdelay $0x1  }
0x8a: {  	s1 =	srdreg.scid  }
0x8b: {  	s0 =	sand.u32 $0x1, s1  }
0x8c: {  	s17 =	sshll.u32 s0, $0xA;
	s2 =	sadd.s32 s3, s2  }
0x8d: {  	s2 =	sadd.s32 s2, s17  }
0x8e: {  	[smem:$0x3FC0] =	sst s2  }
0x8f: {  	_ = 	snop  }
0x90: {  	s2 =	sld [smem:$0x3FC9]  }
0x91: {  	s18 =	sld [smem:$0x3FC8]  }
0x92: {  	s4 =	sld [smem:$0x3FC7]  }
0x93: {  	s5 =	sld [smem:$0x3FC6]  }
0x94: {  	s6 =	sld [smem:$0x3FC5]  }
0x95: {  	s7 =	sld [smem:$0x3FC4];
	(tm) =	ssettm $0x1  }
0x96: {  	s8 =	sld [smem:$0x3FFB];
	_ =	sdelay $0x3  }
0x97: {  	_ =	strace s8  }
0x98: {  	s8 =	sld [smem:$0x3FFC];
	_ =	sdelay $0x3  }
0x99: {  	_ =	strace s8  }
0x9a: {  	s8 =	sld [smem:$0x3FFD];
	_ =	sdelay $0x3  }
0x9b: {  	_ =	strace s8  }
0x9c: {  	_ =	strace $0x8FFFFFFF  }
0x9d: {  	s19 =	sld [smem:$0x3FDB];
	_ =	sdelay $0x1  }
0x9e: {  	s9 =	simm.s32 $_scs_section_size  }
0x9f: {  	s10 =	simm.s32 $_size__tile_overlayer_lowered;
	s11 =	simm.s32 $_tile_overlayer_lowered  }
0xa0: {  	s22 =	simm.s32 $0x1BFF;
	s21 =	sshll.u32 s11, $0x1;
	s8 =	sadd.s32 s9, s19  }
0xa1: {  	s12 =	simm.s32 $0x0;
	s20 =	sshll.u32 s10, $0x1;
	s10 =	sadd.s32 s21, s8  }
0xa2: {  	[timem:s12], [sflag:s22] =	dma.local [hbm:s10], s20  }
0xa3: {  	_ =	swait.ge [sflag:s22], s20  }
0xa4: {  	s9 =	ssub.s32 $0x0, s20;
	[sflag:s22] =	ssyncset.done $0x0  }
0xa5: {  	[sflag:s22] =	ssyncadd.s32 s9;
	_ =	sdelay $0x1  }
0xa6: {  	s23 =	simm.s32 $0x1B8B  }
0xa7: {  	_ =	swait.ge [sflag:s23], $0x1  }
0xa8: {  	[sflag:s23] =	ssyncset.done $0x0  }
0xa9: {  	s25 =	simm.s32 $0x1B8E;
	s24 =	sld [smem:$0x3FFE];
	[sflag:s23] =	ssyncadd.s32 $0xFFFFFFFF  }
0xaa: {  	s26 =	simm.s32 $execute0_lowered;
	[smem:$0x3FD2] =	sst s25  }
0xab: {  	s10 =	sshll.u32 s26, $0x1;
	_ =	strace $0x80000049;
	[dreg:$0x1] =	wrdreg $0xFFFFFFFF  }
0xac: {  	s28 =	simm.s32 $_size_execute0_lowered;
	s8 =	sadd.s32 s8, s10;
	[dreg:$0x0] =	wrdreg $0x0  }
0xad: {  	s10 =	sshll.u32 s28, $0x1;
	[dreg:$0x2] =	wrdreg s8  }
0xae: {  	[dreg:$0x3] =	wrdreg s10  }
0xaf: {  	[dreg:$0x4] =	wrdreg $0xC0  }
0xb0: {  	_ =	task [dreg:s12], $0x5FFFF  }
0xb1: {  	[dreg:$0x1] =	wrdreg $0xFFFFFFFF  }
0xb2: {  	[dreg:$0x0] =	wrdreg $0x60  }
0xb3: {  	[dreg:$0x2] =	wrdreg s2  }
0xb4: {  	[dreg:$0x3] =	wrdreg s18  }
0xb5: {  	[dreg:$0x4] =	wrdreg s4  }
0xb6: {  	[dreg:$0x5] =	wrdreg s5  }
0xb7: {  	[dreg:$0x6] =	wrdreg s6  }
0xb8: {  	[dreg:$0x7] =	wrdreg s7  }
0xb9: {  	[dreg:$0x8] =	wrdreg s24  }
0xba: {  	[dreg:$0x9] =	wrdreg $0x9  }
0xbb: {  	_ =	task.clear_ibuf [dreg:s12], $0xAFFFF;
	_ =	strace $0x90000049  }
0xbc: {  	s29 =	simm.s32 $0x9;
	_ =	strace $0x8000004B  }
0xbd: {  	_ =	swait.ge [sflag:s29], $0x1  }
0xbe: {  	[sflag:s29] =	ssyncadd.s32 $0xFFFFFFFF  }
0xbf: {  	_ =	strace $0x9000004B  }
0xc0: {  	_ =	sfence  }
0xc1: {  	s30 =	sld [smem:$0x0];
	_ =	sdelay $0x2  }
0xc2: {  	s31 =	sshll.u32 s1, $0xD;
	s1 =	sshrl.u32 s1, $0x2  }
0xc3: {  	s3 =	sand.u32 $0x4000, s31;
	s1 =	sadd.s32 s1, s30  }
0xc4: {  	s0 =	sor.u32 s3, s0;
	s1 =	sshll.u32 s1, $0x11  }
0xc5: {  	s0 =	sor.u32 s1, s0  }
0xc6: {  	s0 =	sadd.s32 $0x8F2B, s0  }
0xc7: {  	[sflag:s0] =	ssyncadd.remote.s32 $0x1  }
0xc8: {  	_ =	sfence.sel $0xFFFF  }
0xc9: {  	[dreg:$0x0] =	wrdreg $0xFFFFFFFF;
	(pc) =	sbr.abs _section_cstart, $3  }
0xca: {  	[dreg:$0x1] =	wrdreg $0xFFFFFFFF  }
0xcb: {  	_ =	task.clear_ibuf [dreg:s12], $0x2FFFF;
	_ =	strace $0x9FFFFFFF  }
0xcc: {  	(tm) =	ssettm $0x7FFFFFFF  }
0xcd: {  	_ =	shalt  }
tec
execute0_lowered:
.L_overlay_start_1:
0x0: {  	(tag) =	ssettag $0x1  }
0x1: {  	s0 =	rddreg [dreg:$0x0]  }
0x2: {  	s1 =	rddreg [dreg:$0x1]  }
0x3: {  	s2 =	rddreg [dreg:$0x2]  }
0x4: {  	s7 =	rddreg [dreg:$0x3]  }
0x5: {  	s8 =	rddreg [dreg:$0x4]  }
0x6: {  	s9 =	rddreg [dreg:$0x5]  }
0x7: {  	s10 =	rddreg [dreg:$0x6];
	s19 =	simm.s32 $0x0;
	s29 =	simm.s32 $0xD200;
	v9 =	vimm.s32 $0xFEDCBA98  }
0x8: {  	s6 =	srdreg.scid;
	s17 =	simm.s32 $0xF200;
	v11 =	vimm.s32 $0x76543210;
	v16 =	vimm.s32 $0x3210FEDC;
	[smem:$0x7FF] =	sst s19  }
0x9: {  	s12 =	stileid.u32;
	v3 =	vlaneseq.u32;
	vm0 =	vmmov $0x1;
	v17 =	vimm.s32 $0xBA987654;
	s3 =	sadd.s32 $0x1227A00, s10;
	s4 =	sadd.s32 $0x121FC00, s10  }
0xa: {  	v10 =	vimm.s32 $0x9;
	v19 =	vimm.s32 $0x10FEDCBA;
	v20 =	vimm.s32 $0xFEDCBA9;
	s5 =	sadd.s32 $0x1000, s10;
	s11 =	sand.u32 $0x1, s6;
	s12 =	sshll.u32 s12, $0x1  }
0xb: {  	v21 =	vimm.s32 $0x87654321;
	vm1 =	vmmov $0x3f;
	s22 =	sadd.s32 $0x30AC200, s10;
	v12 =	vunpack.c.l.s4.s8 v9;
	_ =	strace $0x8000004A;
	s12 =	sor.u32 s11, s12  }
0xc: {  	v5 =	vmul.u32 $0x8, v3;
	v9 =	vimm.s32 $0x6;
	v13 =	vunpack.c.l.s4.s8 v11;
	s11 =	ssub.s32 $0x2, s11;
	s13 =	sshll.u32 s12, $0x4;
	s12 =	sshll.u32 s12, $0x6  }
0xd: {  	v11 =	vimm.s32 $0xA;
	v16 =	vunpack.c.l.s4.s8 v16;
	[dreg:$0x8] =	wrdreg s22;
	s14 =	sshrl.u32 s11, $0x1;
	v14 =	vunpack.c.0.s8.s32 v12;
	s0 =	sadd.s32 s0, s12  }
0xe: {  	v17 =	vunpack.c.l.s4.s8 v17;
	v19 =	vunpack.c.l.s4.s8 v19;
	v15 =	vunpack.c.0.s8.s32 v13;
	s10 =	sadd.s32 s13, s10;
	s23 =	sadd.s32 s1, s12;
	[dreg:$0x9] =	wrdreg s0  }
0xf: {  	v20 =	vunpack.c.l.s4.s8 v20;
	v21 =	vunpack.c.l.s4.s8 v21;
	s11 =	ssub.s32 s11, s14;
	s24 =	sadd.s32 s2, s12;
	[dreg:$0xa] =	wrdreg s23;
	v18 =	vand.u32 $0xF, v14  }
0x10: {  	v12 =	vimm.s32 $0xB;
	s25 =	sadd.s32 s7, s12;
	s26 =	sadd.s32 s8, s12;
	[dreg:$0xb] =	wrdreg s24;
	v15 =	vcombine.low v18, v15;
	v18 =	vimm.s32 $0x98765432  }
0x11: {  	v13 =	vimm.s32 $0x8;
	v22 =	vunpack.c.0.s8.s32 v16;
	s28 =	sadd.s32 s9, s12;
	s2 =	simm.s32 $0x2;
	[dreg:$0xc] =	wrdreg s25;
	v18 =	vunpack.c.l.s4.s8 v18  }
0x12: {  	v17 =	vunpack.c.0.s8.s32 v17;
	v19 =	vunpack.c.0.s8.s32 v19;
	v16 =	vimm.s32 $0xD;
	s9 =	simm.s32 $0x13200;
	s8 =	simm.s32 $0x15200;
	[dreg:$0xd] =	wrdreg s26  }
0x13: {  	v21 =	vunpack.c.0.s8.s32 v21;
	v24 =	vunpack.c.0.s8.s32 v20;
	s13 =	simm.s32 $0x1;
	[dreg:$0xe] =	wrdreg s28;
	s30 =	sadd.s32 $0x3D1A00, s10;
	v23 =	vunpack.c.0.s8.s32 v18  }
0x14: {  	v20 =	vimm.s32 $0xF;
	s1 =	simm.s32 $0x0;
	s31 =	smax.u32 s11, $0x1;
	v14 =	vimm.s32 $0xC;
	v17 =	vcombine.low v17, v22;
	[dreg:$0xf] =	wrdreg s30  }
0x15: {  	s11 =	simm.s32 $0x11200;
	s24 =	simm.s32 $0x17200;
	v21 =	vcombine.low v21, v24;
	[dreg:$0x10] =	wrdreg s31;
	v18 =	vimm.s32 $0xE;
	v19 =	vcombine.low v23, v19  }
.LBB2_1:
0x16: {  	[dreg:$0x11] =	wrdreg s1  }
0x17: {  	s0 =	rddreg [dreg:$0x9]  }
0x18: {  	[tilespmem:s19], [sflag:$0x2] =	stream.linear.gather [hbm4b:s0+s19], $0x200, $0x38;
	[tilespmem:$0x19280] =	vst v63  }
0x19: {  	_ =	swait.ge [sflag:s2], $0x200  }
0x1a: {  	[sflag:s2] =	ssyncset.done $0x0  }
0x1b: {  	s14 =	simm.s32 $0x280;
	s25 =	rddreg [dreg:$0xa];
	[sflag:s2] =	ssyncadd.s32 $0xFFFFFE00  }
0x1c: {  	[tilespmem:s14], [sflag:$0x2] =	stream.linear.gather [hbm4b:s25+s19], $0x200, $0x38;
	[tilespmem:$0x19280] =	vst v63  }
0x1d: {  	_ =	swait.ge [sflag:s2], $0x200  }
0x1e: {  	[sflag:s2] =	ssyncset.done $0x0  }
0x1f: {  	s1 =	simm.s32 $0x500;
	s26 =	rddreg [dreg:$0xb];
	[sflag:s2] =	ssyncadd.s32 $0xFFFFFE00  }
0x20: {  	[tilespmem:s1], [sflag:$0x2] =	stream.linear.gather [hbm4b:s26+s19], $0x200, $0x38;
	[tilespmem:$0x19280] =	vst v63  }
0x21: {  	_ =	swait.ge [sflag:s2], $0x200  }
0x22: {  	[sflag:s2] =	ssyncset.done $0x0  }
0x23: {  	s15 =	simm.s32 $0x780;
	s28 =	rddreg [dreg:$0xc];
	[sflag:s2] =	ssyncadd.s32 $0xFFFFFE00  }
0x24: {  	[tilespmem:s15], [sflag:$0x2] =	stream.linear.gather [hbm4b:s28+s19], $0x200, $0x38;
	[tilespmem:$0x19280] =	vst v63  }
0x25: {  	_ =	swait.ge [sflag:s2], $0x200  }
0x26: {  	[sflag:s2] =	ssyncset.done $0x0  }
0x27: {  	s16 =	simm.s32 $0xA00;
	s30 =	rddreg [dreg:$0xd];
	[sflag:s2] =	ssyncadd.s32 $0xFFFFFE00  }
0x28: {  	[tilespmem:s16], [sflag:$0x2] =	stream.linear.gather [hbm4b:s30+s19], $0x200, $0x38;
	[tilespmem:$0x19280] =	vst v63  }
0x29: {  	_ =	swait.ge [sflag:s2], $0x200  }
0x2a: {  	[sflag:s2] =	ssyncset.done $0x0  }
0x2b: {  	s18 =	simm.s32 $0xC80;
	s31 =	rddreg [dreg:$0xe];
	[sflag:s2] =	ssyncadd.s32 $0xFFFFFE00  }
0x2c: {  	[tilespmem:s18], [sflag:$0x2] =	stream.linear.gather [hbm4b:s31+s19], $0x200, $0x38;
	[tilespmem:$0x19280] =	vst v63  }
0x2d: {  	_ =	swait.ge [sflag:s2], $0x200  }
0x2e: {  	[sflag:s2] =	ssyncset.done $0x0  }
0x2f: {  	v22 =	vimm.f32 $0.0e+00;
	s20 =	simm.s32 $0x0;
	s19 =	simm.s32 $0x0;
	[sflag:s2] =	ssyncadd.s32 $0xFFFFFE00  }
.LBB2_2:
0x30: {  	s22 =	sshll.u32 s20, $0x6  }
0x31: {  	v23 =	vld [tilespmem:s22+$0x0];
	_ =	sdelay $0x4  }
0x32: {  	v23 =	vshrl.u32 v23, $0x2  }
0x33: {  	[tilespmem:$0xF00] =	vst v23  }
0x34: {  	v23 =	vld [tilespmem:s22+$0x10];
	_ =	sdelay $0x4  }
0x35: {  	v23 =	vshrl.u32 v23, $0x2  }
0x36: {  	[tilespmem:$0xF10] =	vst v23  }
0x37: {  	v23 =	vld [tilespmem:s22+$0x20];
	_ =	sdelay $0x4  }
0x38: {  	v23 =	vshrl.u32 v23, $0x2  }
0x39: {  	[tilespmem:$0xF20] =	vst v23  }
0x3a: {  	v23 =	vld [tilespmem:s22+$0x30];
	_ =	sdelay $0x4  }
0x3b: {  	v23 =	vshrl.u32 v23, $0x2  }
0x3c: {  	[tilespmem:$0xF30] =	vst v23  }
0x3d: {  	v23 =	vld [tilespmem:s22+$0x280];
	_ =	sdelay $0x4  }
0x3e: {  	v23 =	vshrl.u32 v23, $0x2  }
0x3f: {  	[tilespmem:$0xF80] =	vst v23  }
0x40: {  	v23 =	vld [tilespmem:s22+$0x290];
	_ =	sdelay $0x4  }
0x41: {  	v23 =	vshrl.u32 v23, $0x2  }
0x42: {  	[tilespmem:$0xF90] =	vst v23  }
0x43: {  	v23 =	vld [tilespmem:s22+$0x2A0];
	_ =	sdelay $0x4  }
0x44: {  	v23 =	vshrl.u32 v23, $0x2  }
0x45: {  	[tilespmem:$0xFA0] =	vst v23  }
0x46: {  	v23 =	vld [tilespmem:s22+$0x2B0];
	_ =	sdelay $0x4  }
0x47: {  	v23 =	vshrl.u32 v23, $0x2  }
0x48: {  	[tilespmem:$0xFB0] =	vst v23  }
0x49: {  	v23 =	vld [tilespmem:s22+$0x500];
	_ =	sdelay $0x4  }
0x4a: {  	v23 =	vshrl.u32 v23, $0x2  }
0x4b: {  	[tilespmem:$0x1000] =	vst v23  }
0x4c: {  	v23 =	vld [tilespmem:s22+$0x510];
	_ =	sdelay $0x4  }
0x4d: {  	v23 =	vshrl.u32 v23, $0x2  }
0x4e: {  	[tilespmem:$0x1010] =	vst v23  }
0x4f: {  	v23 =	vld [tilespmem:s22+$0x520];
	_ =	sdelay $0x4  }
0x50: {  	v23 =	vshrl.u32 v23, $0x2  }
0x51: {  	[tilespmem:$0x1020] =	vst v23  }
0x52: {  	v23 =	vld [tilespmem:s22+$0x530];
	_ =	sdelay $0x4  }
0x53: {  	v23 =	vshrl.u32 v23, $0x2  }
0x54: {  	[tilespmem:$0x1030] =	vst v23  }
0x55: {  	v23 =	vld [tilespmem:s22+$0x780];
	_ =	sdelay $0x4  }
0x56: {  	v23 =	vshrl.u32 v23, $0x2  }
0x57: {  	[tilespmem:$0x1080] =	vst v23  }
0x58: {  	v23 =	vld [tilespmem:s22+$0x790];
	_ =	sdelay $0x4  }
0x59: {  	v23 =	vshrl.u32 v23, $0x2  }
0x5a: {  	[tilespmem:$0x1090] =	vst v23  }
0x5b: {  	v23 =	vld [tilespmem:s22+$0x7A0];
	_ =	sdelay $0x4  }
0x5c: {  	v23 =	vshrl.u32 v23, $0x2  }
0x5d: {  	[tilespmem:$0x10A0] =	vst v23  }
0x5e: {  	v23 =	vld [tilespmem:s22+$0x7B0];
	_ =	sdelay $0x4  }
0x5f: {  	v23 =	vshrl.u32 v23, $0x2  }
0x60: {  	[tilespmem:$0x10B0] =	vst v23  }
0x61: {  	v23 =	vld [tilespmem:s22+$0xA00];
	_ =	sdelay $0x4  }
0x62: {  	v23 =	vshrl.u32 v23, $0x2  }
0x63: {  	[tilespmem:$0x1100] =	vst v23  }
0x64: {  	v23 =	vld [tilespmem:s22+$0xA10];
	_ =	sdelay $0x4  }
0x65: {  	v23 =	vshrl.u32 v23, $0x2  }
0x66: {  	[tilespmem:$0x1110] =	vst v23  }
0x67: {  	v23 =	vld [tilespmem:s22+$0xA20];
	_ =	sdelay $0x4  }
0x68: {  	v23 =	vshrl.u32 v23, $0x2  }
0x69: {  	[tilespmem:$0x1120] =	vst v23  }
0x6a: {  	v23 =	vld [tilespmem:s22+$0xA30];
	_ =	sdelay $0x4  }
0x6b: {  	v23 =	vshrl.u32 v23, $0x2  }
0x6c: {  	[tilespmem:$0x1130] =	vst v23  }
0x6d: {  	v23 =	vld [tilespmem:s22+$0xC80];
	_ =	sdelay $0x4  }
0x6e: {  	v23 =	vshrl.u32 v23, $0x2  }
0x6f: {  	[tilespmem:$0x1180] =	vst v23  }
0x70: {  	v23 =	vld [tilespmem:s22+$0xC90];
	_ =	sdelay $0x4  }
0x71: {  	v23 =	vshrl.u32 v23, $0x2  }
0x72: {  	[tilespmem:$0x1190] =	vst v23  }
0x73: {  	v23 =	vld [tilespmem:s22+$0xCA0];
	_ =	sdelay $0x4  }
0x74: {  	v23 =	vshrl.u32 v23, $0x2  }
0x75: {  	[tilespmem:$0x11A0] =	vst v23  }
0x76: {  	v23 =	vld [tilespmem:s22+$0xCB0];
	_ =	sdelay $0x4  }
0x77: {  	v23 =	vshrl.u32 v23, $0x2  }
0x78: {  	[tilespmem:$0x11B0] =	vst v23  }
0x79: {  	v23 =	vld [tilespmem:s22+$0x0];
	_ =	sdelay $0x4  }
0x7a: {  	v24 =	vshll.u32 v23, $0x1  }
0x7b: {  	v23 =	vand.u32 $0x7, v23;
	v24 =	vand.u32 $0xFFFFFFF0, v24  }
0x7c: {  	v4 =	vimm.s32 $0x0;
	v23 =	vor.u32 v23, v24  }
0x7d: {  	v24 =	vperm.xlane v23, v4  }
0x7e: {  	v2 =	vimm.s32 $0x1  }
0x7f: {  	v25 =	vperm.xlane v23, v2;
	v24 =	vadd.s32 v5, v24  }
0x80: {  	v0 =	vimm.s32 $0x2  }
0x81: {  	v26 =	vperm.xlane v23, v0;
	v25 =	vadd.s32 v5, v25  }
0x82: {  	v6 =	vimm.s32 $0x3  }
0x83: {  	s21 =	simm.s32 $0x0;
	s0 =	simm.s32 $0x1200;
	v27 =	vperm.xlane v23, v6;
	v26 =	vadd.s32 v5, v26  }
0x84: {  	v7 =	vimm.s32 $0x4;
	[tilespmem:s0], [sflag:$0x1] =	stream.indirect_vreg.gather [hbm4b:s3+s21], $0x80, v24, vm0, $0xb8;
	[tilespmem:$0x19280] =	vst v63  }
0x85: {  	s12 =	simm.s32 $0x1280;
	v24 =	vadd.s32 v5, v27;
	v27 =	vperm.xlane v23, v7  }
0x86: {  	v8 =	vimm.s32 $0x5;
	[tilespmem:s12], [sflag:$0x1] =	stream.indirect_vreg.gather [hbm4b:s3+s21], $0x80, v25, vm0, $0xb8;
	[tilespmem:$0x19280] =	vst v63  }
0x87: {  	s23 =	simm.s32 $0x1300;
	v25 =	vadd.s32 v5, v27;
	v27 =	vperm.xlane v23, v8  }
0x88: {  	[tilespmem:s23], [sflag:$0x1] =	stream.indirect_vreg.gather [hbm4b:s3+s21], $0x80, v26, vm0, $0xb8;
	[tilespmem:$0x19280] =	vst v63  }
0x89: {  	s25 =	simm.s32 $0x1380;
	v26 =	vadd.s32 v5, v27;
	v27 =	vperm.xlane v23, v9  }
0x8a: {  	v1 =	vimm.s32 $0x7;
	[tilespmem:s25], [sflag:$0x1] =	stream.indirect_vreg.gather [hbm4b:s3+s21], $0x80, v24, vm0, $0xb8;
	[tilespmem:$0x19280] =	vst v63  }
0x8b: {  	s26 =	simm.s32 $0x1400;
	v24 =	vadd.s32 v5, v27;
	v27 =	vperm.xlane v23, v1  }
0x8c: {  	[tilespmem:s26], [sflag:$0x1] =	stream.indirect_vreg.gather [hbm4b:s3+s21], $0x80, v25, vm0, $0xb8;
	[tilespmem:$0x19280] =	vst v63  }
0x8d: {  	s2 =	simm.s32 $0x1480;
	v25 =	vadd.s32 v5, v27;
	v27 =	vperm.xlane v23, v13  }
0x8e: {  	[tilespmem:s2], [sflag:$0x1] =	stream.indirect_vreg.gather [hbm4b:s3+s21], $0x80, v26, vm0, $0xb8;
	[tilespmem:$0x19280] =	vst v63  }
0x8f: {  	s6 =	simm.s32 $0x1500;
	v26 =	vadd.s32 v5, v27;
	v27 =	vperm.xlane v23, v10  }
0x90: {  	[tilespmem:s6], [sflag:$0x1] =	stream.indirect_vreg.gather [hbm4b:s3+s21], $0x80, v24, vm0, $0xb8;
	[tilespmem:$0x19280] =	vst v63  }
0x91: {  	s7 =	simm.s32 $0x1580;
	v24 =	vadd.s32 v5, v27;
	v27 =	vperm.xlane v23, v11  }
0x92: {  	[tilespmem:s7], [sflag:$0x1] =	stream.indirect_vreg.gather [hbm4b:s3+s21], $0x80, v25, vm0, $0xb8;
	[tilespmem:$0x19280] =	vst v63  }
0x93: {  	s10 =	simm.s32 $0x1600;
	v25 =	vadd.s32 v5, v27;
	v27 =	vperm.xlane v23, v12  }
0x94: {  	[tilespmem:s10], [sflag:$0x1] =	stream.indirect_vreg.gather [hbm4b:s3+s21], $0x80, v26, vm0, $0xb8;
	[tilespmem:$0x19280] =	vst v63  }
0x95: {  	s12 =	simm.s32 $0x1680;
	v26 =	vadd.s32 v5, v27;
	v27 =	vperm.xlane v23, v14  }
0x96: {  	[tilespmem:s12], [sflag:$0x1] =	stream.indirect_vreg.gather [hbm4b:s3+s21], $0x80, v24, vm0, $0xb8;
	[tilespmem:$0x19280] =	vst v63  }
0x97: {  	s23 =	simm.s32 $0x1700;
	v24 =	vadd.s32 v5, v27;
	v27 =	vperm.xlane v23, v16  }
0x98: {  	[tilespmem:s23], [sflag:$0x1] =	stream.indirect_vreg.gather [hbm4b:s3+s21], $0x80, v25, vm0, $0xb8;
	[tilespmem:$0x19280] =	vst v63  }
0x99: {  	s25 =	simm.s32 $0x1780;
	v25 =	vadd.s32 v5, v27;
	v27 =	vperm.xlane v23, v18  }
0x9a: {  	[tilespmem:s25], [sflag:$0x1] =	stream.indirect_vreg.gather [hbm4b:s3+s21], $0x80, v26, vm0, $0xb8;
	[tilespmem:$0x19280] =	vst v63  }
0x9b: {  	s26 =	simm.s32 $0x1800;
	v23 =	vperm.xlane v23, v20;
	v26 =	vadd.s32 v5, v27  }
0x9c: {  	[tilespmem:s26], [sflag:$0x1] =	stream.indirect_vreg.gather [hbm4b:s3+s21], $0x80, v24, vm0, $0xb8;
	[tilespmem:$0x19280] =	vst v63  }
0x9d: {  	s2 =	simm.s32 $0x1880;
	v23 =	vadd.s32 v5, v23  }
0x9e: {  	[tilespmem:s2], [sflag:$0x1] =	stream.indirect_vreg.gather [hbm4b:s3+s21], $0x80, v25, vm0, $0xb8;
	[tilespmem:$0x19280] =	vst v63  }
0x9f: {  	s6 =	simm.s32 $0x1900  }
0xa0: {  	[tilespmem:s6], [sflag:$0x1] =	stream.indirect_vreg.gather [hbm4b:s3+s21], $0x80, v26, vm0, $0xb8;
	[tilespmem:$0x19280] =	vst v63  }
0xa1: {  	s7 =	simm.s32 $0x1980  }
0xa2: {  	[tilespmem:s7], [sflag:$0x1] =	stream.indirect_vreg.gather [hbm4b:s3+s21], $0x80, v23, vm0, $0xb8;
	[tilespmem:$0x19280] =	vst v63  }
0xa3: {  	v23 =	vld [tilespmem:s22+$0x10];
	_ =	sdelay $0x4  }
0xa4: {  	v24 =	vshll.u32 v23, $0x1  }
0xa5: {  	v23 =	vand.u32 $0x7, v23;
	v24 =	vand.u32 $0xFFFFFFF0, v24  }
0xa6: {  	v23 =	vor.u32 v23, v24  }
0xa7: {  	v24 =	vperm.xlane v23, v4;
	_ =	sdelay $0x1  }
0xa8: {  	v25 =	vperm.xlane v23, v2;
	v24 =	vadd.s32 v5, v24;
	_ =	sdelay $0x1  }
0xa9: {  	v26 =	vperm.xlane v23, v0;
	v25 =	vadd.s32 v5, v25;
	_ =	sdelay $0x1  }
0xaa: {  	s10 =	simm.s32 $0x1A00;
	v27 =	vperm.xlane v23, v6;
	v26 =	vadd.s32 v5, v26  }
0xab: {  	[tilespmem:s10], [sflag:$0x1] =	stream.indirect_vreg.gather [hbm4b:s3+s21], $0x80, v24, vm0, $0xb8;
	[tilespmem:$0x19280] =	vst v63  }
0xac: {  	s12 =	simm.s32 $0x1A80;
	v24 =	vadd.s32 v5, v27;
	v27 =	vperm.xlane v23, v7  }
0xad: {  	[tilespmem:s12], [sflag:$0x1] =	stream.indirect_vreg.gather [hbm4b:s3+s21], $0x80, v25, vm0, $0xb8;
	[tilespmem:$0x19280] =	vst v63  }
0xae: {  	s23 =	simm.s32 $0x1B00;
	v25 =	vadd.s32 v5, v27;
	v27 =	vperm.xlane v23, v8  }
0xaf: {  	[tilespmem:s23], [sflag:$0x1] =	stream.indirect_vreg.gather [hbm4b:s3+s21], $0x80, v26, vm0, $0xb8;
	[tilespmem:$0x19280] =	vst v63  }
0xb0: {  	s25 =	simm.s32 $0x1B80;
	v26 =	vadd.s32 v5, v27;
	v27 =	vperm.xlane v23, v9  }
0xb1: {  	[tilespmem:s25], [sflag:$0x1] =	stream.indirect_vreg.gather [hbm4b:s3+s21], $0x80, v24, vm0, $0xb8;
	[tilespmem:$0x19280] =	vst v63  }
0xb2: {  	s26 =	simm.s32 $0x1C00;
	v24 =	vadd.s32 v5, v27;
	v27 =	vperm.xlane v23, v1  }
0xb3: {  	[tilespmem:s26], [sflag:$0x1] =	stream.indirect_vreg.gather [hbm4b:s3+s21], $0x80, v25, vm0, $0xb8;
	[tilespmem:$0x19280] =	vst v63  }
0xb4: {  	s2 =	simm.s32 $0x1C80;
	v25 =	vadd.s32 v5, v27;
	v27 =	vperm.xlane v23, v13  }
0xb5: {  	[tilespmem:s2], [sflag:$0x1] =	stream.indirect_vreg.gather [hbm4b:s3+s21], $0x80, v26, vm0, $0xb8;
	[tilespmem:$0x19280] =	vst v63  }
0xb6: {  	s6 =	simm.s32 $0x1D00;
	v26 =	vadd.s32 v5, v27;
	v27 =	vperm.xlane v23, v10  }
0xb7: {  	[tilespmem:s6], [sflag:$0x1] =	stream.indirect_vreg.gather [hbm4b:s3+s21], $0x80, v24, vm0, $0xb8;
	[tilespmem:$0x19280] =	vst v63  }
0xb8: {  	s7 =	simm.s32 $0x1D80;
	v24 =	vadd.s32 v5, v27;
	v27 =	vperm.xlane v23, v11  }
0xb9: {  	[tilespmem:s7], [sflag:$0x1] =	stream.indirect_vreg.gather [hbm4b:s3+s21], $0x80, v25, vm0, $0xb8;
	[tilespmem:$0x19280] =	vst v63  }
0xba: {  	s10 =	simm.s32 $0x1E00;
	v25 =	vadd.s32 v5, v27;
	v27 =	vperm.xlane v23, v12  }
0xbb: {  	[tilespmem:s10], [sflag:$0x1] =	stream.indirect_vreg.gather [hbm4b:s3+s21], $0x80, v26, vm0, $0xb8;
	[tilespmem:$0x19280] =	vst v63  }
0xbc: {  	s12 =	simm.s32 $0x1E80;
	v26 =	vadd.s32 v5, v27;
	v27 =	vperm.xlane v23, v14  }
0xbd: {  	[tilespmem:s12], [sflag:$0x1] =	stream.indirect_vreg.gather [hbm4b:s3+s21], $0x80, v24, vm0, $0xb8;
	[tilespmem:$0x19280] =	vst v63  }
0xbe: {  	s23 =	simm.s32 $0x1F00;
	v24 =	vadd.s32 v5, v27;
	v27 =	vperm.xlane v23, v16  }
0xbf: {  	[tilespmem:s23], [sflag:$0x1] =	stream.indirect_vreg.gather [hbm4b:s3+s21], $0x80, v25, vm0, $0xb8;
	[tilespmem:$0x19280] =	vst v63  }
0xc0: {  	s25 =	simm.s32 $0x1F80;
	v25 =	vadd.s32 v5, v27;
	v27 =	vperm.xlane v23, v18  }
0xc1: {  	[tilespmem:s25], [sflag:$0x1] =	stream.indirect_vreg.gather [hbm4b:s3+s21], $0x80, v26, vm0, $0xb8;
	[tilespmem:$0x19280] =	vst v63  }
0xc2: {  	s26 =	simm.s32 $0x2000;
	v23 =	vperm.xlane v23, v20;
	v26 =	vadd.s32 v5, v27  }
0xc3: {  	[tilespmem:s26], [sflag:$0x1] =	stream.indirect_vreg.gather [hbm4b:s3+s21], $0x80, v24, vm0, $0xb8;
	[tilespmem:$0x19280] =	vst v63  }
0xc4: {  	s2 =	simm.s32 $0x2080;
	v23 =	vadd.s32 v5, v23  }
0xc5: {  	[tilespmem:s2], [sflag:$0x1] =	stream.indirect_vreg.gather [hbm4b:s3+s21], $0x80, v25, vm0, $0xb8;
	[tilespmem:$0x19280] =	vst v63  }
0xc6: {  	s6 =	simm.s32 $0x2100  }
0xc7: {  	[tilespmem:s6], [sflag:$0x1] =	stream.indirect_vreg.gather [hbm4b:s3+s21], $0x80, v26, vm0, $0xb8;
	[tilespmem:$0x19280] =	vst v63  }
0xc8: {  	s7 =	simm.s32 $0x2180  }
0xc9: {  	[tilespmem:s7], [sflag:$0x1] =	stream.indirect_vreg.gather [hbm4b:s3+s21], $0x80, v23, vm0, $0xb8;
	[tilespmem:$0x19280] =	vst v63  }
0xca: {  	v23 =	vld [tilespmem:s22+$0x20];
	_ =	sdelay $0x4  }
0xcb: {  	v24 =	vshll.u32 v23, $0x1  }
0xcc: {  	v23 =	vand.u32 $0x7, v23;
	v24 =	vand.u32 $0xFFFFFFF0, v24  }
0xcd: {  	v23 =	vor.u32 v23, v24  }
0xce: {  	v24 =	vperm.xlane v23, v4;
	_ =	sdelay $0x1  }
0xcf: {  	v25 =	vperm.xlane v23, v2;
	v24 =	vadd.s32 v5, v24;
	_ =	sdelay $0x1  }
0xd0: {  	v26 =	vperm.xlane v23, v0;
	v25 =	vadd.s32 v5, v25;
	_ =	sdelay $0x1  }
0xd1: {  	s10 =	simm.s32 $0x2200;
	v27 =	vperm.xlane v23, v6;
	v26 =	vadd.s32 v5, v26  }
0xd2: {  	[tilespmem:s10], [sflag:$0x1] =	stream.indirect_vreg.gather [hbm4b:s3+s21], $0x80, v24, vm0, $0xb8;
	[tilespmem:$0x19280] =	vst v63  }
0xd3: {  	s12 =	simm.s32 $0x2280;
	v24 =	vadd.s32 v5, v27;
	v27 =	vperm.xlane v23, v7  }
0xd4: {  	[tilespmem:s12], [sflag:$0x1] =	stream.indirect_vreg.gather [hbm4b:s3+s21], $0x80, v25, vm0, $0xb8;
	[tilespmem:$0x19280] =	vst v63  }
0xd5: {  	s23 =	simm.s32 $0x2300;
	v25 =	vadd.s32 v5, v27;
	v27 =	vperm.xlane v23, v8  }
0xd6: {  	[tilespmem:s23], [sflag:$0x1] =	stream.indirect_vreg.gather [hbm4b:s3+s21], $0x80, v26, vm0, $0xb8;
	[tilespmem:$0x19280] =	vst v63  }
0xd7: {  	s25 =	simm.s32 $0x2380;
	v26 =	vadd.s32 v5, v27;
	v27 =	vperm.xlane v23, v9  }
0xd8: {  	[tilespmem:s25], [sflag:$0x1] =	stream.indirect_vreg.gather [hbm4b:s3+s21], $0x80, v24, vm0, $0xb8;
	[tilespmem:$0x19280] =	vst v63  }
0xd9: {  	s26 =	simm.s32 $0x2400;
	v24 =	vadd.s32 v5, v27;
	v27 =	vperm.xlane v23, v1  }
0xda: {  	[tilespmem:s26], [sflag:$0x1] =	stream.indirect_vreg.gather [hbm4b:s3+s21], $0x80, v25, vm0, $0xb8;
	[tilespmem:$0x19280] =	vst v63  }
0xdb: {  	s2 =	simm.s32 $0x2480;
	v25 =	vadd.s32 v5, v27;
	v27 =	vperm.xlane v23, v13  }
0xdc: {  	[tilespmem:s2], [sflag:$0x1] =	stream.indirect_vreg.gather [hbm4b:s3+s21], $0x80, v26, vm0, $0xb8;
	[tilespmem:$0x19280] =	vst v63  }
0xdd: {  	s6 =	simm.s32 $0x2500;
	v26 =	vadd.s32 v5, v27;
	v27 =	vperm.xlane v23, v10  }
0xde: {  	[tilespmem:s6], [sflag:$0x1] =	stream.indirect_vreg.gather [hbm4b:s3+s21], $0x80, v24, vm0, $0xb8;
	[tilespmem:$0x19280] =	vst v63  }
0xdf: {  	s7 =	simm.s32 $0x2580;
	v24 =	vadd.s32 v5, v27;
	v27 =	vperm.xlane v23, v11  }
0xe0: {  	[tilespmem:s7], [sflag:$0x1] =	stream.indirect_vreg.gather [hbm4b:s3+s21], $0x80, v25, vm0, $0xb8;
	[tilespmem:$0x19280] =	vst v63  }
0xe1: {  	s10 =	simm.s32 $0x2600;
	v25 =	vadd.s32 v5, v27;
	v27 =	vperm.xlane v23, v12  }
0xe2: {  	[tilespmem:s10], [sflag:$0x1] =	stream.indirect_vreg.gather [hbm4b:s3+s21], $0x80, v26, vm0, $0xb8;
	[tilespmem:$0x19280] =	vst v63  }
0xe3: {  	s12 =	simm.s32 $0x2680;
	v26 =	vadd.s32 v5, v27;
	v27 =	vperm.xlane v23, v14  }
0xe4: {  	[tilespmem:s12], [sflag:$0x1] =	stream.indirect_vreg.gather [hbm4b:s3+s21], $0x80, v24, vm0, $0xb8;
	[tilespmem:$0x19280] =	vst v63  }
0xe5: {  	s23 =	simm.s32 $0x2700;
	v24 =	vadd.s32 v5, v27;
	v27 =	vperm.xlane v23, v16  }
0xe6: {  	[tilespmem:s23], [sflag:$0x1] =	stream.indirect_vreg.gather [hbm4b:s3+s21], $0x80, v25, vm0, $0xb8;
	[tilespmem:$0x19280] =	vst v63  }
0xe7: {  	s25 =	simm.s32 $0x2780;
	v25 =	vadd.s32 v5, v27;
	v27 =	vperm.xlane v23, v18  }
0xe8: {  	[tilespmem:s25], [sflag:$0x1] =	stream.indirect_vreg.gather [hbm4b:s3+s21], $0x80, v26, vm0, $0xb8;
	[tilespmem:$0x19280] =	vst v63  }
0xe9: {  	s26 =	simm.s32 $0x2800;
	v23 =	vperm.xlane v23, v20;
	v26 =	vadd.s32 v5, v27  }
0xea: {  	[tilespmem:s26], [sflag:$0x1] =	stream.indirect_vreg.gather [hbm4b:s3+s21], $0x80, v24, vm0, $0xb8;
	[tilespmem:$0x19280] =	vst v63  }
0xeb: {  	s2 =	simm.s32 $0x2880;
	v23 =	vadd.s32 v5, v23  }
0xec: {  	[tilespmem:s2], [sflag:$0x1] =	stream.indirect_vreg.gather [hbm4b:s3+s21], $0x80, v25, vm0, $0xb8;
	[tilespmem:$0x19280] =	vst v63  }
0xed: {  	s6 =	simm.s32 $0x2900  }
0xee: {  	[tilespmem:s6], [sflag:$0x1] =	stream.indirect_vreg.gather [hbm4b:s3+s21], $0x80, v26, vm0, $0xb8;
	[tilespmem:$0x19280] =	vst v63  }
0xef: {  	s7 =	simm.s32 $0x2980  }
0xf0: {  	[tilespmem:s7], [sflag:$0x1] =	stream.indirect_vreg.gather [hbm4b:s3+s21], $0x80, v23, vm0, $0xb8;
	[tilespmem:$0x19280] =	vst v63  }
0xf1: {  	v23 =	vld [tilespmem:s22+$0x30];
	_ =	sdelay $0x4  }
0xf2: {  	v24 =	vshll.u32 v23, $0x1  }
0xf3: {  	v23 =	vand.u32 $0x7, v23;
	v24 =	vand.u32 $0xFFFFFFF0, v24  }
0xf4: {  	v23 =	vor.u32 v23, v24  }
0xf5: {  	v24 =	vperm.xlane v23, v4;
	_ =	sdelay $0x1  }
0xf6: {  	v25 =	vperm.xlane v23, v2;
	v24 =	vadd.s32 v5, v24;
	_ =	sdelay $0x1  }
0xf7: {  	v26 =	vperm.xlane v23, v0;
	v25 =	vadd.s32 v5, v25;
	_ =	sdelay $0x1  }
0xf8: {  	s10 =	simm.s32 $0x2A00;
	v27 =	vperm.xlane v23, v6;
	v26 =	vadd.s32 v5, v26  }
0xf9: {  	[tilespmem:s10], [sflag:$0x1] =	stream.indirect_vreg.gather [hbm4b:s3+s21], $0x80, v24, vm0, $0xb8;
	[tilespmem:$0x19280] =	vst v63  }
0xfa: {  	s12 =	simm.s32 $0x2A80;
	v24 =	vadd.s32 v5, v27;
	v27 =	vperm.xlane v23, v7  }
0xfb: {  	[tilespmem:s12], [sflag:$0x1] =	stream.indirect_vreg.gather [hbm4b:s3+s21], $0x80, v25, vm0, $0xb8;
	[tilespmem:$0x19280] =	vst v63  }
0xfc: {  	s23 =	simm.s32 $0x2B00;
	v25 =	vadd.s32 v5, v27;
	v27 =	vperm.xlane v23, v8  }
0xfd: {  	[tilespmem:s23], [sflag:$0x1] =	stream.indirect_vreg.gather [hbm4b:s3+s21], $0x80, v26, vm0, $0xb8;
	[tilespmem:$0x19280] =	vst v63  }
0xfe: {  	s25 =	simm.s32 $0x2B80;
	v26 =	vadd.s32 v5, v27;
	v27 =	vperm.xlane v23, v9  }
0xff: {  	[tilespmem:s25], [sflag:$0x1] =	stream.indirect_vreg.gather [hbm4b:s3+s21], $0x80, v24, vm0, $0xb8;
	[tilespmem:$0x19280] =	vst v63  }
0x100: {  	s26 =	simm.s32 $0x2C00;
	v24 =	vadd.s32 v5, v27;
	v27 =	vperm.xlane v23, v1  }
0x101: {  	[tilespmem:s26], [sflag:$0x1] =	stream.indirect_vreg.gather [hbm4b:s3+s21], $0x80, v25, vm0, $0xb8;
	[tilespmem:$0x19280] =	vst v63  }
0x102: {  	s2 =	simm.s32 $0x2C80;
	v25 =	vadd.s32 v5, v27;
	v27 =	vperm.xlane v23, v13  }
0x103: {  	[tilespmem:s2], [sflag:$0x1] =	stream.indirect_vreg.gather [hbm4b:s3+s21], $0x80, v26, vm0, $0xb8;
	[tilespmem:$0x19280] =	vst v63  }
0x104: {  	s6 =	simm.s32 $0x2D00;
	v26 =	vadd.s32 v5, v27;
	v27 =	vperm.xlane v23, v10  }
0x105: {  	[tilespmem:s6], [sflag:$0x1] =	stream.indirect_vreg.gather [hbm4b:s3+s21], $0x80, v24, vm0, $0xb8;
	[tilespmem:$0x19280] =	vst v63  }
0x106: {  	s7 =	simm.s32 $0x2D80;
	v24 =	vadd.s32 v5, v27;
	v27 =	vperm.xlane v23, v11  }
0x107: {  	[tilespmem:s7], [sflag:$0x1] =	stream.indirect_vreg.gather [hbm4b:s3+s21], $0x80, v25, vm0, $0xb8;
	[tilespmem:$0x19280] =	vst v63  }
0x108: {  	s10 =	simm.s32 $0x2E00;
	v25 =	vadd.s32 v5, v27;
	v27 =	vperm.xlane v23, v12  }
0x109: {  	[tilespmem:s10], [sflag:$0x1] =	stream.indirect_vreg.gather [hbm4b:s3+s21], $0x80, v26, vm0, $0xb8;
	[tilespmem:$0x19280] =	vst v63  }
0x10a: {  	s12 =	simm.s32 $0x2E80;
	v26 =	vadd.s32 v5, v27;
	v27 =	vperm.xlane v23, v14  }
0x10b: {  	[tilespmem:s12], [sflag:$0x1] =	stream.indirect_vreg.gather [hbm4b:s3+s21], $0x80, v24, vm0, $0xb8;
	[tilespmem:$0x19280] =	vst v63  }
0x10c: {  	s23 =	simm.s32 $0x2F00;
	v24 =	vadd.s32 v5, v27;
	v27 =	vperm.xlane v23, v16  }
0x10d: {  	[tilespmem:s23], [sflag:$0x1] =	stream.indirect_vreg.gather [hbm4b:s3+s21], $0x80, v25, vm0, $0xb8;
	[tilespmem:$0x19280] =	vst v63  }
0x10e: {  	s25 =	simm.s32 $0x2F80;
	v25 =	vadd.s32 v5, v27;
	v27 =	vperm.xlane v23, v18  }
0x10f: {  	[tilespmem:s25], [sflag:$0x1] =	stream.indirect_vreg.gather [hbm4b:s3+s21], $0x80, v26, vm0, $0xb8;
	[tilespmem:$0x19280] =	vst v63  }
0x110: {  	s26 =	simm.s32 $0x3000;
	v23 =	vperm.xlane v23, v20;
	v26 =	vadd.s32 v5, v27  }
0x111: {  	[tilespmem:s26], [sflag:$0x1] =	stream.indirect_vreg.gather [hbm4b:s3+s21], $0x80, v24, vm0, $0xb8;
	[tilespmem:$0x19280] =	vst v63  }
0x112: {  	s2 =	simm.s32 $0x3080;
	v23 =	vadd.s32 v5, v23  }
0x113: {  	[tilespmem:s2], [sflag:$0x1] =	stream.indirect_vreg.gather [hbm4b:s3+s21], $0x80, v25, vm0, $0xb8;
	[tilespmem:$0x19280] =	vst v63  }
0x114: {  	s6 =	simm.s32 $0x3100  }
0x115: {  	[tilespmem:s6], [sflag:$0x1] =	stream.indirect_vreg.gather [hbm4b:s3+s21], $0x80, v26, vm0, $0xb8;
	[tilespmem:$0x19280] =	vst v63  }
0x116: {  	s7 =	simm.s32 $0x3180  }
0x117: {  	[tilespmem:s7], [sflag:$0x1] =	stream.indirect_vreg.gather [hbm4b:s3+s21], $0x80, v23, vm0, $0xb8;
	[tilespmem:$0x19280] =	vst v63  }
0x118: {  	s10 =	simm.s32 $0xF00;
	s2 =	simm.s32 $0x40  }
0x119: {  	[tilespmem:s29], [sflag:$0x1] =	stream.indirect.gather [hbm4b:s5+s2], $0x80, s10, s2, $0xb8;
	[tilespmem:$0x19280] =	vst v63  }
0x11a: {  	v23 =	vld [tilespmem:s22+$0x280];
	_ =	sdelay $0x4  }
0x11b: {  	v24 =	vshll.u32 v23, $0x1  }
0x11c: {  	v23 =	vand.u32 $0x7, v23;
	v24 =	vand.u32 $0xFFFFFFF0, v24  }
0x11d: {  	v23 =	vor.u32 v23, v24  }
0x11e: {  	v24 =	vperm.xlane v23, v4;
	_ =	sdelay $0x1  }
0x11f: {  	v25 =	vperm.xlane v23, v2;
	v24 =	vadd.s32 v5, v24;
	_ =	sdelay $0x1  }
0x120: {  	v26 =	vperm.xlane v23, v0;
	v25 =	vadd.s32 v5, v25;
	_ =	sdelay $0x1  }
0x121: {  	s12 =	simm.s32 $0x3200;
	v27 =	vperm.xlane v23, v6;
	v26 =	vadd.s32 v5, v26  }
0x122: {  	[tilespmem:s12], [sflag:$0x1] =	stream.indirect_vreg.gather [hbm4b:s4+s21], $0x80, v24, vm0, $0xb8;
	[tilespmem:$0x19280] =	vst v63  }
0x123: {  	s23 =	simm.s32 $0x3280;
	v24 =	vadd.s32 v5, v27;
	v27 =	vperm.xlane v23, v7  }
0x124: {  	[tilespmem:s23], [sflag:$0x1] =	stream.indirect_vreg.gather [hbm4b:s4+s21], $0x80, v25, vm0, $0xb8;
	[tilespmem:$0x19280] =	vst v63  }
0x125: {  	s25 =	simm.s32 $0x3300;
	v25 =	vadd.s32 v5, v27;
	v27 =	vperm.xlane v23, v8  }
0x126: {  	[tilespmem:s25], [sflag:$0x1] =	stream.indirect_vreg.gather [hbm4b:s4+s21], $0x80, v26, vm0, $0xb8;
	[tilespmem:$0x19280] =	vst v63  }
0x127: {  	s26 =	simm.s32 $0x3380;
	v26 =	vadd.s32 v5, v27;
	v27 =	vperm.xlane v23, v9  }
0x128: {  	[tilespmem:s26], [sflag:$0x1] =	stream.indirect_vreg.gather [hbm4b:s4+s21], $0x80, v24, vm0, $0xb8;
	[tilespmem:$0x19280] =	vst v63  }
0x129: {  	s6 =	simm.s32 $0x3400;
	v24 =	vadd.s32 v5, v27;
	v27 =	vperm.xlane v23, v1  }
0x12a: {  	[tilespmem:s6], [sflag:$0x1] =	stream.indirect_vreg.gather [hbm4b:s4+s21], $0x80, v25, vm0, $0xb8;
	[tilespmem:$0x19280] =	vst v63  }
0x12b: {  	s7 =	simm.s32 $0x3480;
	v25 =	vadd.s32 v5, v27;
	v27 =	vperm.xlane v23, v13  }
0x12c: {  	[tilespmem:s7], [sflag:$0x1] =	stream.indirect_vreg.gather [hbm4b:s4+s21], $0x80, v26, vm0, $0xb8;
	[tilespmem:$0x19280] =	vst v63  }
0x12d: {  	s10 =	simm.s32 $0x3500;
	v26 =	vadd.s32 v5, v27;
	v27 =	vperm.xlane v23, v10  }
0x12e: {  	[tilespmem:s10], [sflag:$0x1] =	stream.indirect_vreg.gather [hbm4b:s4+s21], $0x80, v24, vm0, $0xb8;
	[tilespmem:$0x19280] =	vst v63  }
0x12f: {  	s12 =	simm.s32 $0x3580;
	v24 =	vadd.s32 v5, v27;
	v27 =	vperm.xlane v23, v11  }
0x130: {  	[tilespmem:s12], [sflag:$0x1] =	stream.indirect_vreg.gather [hbm4b:s4+s21], $0x80, v25, vm0, $0xb8;
	[tilespmem:$0x19280] =	vst v63  }
0x131: {  	s23 =	simm.s32 $0x3600;
	v25 =	vadd.s32 v5, v27;
	v27 =	vperm.xlane v23, v12  }
0x132: {  	[tilespmem:s23], [sflag:$0x1] =	stream.indirect_vreg.gather [hbm4b:s4+s21], $0x80, v26, vm0, $0xb8;
	[tilespmem:$0x19280] =	vst v63  }
0x133: {  	s25 =	simm.s32 $0x3680;
	v26 =	vadd.s32 v5, v27;
	v27 =	vperm.xlane v23, v14  }
0x134: {  	[tilespmem:s25], [sflag:$0x1] =	stream.indirect_vreg.gather [hbm4b:s4+s21], $0x80, v24, vm0, $0xb8;
	[tilespmem:$0x19280] =	vst v63  }
0x135: {  	s26 =	simm.s32 $0x3700;
	v24 =	vadd.s32 v5, v27;
	v27 =	vperm.xlane v23, v16  }
0x136: {  	[tilespmem:s26], [sflag:$0x1] =	stream.indirect_vreg.gather [hbm4b:s4+s21], $0x80, v25, vm0, $0xb8;
	[tilespmem:$0x19280] =	vst v63  }
0x137: {  	s6 =	simm.s32 $0x3780;
	v25 =	vadd.s32 v5, v27;
	v27 =	vperm.xlane v23, v18  }
0x138: {  	[tilespmem:s6], [sflag:$0x1] =	stream.indirect_vreg.gather [hbm4b:s4+s21], $0x80, v26, vm0, $0xb8;
	[tilespmem:$0x19280] =	vst v63  }
0x139: {  	s7 =	simm.s32 $0x3800;
	v23 =	vperm.xlane v23, v20;
	v26 =	vadd.s32 v5, v27  }
0x13a: {  	[tilespmem:s7], [sflag:$0x1] =	stream.indirect_vreg.gather [hbm4b:s4+s21], $0x80, v24, vm0, $0xb8;
	[tilespmem:$0x19280] =	vst v63  }
0x13b: {  	s10 =	simm.s32 $0x3880;
	v23 =	vadd.s32 v5, v23  }
0x13c: {  	[tilespmem:s10], [sflag:$0x1] =	stream.indirect_vreg.gather [hbm4b:s4+s21], $0x80, v25, vm0, $0xb8;
	[tilespmem:$0x19280] =	vst v63  }
0x13d: {  	s12 =	simm.s32 $0x3900  }
0x13e: {  	[tilespmem:s12], [sflag:$0x1] =	stream.indirect_vreg.gather [hbm4b:s4+s21], $0x80, v26, vm0, $0xb8;
	[tilespmem:$0x19280] =	vst v63  }
0x13f: {  	s23 =	simm.s32 $0x3980  }
0x140: {  	[tilespmem:s23], [sflag:$0x1] =	stream.indirect_vreg.gather [hbm4b:s4+s21], $0x80, v23, vm0, $0xb8;
	[tilespmem:$0x19280] =	vst v63  }
0x141: {  	v23 =	vld [tilespmem:s22+$0x290];
	_ =	sdelay $0x4  }
0x142: {  	v24 =	vshll.u32 v23, $0x1  }
0x143: {  	v23 =	vand.u32 $0x7, v23;
	v24 =	vand.u32 $0xFFFFFFF0, v24  }
0x144: {  	v23 =	vor.u32 v23, v24  }
0x145: {  	v24 =	vperm.xlane v23, v4;
	_ =	sdelay $0x1  }
0x146: {  	v25 =	vperm.xlane v23, v2;
	v24 =	vadd.s32 v5, v24;
	_ =	sdelay $0x1  }
0x147: {  	v26 =	vperm.xlane v23, v0;
	v25 =	vadd.s32 v5, v25;
	_ =	sdelay $0x1  }
0x148: {  	s25 =	simm.s32 $0x3A00;
	v27 =	vperm.xlane v23, v6;
	v26 =	vadd.s32 v5, v26  }
0x149: {  	[tilespmem:s25], [sflag:$0x1] =	stream.indirect_vreg.gather [hbm4b:s4+s21], $0x80, v24, vm0, $0xb8;
	[tilespmem:$0x19280] =	vst v63  }
0x14a: {  	s26 =	simm.s32 $0x3A80;
	v24 =	vadd.s32 v5, v27;
	v27 =	vperm.xlane v23, v7  }
0x14b: {  	[tilespmem:s26], [sflag:$0x1] =	stream.indirect_vreg.gather [hbm4b:s4+s21], $0x80, v25, vm0, $0xb8;
	[tilespmem:$0x19280] =	vst v63  }
0x14c: {  	s6 =	simm.s32 $0x3B00;
	v25 =	vadd.s32 v5, v27;
	v27 =	vperm.xlane v23, v8  }
0x14d: {  	[tilespmem:s6], [sflag:$0x1] =	stream.indirect_vreg.gather [hbm4b:s4+s21], $0x80, v26, vm0, $0xb8;
	[tilespmem:$0x19280] =	vst v63  }
0x14e: {  	s7 =	simm.s32 $0x3B80;
	v26 =	vadd.s32 v5, v27;
	v27 =	vperm.xlane v23, v9  }
0x14f: {  	[tilespmem:s7], [sflag:$0x1] =	stream.indirect_vreg.gather [hbm4b:s4+s21], $0x80, v24, vm0, $0xb8;
	[tilespmem:$0x19280] =	vst v63  }
0x150: {  	s10 =	simm.s32 $0x3C00;
	v24 =	vadd.s32 v5, v27;
	v27 =	vperm.xlane v23, v1  }
0x151: {  	[tilespmem:s10], [sflag:$0x1] =	stream.indirect_vreg.gather [hbm4b:s4+s21], $0x80, v25, vm0, $0xb8;
	[tilespmem:$0x19280] =	vst v63  }
0x152: {  	s12 =	simm.s32 $0x3C80;
	v25 =	vadd.s32 v5, v27;
	v27 =	vperm.xlane v23, v13  }
0x153: {  	[tilespmem:s12], [sflag:$0x1] =	stream.indirect_vreg.gather [hbm4b:s4+s21], $0x80, v26, vm0, $0xb8;
	[tilespmem:$0x19280] =	vst v63  }
0x154: {  	s23 =	simm.s32 $0x3D00;
	v26 =	vadd.s32 v5, v27;
	v27 =	vperm.xlane v23, v10  }
0x155: {  	[tilespmem:s23], [sflag:$0x1] =	stream.indirect_vreg.gather [hbm4b:s4+s21], $0x80, v24, vm0, $0xb8;
	[tilespmem:$0x19280] =	vst v63  }
0x156: {  	s25 =	simm.s32 $0x3D80;
	v24 =	vadd.s32 v5, v27;
	v27 =	vperm.xlane v23, v11  }
0x157: {  	[tilespmem:s25], [sflag:$0x1] =	stream.indirect_vreg.gather [hbm4b:s4+s21], $0x80, v25, vm0, $0xb8;
	[tilespmem:$0x19280] =	vst v63  }
0x158: {  	s26 =	simm.s32 $0x3E00;
	v25 =	vadd.s32 v5, v27;
	v27 =	vperm.xlane v23, v12  }
0x159: {  	[tilespmem:s26], [sflag:$0x1] =	stream.indirect_vreg.gather [hbm4b:s4+s21], $0x80, v26, vm0, $0xb8;
	[tilespmem:$0x19280] =	vst v63  }
0x15a: {  	s6 =	simm.s32 $0x3E80;
	v26 =	vadd.s32 v5, v27;
	v27 =	vperm.xlane v23, v14  }
0x15b: {  	[tilespmem:s6], [sflag:$0x1] =	stream.indirect_vreg.gather [hbm4b:s4+s21], $0x80, v24, vm0, $0xb8;
	[tilespmem:$0x19280] =	vst v63  }
0x15c: {  	s7 =	simm.s32 $0x3F00;
	v24 =	vadd.s32 v5, v27;
	v27 =	vperm.xlane v23, v16  }
0x15d: {  	[tilespmem:s7], [sflag:$0x1] =	stream.indirect_vreg.gather [hbm4b:s4+s21], $0x80, v25, vm0, $0xb8;
	[tilespmem:$0x19280] =	vst v63  }
0x15e: {  	s10 =	simm.s32 $0x3F80;
	v25 =	vadd.s32 v5, v27;
	v27 =	vperm.xlane v23, v18  }
0x15f: {  	[tilespmem:s10], [sflag:$0x1] =	stream.indirect_vreg.gather [hbm4b:s4+s21], $0x80, v26, vm0, $0xb8;
	[tilespmem:$0x19280] =	vst v63  }
0x160: {  	s12 =	simm.s32 $0x4000;
	v23 =	vperm.xlane v23, v20;
	v26 =	vadd.s32 v5, v27  }
0x161: {  	[tilespmem:s12], [sflag:$0x1] =	stream.indirect_vreg.gather [hbm4b:s4+s21], $0x80, v24, vm0, $0xb8;
	[tilespmem:$0x19280] =	vst v63  }
0x162: {  	s23 =	simm.s32 $0x4080;
	v23 =	vadd.s32 v5, v23  }
0x163: {  	[tilespmem:s23], [sflag:$0x1] =	stream.indirect_vreg.gather [hbm4b:s4+s21], $0x80, v25, vm0, $0xb8;
	[tilespmem:$0x19280] =	vst v63  }
0x164: {  	s25 =	simm.s32 $0x4100  }
0x165: {  	[tilespmem:s25], [sflag:$0x1] =	stream.indirect_vreg.gather [hbm4b:s4+s21], $0x80, v26, vm0, $0xb8;
	[tilespmem:$0x19280] =	vst v63  }
0x166: {  	s26 =	simm.s32 $0x4180  }
0x167: {  	[tilespmem:s26], [sflag:$0x1] =	stream.indirect_vreg.gather [hbm4b:s4+s21], $0x80, v23, vm0, $0xb8;
	[tilespmem:$0x19280] =	vst v63  }
0x168: {  	v23 =	vld [tilespmem:s22+$0x2A0];
	_ =	sdelay $0x4  }
0x169: {  	v24 =	vshll.u32 v23, $0x1  }
0x16a: {  	v23 =	vand.u32 $0x7, v23;
	v24 =	vand.u32 $0xFFFFFFF0, v24  }
0x16b: {  	v23 =	vor.u32 v23, v24  }
0x16c: {  	v24 =	vperm.xlane v23, v4;
	_ =	sdelay $0x1  }
0x16d: {  	v25 =	vperm.xlane v23, v2;
	v24 =	vadd.s32 v5, v24;
	_ =	sdelay $0x1  }
0x16e: {  	v26 =	vperm.xlane v23, v0;
	v25 =	vadd.s32 v5, v25;
	_ =	sdelay $0x1  }
0x16f: {  	s6 =	simm.s32 $0x4200;
	v27 =	vperm.xlane v23, v6;
	v26 =	vadd.s32 v5, v26  }
0x170: {  	[tilespmem:s6], [sflag:$0x1] =	stream.indirect_vreg.gather [hbm4b:s4+s21], $0x80, v24, vm0, $0xb8;
	[tilespmem:$0x19280] =	vst v63  }
0x171: {  	s7 =	simm.s32 $0x4280;
	v24 =	vadd.s32 v5, v27;
	v27 =	vperm.xlane v23, v7  }
0x172: {  	[tilespmem:s7], [sflag:$0x1] =	stream.indirect_vreg.gather [hbm4b:s4+s21], $0x80, v25, vm0, $0xb8;
	[tilespmem:$0x19280] =	vst v63  }
0x173: {  	s10 =	simm.s32 $0x4300;
	v25 =	vadd.s32 v5, v27;
	v27 =	vperm.xlane v23, v8  }
0x174: {  	[tilespmem:s10], [sflag:$0x1] =	stream.indirect_vreg.gather [hbm4b:s4+s21], $0x80, v26, vm0, $0xb8;
	[tilespmem:$0x19280] =	vst v63  }
0x175: {  	s12 =	simm.s32 $0x4380;
	v26 =	vadd.s32 v5, v27;
	v27 =	vperm.xlane v23, v9  }
0x176: {  	[tilespmem:s12], [sflag:$0x1] =	stream.indirect_vreg.gather [hbm4b:s4+s21], $0x80, v24, vm0, $0xb8;
	[tilespmem:$0x19280] =	vst v63  }
0x177: {  	s23 =	simm.s32 $0x4400;
	v24 =	vadd.s32 v5, v27;
	v27 =	vperm.xlane v23, v1  }
0x178: {  	[tilespmem:s23], [sflag:$0x1] =	stream.indirect_vreg.gather [hbm4b:s4+s21], $0x80, v25, vm0, $0xb8;
	[tilespmem:$0x19280] =	vst v63  }
0x179: {  	s25 =	simm.s32 $0x4480;
	v25 =	vadd.s32 v5, v27;
	v27 =	vperm.xlane v23, v13  }
0x17a: {  	[tilespmem:s25], [sflag:$0x1] =	stream.indirect_vreg.gather [hbm4b:s4+s21], $0x80, v26, vm0, $0xb8;
	[tilespmem:$0x19280] =	vst v63  }
0x17b: {  	s26 =	simm.s32 $0x4500;
	v26 =	vadd.s32 v5, v27;
	v27 =	vperm.xlane v23, v10  }
0x17c: {  	[tilespmem:s26], [sflag:$0x1] =	stream.indirect_vreg.gather [hbm4b:s4+s21], $0x80, v24, vm0, $0xb8;
	[tilespmem:$0x19280] =	vst v63  }
0x17d: {  	s6 =	simm.s32 $0x4580;
	v24 =	vadd.s32 v5, v27;
	v27 =	vperm.xlane v23, v11  }
0x17e: {  	[tilespmem:s6], [sflag:$0x1] =	stream.indirect_vreg.gather [hbm4b:s4+s21], $0x80, v25, vm0, $0xb8;
	[tilespmem:$0x19280] =	vst v63  }
0x17f: {  	s7 =	simm.s32 $0x4600;
	v25 =	vadd.s32 v5, v27;
	v27 =	vperm.xlane v23, v12  }
0x180: {  	[tilespmem:s7], [sflag:$0x1] =	stream.indirect_vreg.gather [hbm4b:s4+s21], $0x80, v26, vm0, $0xb8;
	[tilespmem:$0x19280] =	vst v63  }
0x181: {  	s10 =	simm.s32 $0x4680;
	v26 =	vadd.s32 v5, v27;
	v27 =	vperm.xlane v23, v14  }
0x182: {  	[tilespmem:s10], [sflag:$0x1] =	stream.indirect_vreg.gather [hbm4b:s4+s21], $0x80, v24, vm0, $0xb8;
	[tilespmem:$0x19280] =	vst v63  }
0x183: {  	s12 =	simm.s32 $0x4700;
	v24 =	vadd.s32 v5, v27;
	v27 =	vperm.xlane v23, v16  }
0x184: {  	[tilespmem:s12], [sflag:$0x1] =	stream.indirect_vreg.gather [hbm4b:s4+s21], $0x80, v25, vm0, $0xb8;
	[tilespmem:$0x19280] =	vst v63  }
0x185: {  	s23 =	simm.s32 $0x4780;
	v25 =	vadd.s32 v5, v27;
	v27 =	vperm.xlane v23, v18  }
0x186: {  	[tilespmem:s23], [sflag:$0x1] =	stream.indirect_vreg.gather [hbm4b:s4+s21], $0x80, v26, vm0, $0xb8;
	[tilespmem:$0x19280] =	vst v63  }
0x187: {  	s25 =	simm.s32 $0x4800;
	v23 =	vperm.xlane v23, v20;
	v26 =	vadd.s32 v5, v27  }
0x188: {  	[tilespmem:s25], [sflag:$0x1] =	stream.indirect_vreg.gather [hbm4b:s4+s21], $0x80, v24, vm0, $0xb8;
	[tilespmem:$0x19280] =	vst v63  }
0x189: {  	s26 =	simm.s32 $0x4880;
	v23 =	vadd.s32 v5, v23  }
0x18a: {  	[tilespmem:s26], [sflag:$0x1] =	stream.indirect_vreg.gather [hbm4b:s4+s21], $0x80, v25, vm0, $0xb8;
	[tilespmem:$0x19280] =	vst v63  }
0x18b: {  	s6 =	simm.s32 $0x4900  }
0x18c: {  	[tilespmem:s6], [sflag:$0x1] =	stream.indirect_vreg.gather [hbm4b:s4+s21], $0x80, v26, vm0, $0xb8;
	[tilespmem:$0x19280] =	vst v63  }
0x18d: {  	s7 =	simm.s32 $0x4980  }
0x18e: {  	[tilespmem:s7], [sflag:$0x1] =	stream.indirect_vreg.gather [hbm4b:s4+s21], $0x80, v23, vm0, $0xb8;
	[tilespmem:$0x19280] =	vst v63  }
0x18f: {  	v23 =	vld [tilespmem:s22+$0x2B0];
	_ =	sdelay $0x4  }
0x190: {  	v24 =	vshll.u32 v23, $0x1  }
0x191: {  	v23 =	vand.u32 $0x7, v23;
	v24 =	vand.u32 $0xFFFFFFF0, v24  }
0x192: {  	v23 =	vor.u32 v23, v24  }
0x193: {  	v24 =	vperm.xlane v23, v4;
	_ =	sdelay $0x1  }
0x194: {  	v25 =	vperm.xlane v23, v2;
	v24 =	vadd.s32 v5, v24;
	_ =	sdelay $0x1  }
0x195: {  	v26 =	vperm.xlane v23, v0;
	v25 =	vadd.s32 v5, v25;
	_ =	sdelay $0x1  }
0x196: {  	s10 =	simm.s32 $0x4A00;
	v27 =	vperm.xlane v23, v6;
	v26 =	vadd.s32 v5, v26  }
0x197: {  	[tilespmem:s10], [sflag:$0x1] =	stream.indirect_vreg.gather [hbm4b:s4+s21], $0x80, v24, vm0, $0xb8;
	[tilespmem:$0x19280] =	vst v63  }
0x198: {  	s12 =	simm.s32 $0x4A80;
	v24 =	vadd.s32 v5, v27;
	v27 =	vperm.xlane v23, v7  }
0x199: {  	[tilespmem:s12], [sflag:$0x1] =	stream.indirect_vreg.gather [hbm4b:s4+s21], $0x80, v25, vm0, $0xb8;
	[tilespmem:$0x19280] =	vst v63  }
0x19a: {  	s23 =	simm.s32 $0x4B00;
	v25 =	vadd.s32 v5, v27;
	v27 =	vperm.xlane v23, v8  }
0x19b: {  	[tilespmem:s23], [sflag:$0x1] =	stream.indirect_vreg.gather [hbm4b:s4+s21], $0x80, v26, vm0, $0xb8;
	[tilespmem:$0x19280] =	vst v63  }
0x19c: {  	s25 =	simm.s32 $0x4B80;
	v26 =	vadd.s32 v5, v27;
	v27 =	vperm.xlane v23, v9  }
0x19d: {  	[tilespmem:s25], [sflag:$0x1] =	stream.indirect_vreg.gather [hbm4b:s4+s21], $0x80, v24, vm0, $0xb8;
	[tilespmem:$0x19280] =	vst v63  }
0x19e: {  	s26 =	simm.s32 $0x4C00;
	v24 =	vadd.s32 v5, v27;
	v27 =	vperm.xlane v23, v1  }
0x19f: {  	[tilespmem:s26], [sflag:$0x1] =	stream.indirect_vreg.gather [hbm4b:s4+s21], $0x80, v25, vm0, $0xb8;
	[tilespmem:$0x19280] =	vst v63  }
0x1a0: {  	s6 =	simm.s32 $0x4C80;
	v25 =	vadd.s32 v5, v27;
	v27 =	vperm.xlane v23, v13  }
0x1a1: {  	[tilespmem:s6], [sflag:$0x1] =	stream.indirect_vreg.gather [hbm4b:s4+s21], $0x80, v26, vm0, $0xb8;
	[tilespmem:$0x19280] =	vst v63  }
0x1a2: {  	s7 =	simm.s32 $0x4D00;
	v26 =	vadd.s32 v5, v27;
	v27 =	vperm.xlane v23, v10  }
0x1a3: {  	[tilespmem:s7], [sflag:$0x1] =	stream.indirect_vreg.gather [hbm4b:s4+s21], $0x80, v24, vm0, $0xb8;
	[tilespmem:$0x19280] =	vst v63  }
0x1a4: {  	s10 =	simm.s32 $0x4D80;
	v24 =	vadd.s32 v5, v27;
	v27 =	vperm.xlane v23, v11  }
0x1a5: {  	[tilespmem:s10], [sflag:$0x1] =	stream.indirect_vreg.gather [hbm4b:s4+s21], $0x80, v25, vm0, $0xb8;
	[tilespmem:$0x19280] =	vst v63  }
0x1a6: {  	s12 =	simm.s32 $0x4E00;
	v25 =	vadd.s32 v5, v27;
	v27 =	vperm.xlane v23, v12  }
0x1a7: {  	[tilespmem:s12], [sflag:$0x1] =	stream.indirect_vreg.gather [hbm4b:s4+s21], $0x80, v26, vm0, $0xb8;
	[tilespmem:$0x19280] =	vst v63  }
0x1a8: {  	s23 =	simm.s32 $0x4E80;
	v26 =	vadd.s32 v5, v27;
	v27 =	vperm.xlane v23, v14  }
0x1a9: {  	[tilespmem:s23], [sflag:$0x1] =	stream.indirect_vreg.gather [hbm4b:s4+s21], $0x80, v24, vm0, $0xb8;
	[tilespmem:$0x19280] =	vst v63  }
0x1aa: {  	s25 =	simm.s32 $0x4F00;
	v24 =	vadd.s32 v5, v27;
	v27 =	vperm.xlane v23, v16  }
0x1ab: {  	[tilespmem:s25], [sflag:$0x1] =	stream.indirect_vreg.gather [hbm4b:s4+s21], $0x80, v25, vm0, $0xb8;
	[tilespmem:$0x19280] =	vst v63  }
0x1ac: {  	s26 =	simm.s32 $0x4F80;
	v25 =	vadd.s32 v5, v27;
	v27 =	vperm.xlane v23, v18  }
0x1ad: {  	[tilespmem:s26], [sflag:$0x1] =	stream.indirect_vreg.gather [hbm4b:s4+s21], $0x80, v26, vm0, $0xb8;
	[tilespmem:$0x19280] =	vst v63  }
0x1ae: {  	s6 =	simm.s32 $0x5000;
	v23 =	vperm.xlane v23, v20;
	v26 =	vadd.s32 v5, v27  }
0x1af: {  	[tilespmem:s6], [sflag:$0x1] =	stream.indirect_vreg.gather [hbm4b:s4+s21], $0x80, v24, vm0, $0xb8;
	[tilespmem:$0x19280] =	vst v63  }
0x1b0: {  	s7 =	simm.s32 $0x5080;
	v23 =	vadd.s32 v5, v23  }
0x1b1: {  	[tilespmem:s7], [sflag:$0x1] =	stream.indirect_vreg.gather [hbm4b:s4+s21], $0x80, v25, vm0, $0xb8;
	[tilespmem:$0x19280] =	vst v63  }
0x1b2: {  	s10 =	simm.s32 $0x5100  }
0x1b3: {  	[tilespmem:s10], [sflag:$0x1] =	stream.indirect_vreg.gather [hbm4b:s4+s21], $0x80, v26, vm0, $0xb8;
	[tilespmem:$0x19280] =	vst v63  }
0x1b4: {  	s12 =	simm.s32 $0x5180  }
0x1b5: {  	[tilespmem:s12], [sflag:$0x1] =	stream.indirect_vreg.gather [hbm4b:s4+s21], $0x80, v23, vm0, $0xb8;
	[tilespmem:$0x19280] =	vst v63  }
0x1b6: {  	s0 =	rddreg [dreg:$0x8];
	s6 =	simm.s32 $0xF80  }
0x1b7: {  	[tilespmem:s17], [sflag:$0x1] =	stream.indirect.gather [hbm4b:s0+s2], $0x80, s6, s2, $0xb8;
	[tilespmem:$0x19280] =	vst v63  }
0x1b8: {  	v23 =	vld [tilespmem:s22+$0x500];
	_ =	sdelay $0x4  }
0x1b9: {  	v24 =	vshll.u32 v23, $0x1  }
0x1ba: {  	v23 =	vand.u32 $0x7, v23;
	v24 =	vand.u32 $0xFFFFFFF0, v24  }
0x1bb: {  	v23 =	vor.u32 v23, v24  }
0x1bc: {  	v24 =	vperm.xlane v23, v4;
	_ =	sdelay $0x1  }
0x1bd: {  	v25 =	vperm.xlane v23, v2;
	v24 =	vadd.s32 v5, v24;
	_ =	sdelay $0x1  }
0x1be: {  	v26 =	vperm.xlane v23, v0;
	v25 =	vadd.s32 v5, v25;
	_ =	sdelay $0x1  }
0x1bf: {  	s23 =	simm.s32 $0x5200;
	v27 =	vperm.xlane v23, v6;
	v26 =	vadd.s32 v5, v26  }
0x1c0: {  	[tilespmem:s23], [sflag:$0x1] =	stream.indirect_vreg.gather [hbm4b:s3+s21], $0x80, v24, vm0, $0xb8;
	[tilespmem:$0x19280] =	vst v63  }
0x1c1: {  	s25 =	simm.s32 $0x5280;
	v24 =	vadd.s32 v5, v27;
	v27 =	vperm.xlane v23, v7  }
0x1c2: {  	[tilespmem:s25], [sflag:$0x1] =	stream.indirect_vreg.gather [hbm4b:s3+s21], $0x80, v25, vm0, $0xb8;
	[tilespmem:$0x19280] =	vst v63  }
0x1c3: {  	s26 =	simm.s32 $0x5300;
	v25 =	vadd.s32 v5, v27;
	v27 =	vperm.xlane v23, v8  }
0x1c4: {  	[tilespmem:s26], [sflag:$0x1] =	stream.indirect_vreg.gather [hbm4b:s3+s21], $0x80, v26, vm0, $0xb8;
	[tilespmem:$0x19280] =	vst v63  }
0x1c5: {  	s7 =	simm.s32 $0x5380;
	v26 =	vadd.s32 v5, v27;
	v27 =	vperm.xlane v23, v9  }
0x1c6: {  	[tilespmem:s7], [sflag:$0x1] =	stream.indirect_vreg.gather [hbm4b:s3+s21], $0x80, v24, vm0, $0xb8;
	[tilespmem:$0x19280] =	vst v63  }
0x1c7: {  	s10 =	simm.s32 $0x5400;
	v24 =	vadd.s32 v5, v27;
	v27 =	vperm.xlane v23, v1  }
0x1c8: {  	[tilespmem:s10], [sflag:$0x1] =	stream.indirect_vreg.gather [hbm4b:s3+s21], $0x80, v25, vm0, $0xb8;
	[tilespmem:$0x19280] =	vst v63  }
0x1c9: {  	s12 =	simm.s32 $0x5480;
	v25 =	vadd.s32 v5, v27;
	v27 =	vperm.xlane v23, v13  }
0x1ca: {  	[tilespmem:s12], [sflag:$0x1] =	stream.indirect_vreg.gather [hbm4b:s3+s21], $0x80, v26, vm0, $0xb8;
	[tilespmem:$0x19280] =	vst v63  }
0x1cb: {  	s23 =	simm.s32 $0x5500;
	v26 =	vadd.s32 v5, v27;
	v27 =	vperm.xlane v23, v10  }
0x1cc: {  	[tilespmem:s23], [sflag:$0x1] =	stream.indirect_vreg.gather [hbm4b:s3+s21], $0x80, v24, vm0, $0xb8;
	[tilespmem:$0x19280] =	vst v63  }
0x1cd: {  	s25 =	simm.s32 $0x5580;
	v24 =	vadd.s32 v5, v27;
	v27 =	vperm.xlane v23, v11  }
0x1ce: {  	[tilespmem:s25], [sflag:$0x1] =	stream.indirect_vreg.gather [hbm4b:s3+s21], $0x80, v25, vm0, $0xb8;
	[tilespmem:$0x19280] =	vst v63  }
0x1cf: {  	s26 =	simm.s32 $0x5600;
	v25 =	vadd.s32 v5, v27;
	v27 =	vperm.xlane v23, v12  }
0x1d0: {  	[tilespmem:s26], [sflag:$0x1] =	stream.indirect_vreg.gather [hbm4b:s3+s21], $0x80, v26, vm0, $0xb8;
	[tilespmem:$0x19280] =	vst v63  }
0x1d1: {  	s7 =	simm.s32 $0x5680;
	v26 =	vadd.s32 v5, v27;
	v27 =	vperm.xlane v23, v14  }
0x1d2: {  	[tilespmem:s7], [sflag:$0x1] =	stream.indirect_vreg.gather [hbm4b:s3+s21], $0x80, v24, vm0, $0xb8;
	[tilespmem:$0x19280] =	vst v63  }
0x1d3: {  	s10 =	simm.s32 $0x5700;
	v24 =	vadd.s32 v5, v27;
	v27 =	vperm.xlane v23, v16  }
0x1d4: {  	[tilespmem:s10], [sflag:$0x1] =	stream.indirect_vreg.gather [hbm4b:s3+s21], $0x80, v25, vm0, $0xb8;
	[tilespmem:$0x19280] =	vst v63  }
0x1d5: {  	s12 =	simm.s32 $0x5780;
	v25 =	vadd.s32 v5, v27;
	v27 =	vperm.xlane v23, v18  }
0x1d6: {  	[tilespmem:s12], [sflag:$0x1] =	stream.indirect_vreg.gather [hbm4b:s3+s21], $0x80, v26, vm0, $0xb8;
	[tilespmem:$0x19280] =	vst v63  }
0x1d7: {  	s23 =	simm.s32 $0x5800;
	v23 =	vperm.xlane v23, v20;
	v26 =	vadd.s32 v5, v27  }
0x1d8: {  	[tilespmem:s23], [sflag:$0x1] =	stream.indirect_vreg.gather [hbm4b:s3+s21], $0x80, v24, vm0, $0xb8;
	[tilespmem:$0x19280] =	vst v63  }
0x1d9: {  	s25 =	simm.s32 $0x5880;
	v23 =	vadd.s32 v5, v23  }
0x1da: {  	[tilespmem:s25], [sflag:$0x1] =	stream.indirect_vreg.gather [hbm4b:s3+s21], $0x80, v25, vm0, $0xb8;
	[tilespmem:$0x19280] =	vst v63  }
0x1db: {  	s26 =	simm.s32 $0x5900  }
0x1dc: {  	[tilespmem:s26], [sflag:$0x1] =	stream.indirect_vreg.gather [hbm4b:s3+s21], $0x80, v26, vm0, $0xb8;
	[tilespmem:$0x19280] =	vst v63  }
0x1dd: {  	s7 =	simm.s32 $0x5980  }
0x1de: {  	[tilespmem:s7], [sflag:$0x1] =	stream.indirect_vreg.gather [hbm4b:s3+s21], $0x80, v23, vm0, $0xb8;
	[tilespmem:$0x19280] =	vst v63  }
0x1df: {  	v23 =	vld [tilespmem:s22+$0x510];
	_ =	sdelay $0x4  }
0x1e0: {  	v24 =	vshll.u32 v23, $0x1  }
0x1e1: {  	v23 =	vand.u32 $0x7, v23;
	v24 =	vand.u32 $0xFFFFFFF0, v24  }
0x1e2: {  	v23 =	vor.u32 v23, v24  }
0x1e3: {  	v24 =	vperm.xlane v23, v4;
	_ =	sdelay $0x1  }
0x1e4: {  	v25 =	vperm.xlane v23, v2;
	v24 =	vadd.s32 v5, v24;
	_ =	sdelay $0x1  }
0x1e5: {  	v26 =	vperm.xlane v23, v0;
	v25 =	vadd.s32 v5, v25;
	_ =	sdelay $0x1  }
0x1e6: {  	s10 =	simm.s32 $0x5A00;
	v27 =	vperm.xlane v23, v6;
	v26 =	vadd.s32 v5, v26  }
0x1e7: {  	[tilespmem:s10], [sflag:$0x1] =	stream.indirect_vreg.gather [hbm4b:s3+s21], $0x80, v24, vm0, $0xb8;
	[tilespmem:$0x19280] =	vst v63  }
0x1e8: {  	s12 =	simm.s32 $0x5A80;
	v24 =	vadd.s32 v5, v27;
	v27 =	vperm.xlane v23, v7  }
0x1e9: {  	[tilespmem:s12], [sflag:$0x1] =	stream.indirect_vreg.gather [hbm4b:s3+s21], $0x80, v25, vm0, $0xb8;
	[tilespmem:$0x19280] =	vst v63  }
0x1ea: {  	s23 =	simm.s32 $0x5B00;
	v25 =	vadd.s32 v5, v27;
	v27 =	vperm.xlane v23, v8  }
0x1eb: {  	[tilespmem:s23], [sflag:$0x1] =	stream.indirect_vreg.gather [hbm4b:s3+s21], $0x80, v26, vm0, $0xb8;
	[tilespmem:$0x19280] =	vst v63  }
0x1ec: {  	s25 =	simm.s32 $0x5B80;
	v26 =	vadd.s32 v5, v27;
	v27 =	vperm.xlane v23, v9  }
0x1ed: {  	[tilespmem:s25], [sflag:$0x1] =	stream.indirect_vreg.gather [hbm4b:s3+s21], $0x80, v24, vm0, $0xb8;
	[tilespmem:$0x19280] =	vst v63  }
0x1ee: {  	s26 =	simm.s32 $0x5C00;
	v24 =	vadd.s32 v5, v27;
	v27 =	vperm.xlane v23, v1  }
0x1ef: {  	[tilespmem:s26], [sflag:$0x1] =	stream.indirect_vreg.gather [hbm4b:s3+s21], $0x80, v25, vm0, $0xb8;
	[tilespmem:$0x19280] =	vst v63  }
0x1f0: {  	s7 =	simm.s32 $0x5C80;
	v25 =	vadd.s32 v5, v27;
	v27 =	vperm.xlane v23, v13  }
0x1f1: {  	[tilespmem:s7], [sflag:$0x1] =	stream.indirect_vreg.gather [hbm4b:s3+s21], $0x80, v26, vm0, $0xb8;
	[tilespmem:$0x19280] =	vst v63  }
0x1f2: {  	s10 =	simm.s32 $0x5D00;
	v26 =	vadd.s32 v5, v27;
	v27 =	vperm.xlane v23, v10  }
0x1f3: {  	[tilespmem:s10], [sflag:$0x1] =	stream.indirect_vreg.gather [hbm4b:s3+s21], $0x80, v24, vm0, $0xb8;
	[tilespmem:$0x19280] =	vst v63  }
0x1f4: {  	s12 =	simm.s32 $0x5D80;
	v24 =	vadd.s32 v5, v27;
	v27 =	vperm.xlane v23, v11  }
0x1f5: {  	[tilespmem:s12], [sflag:$0x1] =	stream.indirect_vreg.gather [hbm4b:s3+s21], $0x80, v25, vm0, $0xb8;
	[tilespmem:$0x19280] =	vst v63  }
0x1f6: {  	s23 =	simm.s32 $0x5E00;
	v25 =	vadd.s32 v5, v27;
	v27 =	vperm.xlane v23, v12  }
0x1f7: {  	[tilespmem:s23], [sflag:$0x1] =	stream.indirect_vreg.gather [hbm4b:s3+s21], $0x80, v26, vm0, $0xb8;
	[tilespmem:$0x19280] =	vst v63  }
0x1f8: {  	s25 =	simm.s32 $0x5E80;
	v26 =	vadd.s32 v5, v27;
	v27 =	vperm.xlane v23, v14  }
0x1f9: {  	[tilespmem:s25], [sflag:$0x1] =	stream.indirect_vreg.gather [hbm4b:s3+s21], $0x80, v24, vm0, $0xb8;
	[tilespmem:$0x19280] =	vst v63  }
0x1fa: {  	s26 =	simm.s32 $0x5F00;
	v24 =	vadd.s32 v5, v27;
	v27 =	vperm.xlane v23, v16  }
0x1fb: {  	[tilespmem:s26], [sflag:$0x1] =	stream.indirect_vreg.gather [hbm4b:s3+s21], $0x80, v25, vm0, $0xb8;
	[tilespmem:$0x19280] =	vst v63  }
0x1fc: {  	s7 =	simm.s32 $0x5F80;
	v25 =	vadd.s32 v5, v27;
	v27 =	vperm.xlane v23, v18  }
0x1fd: {  	[tilespmem:s7], [sflag:$0x1] =	stream.indirect_vreg.gather [hbm4b:s3+s21], $0x80, v26, vm0, $0xb8;
	[tilespmem:$0x19280] =	vst v63  }
0x1fe: {  	s10 =	simm.s32 $0x6000;
	v23 =	vperm.xlane v23, v20;
	v26 =	vadd.s32 v5, v27  }
0x1ff: {  	[tilespmem:s10], [sflag:$0x1] =	stream.indirect_vreg.gather [hbm4b:s3+s21], $0x80, v24, vm0, $0xb8;
	[tilespmem:$0x19280] =	vst v63  }
0x200: {  	s12 =	simm.s32 $0x6080;
	v23 =	vadd.s32 v5, v23  }
0x201: {  	[tilespmem:s12], [sflag:$0x1] =	stream.indirect_vreg.gather [hbm4b:s3+s21], $0x80, v25, vm0, $0xb8;
	[tilespmem:$0x19280] =	vst v63  }
0x202: {  	s23 =	simm.s32 $0x6100  }
0x203: {  	[tilespmem:s23], [sflag:$0x1] =	stream.indirect_vreg.gather [hbm4b:s3+s21], $0x80, v26, vm0, $0xb8;
	[tilespmem:$0x19280] =	vst v63  }
0x204: {  	s25 =	simm.s32 $0x6180  }
0x205: {  	[tilespmem:s25], [sflag:$0x1] =	stream.indirect_vreg.gather [hbm4b:s3+s21], $0x80, v23, vm0, $0xb8;
	[tilespmem:$0x19280] =	vst v63  }
0x206: {  	v23 =	vld [tilespmem:s22+$0x520];
	_ =	sdelay $0x4  }
0x207: {  	v24 =	vshll.u32 v23, $0x1  }
0x208: {  	v23 =	vand.u32 $0x7, v23;
	v24 =	vand.u32 $0xFFFFFFF0, v24  }
0x209: {  	v23 =	vor.u32 v23, v24  }
0x20a: {  	v24 =	vperm.xlane v23, v4;
	_ =	sdelay $0x1  }
0x20b: {  	v25 =	vperm.xlane v23, v2;
	v24 =	vadd.s32 v5, v24;
	_ =	sdelay $0x1  }
0x20c: {  	v26 =	vperm.xlane v23, v0;
	v25 =	vadd.s32 v5, v25;
	_ =	sdelay $0x1  }
0x20d: {  	s26 =	simm.s32 $0x6200;
	v27 =	vperm.xlane v23, v6;
	v26 =	vadd.s32 v5, v26  }
0x20e: {  	[tilespmem:s26], [sflag:$0x1] =	stream.indirect_vreg.gather [hbm4b:s3+s21], $0x80, v24, vm0, $0xb8;
	[tilespmem:$0x19280] =	vst v63  }
0x20f: {  	s7 =	simm.s32 $0x6280;
	v24 =	vadd.s32 v5, v27;
	v27 =	vperm.xlane v23, v7  }
0x210: {  	[tilespmem:s7], [sflag:$0x1] =	stream.indirect_vreg.gather [hbm4b:s3+s21], $0x80, v25, vm0, $0xb8;
	[tilespmem:$0x19280] =	vst v63  }
0x211: {  	s10 =	simm.s32 $0x6300;
	v25 =	vadd.s32 v5, v27;
	v27 =	vperm.xlane v23, v8  }
0x212: {  	[tilespmem:s10], [sflag:$0x1] =	stream.indirect_vreg.gather [hbm4b:s3+s21], $0x80, v26, vm0, $0xb8;
	[tilespmem:$0x19280] =	vst v63  }
0x213: {  	s12 =	simm.s32 $0x6380;
	v26 =	vadd.s32 v5, v27;
	v27 =	vperm.xlane v23, v9  }
0x214: {  	[tilespmem:s12], [sflag:$0x1] =	stream.indirect_vreg.gather [hbm4b:s3+s21], $0x80, v24, vm0, $0xb8;
	[tilespmem:$0x19280] =	vst v63  }
0x215: {  	s23 =	simm.s32 $0x6400;
	v24 =	vadd.s32 v5, v27;
	v27 =	vperm.xlane v23, v1  }
0x216: {  	[tilespmem:s23], [sflag:$0x1] =	stream.indirect_vreg.gather [hbm4b:s3+s21], $0x80, v25, vm0, $0xb8;
	[tilespmem:$0x19280] =	vst v63  }
0x217: {  	s25 =	simm.s32 $0x6480;
	v25 =	vadd.s32 v5, v27;
	v27 =	vperm.xlane v23, v13  }
0x218: {  	[tilespmem:s25], [sflag:$0x1] =	stream.indirect_vreg.gather [hbm4b:s3+s21], $0x80, v26, vm0, $0xb8;
	[tilespmem:$0x19280] =	vst v63  }
0x219: {  	s26 =	simm.s32 $0x6500;
	v26 =	vadd.s32 v5, v27;
	v27 =	vperm.xlane v23, v10  }
0x21a: {  	[tilespmem:s26], [sflag:$0x1] =	stream.indirect_vreg.gather [hbm4b:s3+s21], $0x80, v24, vm0, $0xb8;
	[tilespmem:$0x19280] =	vst v63  }
0x21b: {  	s7 =	simm.s32 $0x6580;
	v24 =	vadd.s32 v5, v27;
	v27 =	vperm.xlane v23, v11  }
0x21c: {  	[tilespmem:s7], [sflag:$0x1] =	stream.indirect_vreg.gather [hbm4b:s3+s21], $0x80, v25, vm0, $0xb8;
	[tilespmem:$0x19280] =	vst v63  }
0x21d: {  	s10 =	simm.s32 $0x6600;
	v25 =	vadd.s32 v5, v27;
	v27 =	vperm.xlane v23, v12  }
0x21e: {  	[tilespmem:s10], [sflag:$0x1] =	stream.indirect_vreg.gather [hbm4b:s3+s21], $0x80, v26, vm0, $0xb8;
	[tilespmem:$0x19280] =	vst v63  }
0x21f: {  	s12 =	simm.s32 $0x6680;
	v26 =	vadd.s32 v5, v27;
	v27 =	vperm.xlane v23, v14  }
0x220: {  	[tilespmem:s12], [sflag:$0x1] =	stream.indirect_vreg.gather [hbm4b:s3+s21], $0x80, v24, vm0, $0xb8;
	[tilespmem:$0x19280] =	vst v63  }
0x221: {  	s23 =	simm.s32 $0x6700;
	v24 =	vadd.s32 v5, v27;
	v27 =	vperm.xlane v23, v16  }
0x222: {  	[tilespmem:s23], [sflag:$0x1] =	stream.indirect_vreg.gather [hbm4b:s3+s21], $0x80, v25, vm0, $0xb8;
	[tilespmem:$0x19280] =	vst v63  }
0x223: {  	s25 =	simm.s32 $0x6780;
	v25 =	vadd.s32 v5, v27;
	v27 =	vperm.xlane v23, v18  }
0x224: {  	[tilespmem:s25], [sflag:$0x1] =	stream.indirect_vreg.gather [hbm4b:s3+s21], $0x80, v26, vm0, $0xb8;
	[tilespmem:$0x19280] =	vst v63  }
0x225: {  	s26 =	simm.s32 $0x6800;
	v23 =	vperm.xlane v23, v20;
	v26 =	vadd.s32 v5, v27  }
0x226: {  	[tilespmem:s26], [sflag:$0x1] =	stream.indirect_vreg.gather [hbm4b:s3+s21], $0x80, v24, vm0, $0xb8;
	[tilespmem:$0x19280] =	vst v63  }
0x227: {  	s7 =	simm.s32 $0x6880;
	v23 =	vadd.s32 v5, v23  }
0x228: {  	[tilespmem:s7], [sflag:$0x1] =	stream.indirect_vreg.gather [hbm4b:s3+s21], $0x80, v25, vm0, $0xb8;
	[tilespmem:$0x19280] =	vst v63  }
0x229: {  	s10 =	simm.s32 $0x6900  }
0x22a: {  	[tilespmem:s10], [sflag:$0x1] =	stream.indirect_vreg.gather [hbm4b:s3+s21], $0x80, v26, vm0, $0xb8;
	[tilespmem:$0x19280] =	vst v63  }
0x22b: {  	s12 =	simm.s32 $0x6980  }
0x22c: {  	[tilespmem:s12], [sflag:$0x1] =	stream.indirect_vreg.gather [hbm4b:s3+s21], $0x80, v23, vm0, $0xb8;
	[tilespmem:$0x19280] =	vst v63  }
0x22d: {  	v23 =	vld [tilespmem:s22+$0x530];
	_ =	sdelay $0x4  }
0x22e: {  	v24 =	vshll.u32 v23, $0x1  }
0x22f: {  	v23 =	vand.u32 $0x7, v23;
	v24 =	vand.u32 $0xFFFFFFF0, v24  }
0x230: {  	v23 =	vor.u32 v23, v24  }
0x231: {  	v24 =	vperm.xlane v23, v4;
	_ =	sdelay $0x1  }
0x232: {  	v25 =	vperm.xlane v23, v2;
	v24 =	vadd.s32 v5, v24;
	_ =	sdelay $0x1  }
0x233: {  	v26 =	vperm.xlane v23, v0;
	v25 =	vadd.s32 v5, v25;
	_ =	sdelay $0x1  }
0x234: {  	s23 =	simm.s32 $0x6A00;
	v27 =	vperm.xlane v23, v6;
	v26 =	vadd.s32 v5, v26  }
0x235: {  	[tilespmem:s23], [sflag:$0x1] =	stream.indirect_vreg.gather [hbm4b:s3+s21], $0x80, v24, vm0, $0xb8;
	[tilespmem:$0x19280] =	vst v63  }
0x236: {  	s25 =	simm.s32 $0x6A80;
	v24 =	vadd.s32 v5, v27;
	v27 =	vperm.xlane v23, v7  }
0x237: {  	[tilespmem:s25], [sflag:$0x1] =	stream.indirect_vreg.gather [hbm4b:s3+s21], $0x80, v25, vm0, $0xb8;
	[tilespmem:$0x19280] =	vst v63  }
0x238: {  	s26 =	simm.s32 $0x6B00;
	v25 =	vadd.s32 v5, v27;
	v27 =	vperm.xlane v23, v8  }
0x239: {  	[tilespmem:s26], [sflag:$0x1] =	stream.indirect_vreg.gather [hbm4b:s3+s21], $0x80, v26, vm0, $0xb8;
	[tilespmem:$0x19280] =	vst v63  }
0x23a: {  	s7 =	simm.s32 $0x6B80;
	v26 =	vadd.s32 v5, v27;
	v27 =	vperm.xlane v23, v9  }
0x23b: {  	[tilespmem:s7], [sflag:$0x1] =	stream.indirect_vreg.gather [hbm4b:s3+s21], $0x80, v24, vm0, $0xb8;
	[tilespmem:$0x19280] =	vst v63  }
0x23c: {  	s10 =	simm.s32 $0x6C00;
	v24 =	vadd.s32 v5, v27;
	v27 =	vperm.xlane v23, v1  }
0x23d: {  	[tilespmem:s10], [sflag:$0x1] =	stream.indirect_vreg.gather [hbm4b:s3+s21], $0x80, v25, vm0, $0xb8;
	[tilespmem:$0x19280] =	vst v63  }
0x23e: {  	s12 =	simm.s32 $0x6C80;
	v25 =	vadd.s32 v5, v27;
	v27 =	vperm.xlane v23, v13  }
0x23f: {  	[tilespmem:s12], [sflag:$0x1] =	stream.indirect_vreg.gather [hbm4b:s3+s21], $0x80, v26, vm0, $0xb8;
	[tilespmem:$0x19280] =	vst v63  }
0x240: {  	s23 =	simm.s32 $0x6D00;
	v26 =	vadd.s32 v5, v27;
	v27 =	vperm.xlane v23, v10  }
0x241: {  	[tilespmem:s23], [sflag:$0x1] =	stream.indirect_vreg.gather [hbm4b:s3+s21], $0x80, v24, vm0, $0xb8;
	[tilespmem:$0x19280] =	vst v63  }
0x242: {  	s25 =	simm.s32 $0x6D80;
	v24 =	vadd.s32 v5, v27;
	v27 =	vperm.xlane v23, v11  }
0x243: {  	[tilespmem:s25], [sflag:$0x1] =	stream.indirect_vreg.gather [hbm4b:s3+s21], $0x80, v25, vm0, $0xb8;
	[tilespmem:$0x19280] =	vst v63  }
0x244: {  	s26 =	simm.s32 $0x6E00;
	v25 =	vadd.s32 v5, v27;
	v27 =	vperm.xlane v23, v12  }
0x245: {  	[tilespmem:s26], [sflag:$0x1] =	stream.indirect_vreg.gather [hbm4b:s3+s21], $0x80, v26, vm0, $0xb8;
	[tilespmem:$0x19280] =	vst v63  }
0x246: {  	s7 =	simm.s32 $0x6E80;
	v26 =	vadd.s32 v5, v27;
	v27 =	vperm.xlane v23, v14  }
0x247: {  	[tilespmem:s7], [sflag:$0x1] =	stream.indirect_vreg.gather [hbm4b:s3+s21], $0x80, v24, vm0, $0xb8;
	[tilespmem:$0x19280] =	vst v63  }
0x248: {  	s10 =	simm.s32 $0x6F00;
	v24 =	vadd.s32 v5, v27;
	v27 =	vperm.xlane v23, v16  }
0x249: {  	[tilespmem:s10], [sflag:$0x1] =	stream.indirect_vreg.gather [hbm4b:s3+s21], $0x80, v25, vm0, $0xb8;
	[tilespmem:$0x19280] =	vst v63  }
0x24a: {  	s12 =	simm.s32 $0x6F80;
	v25 =	vadd.s32 v5, v27;
	v27 =	vperm.xlane v23, v18  }
0x24b: {  	[tilespmem:s12], [sflag:$0x1] =	stream.indirect_vreg.gather [hbm4b:s3+s21], $0x80, v26, vm0, $0xb8;
	[tilespmem:$0x19280] =	vst v63  }
0x24c: {  	s23 =	simm.s32 $0x7000;
	v23 =	vperm.xlane v23, v20;
	v26 =	vadd.s32 v5, v27  }
0x24d: {  	[tilespmem:s23], [sflag:$0x1] =	stream.indirect_vreg.gather [hbm4b:s3+s21], $0x80, v24, vm0, $0xb8;
	[tilespmem:$0x19280] =	vst v63  }
0x24e: {  	s25 =	simm.s32 $0x7080;
	v23 =	vadd.s32 v5, v23  }
0x24f: {  	[tilespmem:s25], [sflag:$0x1] =	stream.indirect_vreg.gather [hbm4b:s3+s21], $0x80, v25, vm0, $0xb8;
	[tilespmem:$0x19280] =	vst v63  }
0x250: {  	s26 =	simm.s32 $0x7100  }
0x251: {  	[tilespmem:s26], [sflag:$0x1] =	stream.indirect_vreg.gather [hbm4b:s3+s21], $0x80, v26, vm0, $0xb8;
	[tilespmem:$0x19280] =	vst v63  }
0x252: {  	s7 =	simm.s32 $0x7180  }
0x253: {  	[tilespmem:s7], [sflag:$0x1] =	stream.indirect_vreg.gather [hbm4b:s3+s21], $0x80, v23, vm0, $0xb8;
	[tilespmem:$0x19280] =	vst v63  }
0x254: {  	s10 =	simm.s32 $0x1000  }
0x255: {  	[tilespmem:s11], [sflag:$0x1] =	stream.indirect.gather [hbm4b:s5+s2], $0x80, s10, s2, $0xb8;
	[tilespmem:$0x19280] =	vst v63  }
0x256: {  	v23 =	vld [tilespmem:s22+$0x780];
	_ =	sdelay $0x4  }
0x257: {  	v24 =	vshll.u32 v23, $0x1  }
0x258: {  	v23 =	vand.u32 $0x7, v23;
	v24 =	vand.u32 $0xFFFFFFF0, v24  }
0x259: {  	v23 =	vor.u32 v23, v24  }
0x25a: {  	v24 =	vperm.xlane v23, v4;
	_ =	sdelay $0x1  }
0x25b: {  	v25 =	vperm.xlane v23, v2;
	v24 =	vadd.s32 v5, v24;
	_ =	sdelay $0x1  }
0x25c: {  	v26 =	vperm.xlane v23, v0;
	v25 =	vadd.s32 v5, v25;
	_ =	sdelay $0x1  }
0x25d: {  	s12 =	simm.s32 $0x7200;
	v27 =	vperm.xlane v23, v6;
	v26 =	vadd.s32 v5, v26  }
0x25e: {  	[tilespmem:s12], [sflag:$0x1] =	stream.indirect_vreg.gather [hbm4b:s3+s21], $0x80, v24, vm0, $0xb8;
	[tilespmem:$0x19280] =	vst v63  }
0x25f: {  	s23 =	simm.s32 $0x7280;
	v24 =	vadd.s32 v5, v27;
	v27 =	vperm.xlane v23, v7  }
0x260: {  	[tilespmem:s23], [sflag:$0x1] =	stream.indirect_vreg.gather [hbm4b:s3+s21], $0x80, v25, vm0, $0xb8;
	[tilespmem:$0x19280] =	vst v63  }
0x261: {  	s25 =	simm.s32 $0x7300;
	v25 =	vadd.s32 v5, v27;
	v27 =	vperm.xlane v23, v8  }
0x262: {  	[tilespmem:s25], [sflag:$0x1] =	stream.indirect_vreg.gather [hbm4b:s3+s21], $0x80, v26, vm0, $0xb8;
	[tilespmem:$0x19280] =	vst v63  }
0x263: {  	s26 =	simm.s32 $0x7380;
	v26 =	vadd.s32 v5, v27;
	v27 =	vperm.xlane v23, v9  }
0x264: {  	[tilespmem:s26], [sflag:$0x1] =	stream.indirect_vreg.gather [hbm4b:s3+s21], $0x80, v24, vm0, $0xb8;
	[tilespmem:$0x19280] =	vst v63  }
0x265: {  	s7 =	simm.s32 $0x7400;
	v24 =	vadd.s32 v5, v27;
	v27 =	vperm.xlane v23, v1  }
0x266: {  	[tilespmem:s7], [sflag:$0x1] =	stream.indirect_vreg.gather [hbm4b:s3+s21], $0x80, v25, vm0, $0xb8;
	[tilespmem:$0x19280] =	vst v63  }
0x267: {  	s10 =	simm.s32 $0x7480;
	v25 =	vadd.s32 v5, v27;
	v27 =	vperm.xlane v23, v13  }
0x268: {  	[tilespmem:s10], [sflag:$0x1] =	stream.indirect_vreg.gather [hbm4b:s3+s21], $0x80, v26, vm0, $0xb8;
	[tilespmem:$0x19280] =	vst v63  }
0x269: {  	s12 =	simm.s32 $0x7500;
	v26 =	vadd.s32 v5, v27;
	v27 =	vperm.xlane v23, v10  }
0x26a: {  	[tilespmem:s12], [sflag:$0x1] =	stream.indirect_vreg.gather [hbm4b:s3+s21], $0x80, v24, vm0, $0xb8;
	[tilespmem:$0x19280] =	vst v63  }
0x26b: {  	s23 =	simm.s32 $0x7580;
	v24 =	vadd.s32 v5, v27;
	v27 =	vperm.xlane v23, v11  }
0x26c: {  	[tilespmem:s23], [sflag:$0x1] =	stream.indirect_vreg.gather [hbm4b:s3+s21], $0x80, v25, vm0, $0xb8;
	[tilespmem:$0x19280] =	vst v63  }
0x26d: {  	s25 =	simm.s32 $0x7600;
	v25 =	vadd.s32 v5, v27;
	v27 =	vperm.xlane v23, v12  }
0x26e: {  	[tilespmem:s25], [sflag:$0x1] =	stream.indirect_vreg.gather [hbm4b:s3+s21], $0x80, v26, vm0, $0xb8;
	[tilespmem:$0x19280] =	vst v63  }
0x26f: {  	s26 =	simm.s32 $0x7680;
	v26 =	vadd.s32 v5, v27;
	v27 =	vperm.xlane v23, v14  }
0x270: {  	[tilespmem:s26], [sflag:$0x1] =	stream.indirect_vreg.gather [hbm4b:s3+s21], $0x80, v24, vm0, $0xb8;
	[tilespmem:$0x19280] =	vst v63  }
0x271: {  	s7 =	simm.s32 $0x7700;
	v24 =	vadd.s32 v5, v27;
	v27 =	vperm.xlane v23, v16  }
0x272: {  	[tilespmem:s7], [sflag:$0x1] =	stream.indirect_vreg.gather [hbm4b:s3+s21], $0x80, v25, vm0, $0xb8;
	[tilespmem:$0x19280] =	vst v63  }
0x273: {  	s10 =	simm.s32 $0x7780;
	v25 =	vadd.s32 v5, v27;
	v27 =	vperm.xlane v23, v18  }
0x274: {  	[tilespmem:s10], [sflag:$0x1] =	stream.indirect_vreg.gather [hbm4b:s3+s21], $0x80, v26, vm0, $0xb8;
	[tilespmem:$0x19280] =	vst v63  }
0x275: {  	s12 =	simm.s32 $0x7800;
	v23 =	vperm.xlane v23, v20;
	v26 =	vadd.s32 v5, v27  }
0x276: {  	[tilespmem:s12], [sflag:$0x1] =	stream.indirect_vreg.gather [hbm4b:s3+s21], $0x80, v24, vm0, $0xb8;
	[tilespmem:$0x19280] =	vst v63  }
0x277: {  	s23 =	simm.s32 $0x7880;
	v23 =	vadd.s32 v5, v23  }
0x278: {  	[tilespmem:s23], [sflag:$0x1] =	stream.indirect_vreg.gather [hbm4b:s3+s21], $0x80, v25, vm0, $0xb8;
	[tilespmem:$0x19280] =	vst v63  }
0x279: {  	s25 =	simm.s32 $0x7900  }
0x27a: {  	[tilespmem:s25], [sflag:$0x1] =	stream.indirect_vreg.gather [hbm4b:s3+s21], $0x80, v26, vm0, $0xb8;
	[tilespmem:$0x19280] =	vst v63  }
0x27b: {  	s26 =	simm.s32 $0x7980  }
0x27c: {  	[tilespmem:s26], [sflag:$0x1] =	stream.indirect_vreg.gather [hbm4b:s3+s21], $0x80, v23, vm0, $0xb8;
	[tilespmem:$0x19280] =	vst v63  }
0x27d: {  	v23 =	vld [tilespmem:s22+$0x790];
	_ =	sdelay $0x4  }
0x27e: {  	v24 =	vshll.u32 v23, $0x1  }
0x27f: {  	v23 =	vand.u32 $0x7, v23;
	v24 =	vand.u32 $0xFFFFFFF0, v24  }
0x280: {  	v23 =	vor.u32 v23, v24  }
0x281: {  	v24 =	vperm.xlane v23, v4;
	_ =	sdelay $0x1  }
0x282: {  	v25 =	vperm.xlane v23, v2;
	v24 =	vadd.s32 v5, v24;
	_ =	sdelay $0x1  }
0x283: {  	v26 =	vperm.xlane v23, v0;
	v25 =	vadd.s32 v5, v25;
	_ =	sdelay $0x1  }
0x284: {  	s7 =	simm.s32 $0x7A00;
	v27 =	vperm.xlane v23, v6;
	v26 =	vadd.s32 v5, v26  }
0x285: {  	[tilespmem:s7], [sflag:$0x1] =	stream.indirect_vreg.gather [hbm4b:s3+s21], $0x80, v24, vm0, $0xb8;
	[tilespmem:$0x19280] =	vst v63  }
0x286: {  	s10 =	simm.s32 $0x7A80;
	v24 =	vadd.s32 v5, v27;
	v27 =	vperm.xlane v23, v7  }
0x287: {  	[tilespmem:s10], [sflag:$0x1] =	stream.indirect_vreg.gather [hbm4b:s3+s21], $0x80, v25, vm0, $0xb8;
	[tilespmem:$0x19280] =	vst v63  }
0x288: {  	s12 =	simm.s32 $0x7B00;
	v25 =	vadd.s32 v5, v27;
	v27 =	vperm.xlane v23, v8  }
0x289: {  	[tilespmem:s12], [sflag:$0x1] =	stream.indirect_vreg.gather [hbm4b:s3+s21], $0x80, v26, vm0, $0xb8;
	[tilespmem:$0x19280] =	vst v63  }
0x28a: {  	s23 =	simm.s32 $0x7B80;
	v26 =	vadd.s32 v5, v27;
	v27 =	vperm.xlane v23, v9  }
0x28b: {  	[tilespmem:s23], [sflag:$0x1] =	stream.indirect_vreg.gather [hbm4b:s3+s21], $0x80, v24, vm0, $0xb8;
	[tilespmem:$0x19280] =	vst v63  }
0x28c: {  	s25 =	simm.s32 $0x7C00;
	v24 =	vadd.s32 v5, v27;
	v27 =	vperm.xlane v23, v1  }
0x28d: {  	[tilespmem:s25], [sflag:$0x1] =	stream.indirect_vreg.gather [hbm4b:s3+s21], $0x80, v25, vm0, $0xb8;
	[tilespmem:$0x19280] =	vst v63  }
0x28e: {  	s26 =	simm.s32 $0x7C80;
	v25 =	vadd.s32 v5, v27;
	v27 =	vperm.xlane v23, v13  }
0x28f: {  	[tilespmem:s26], [sflag:$0x1] =	stream.indirect_vreg.gather [hbm4b:s3+s21], $0x80, v26, vm0, $0xb8;
	[tilespmem:$0x19280] =	vst v63  }
0x290: {  	s7 =	simm.s32 $0x7D00;
	v26 =	vadd.s32 v5, v27;
	v27 =	vperm.xlane v23, v10  }
0x291: {  	[tilespmem:s7], [sflag:$0x1] =	stream.indirect_vreg.gather [hbm4b:s3+s21], $0x80, v24, vm0, $0xb8;
	[tilespmem:$0x19280] =	vst v63  }
0x292: {  	s10 =	simm.s32 $0x7D80;
	v24 =	vadd.s32 v5, v27;
	v27 =	vperm.xlane v23, v11  }
0x293: {  	[tilespmem:s10], [sflag:$0x1] =	stream.indirect_vreg.gather [hbm4b:s3+s21], $0x80, v25, vm0, $0xb8;
	[tilespmem:$0x19280] =	vst v63  }
0x294: {  	s12 =	simm.s32 $0x7E00;
	v25 =	vadd.s32 v5, v27;
	v27 =	vperm.xlane v23, v12  }
0x295: {  	[tilespmem:s12], [sflag:$0x1] =	stream.indirect_vreg.gather [hbm4b:s3+s21], $0x80, v26, vm0, $0xb8;
	[tilespmem:$0x19280] =	vst v63  }
0x296: {  	s23 =	simm.s32 $0x7E80;
	v26 =	vadd.s32 v5, v27;
	v27 =	vperm.xlane v23, v14  }
0x297: {  	[tilespmem:s23], [sflag:$0x1] =	stream.indirect_vreg.gather [hbm4b:s3+s21], $0x80, v24, vm0, $0xb8;
	[tilespmem:$0x19280] =	vst v63  }
0x298: {  	s25 =	simm.s32 $0x7F00;
	v24 =	vadd.s32 v5, v27;
	v27 =	vperm.xlane v23, v16  }
0x299: {  	[tilespmem:s25], [sflag:$0x1] =	stream.indirect_vreg.gather [hbm4b:s3+s21], $0x80, v25, vm0, $0xb8;
	[tilespmem:$0x19280] =	vst v63  }
0x29a: {  	s26 =	simm.s32 $0x7F80;
	v25 =	vadd.s32 v5, v27;
	v27 =	vperm.xlane v23, v18  }
0x29b: {  	[tilespmem:s26], [sflag:$0x1] =	stream.indirect_vreg.gather [hbm4b:s3+s21], $0x80, v26, vm0, $0xb8;
	[tilespmem:$0x19280] =	vst v63  }
0x29c: {  	s7 =	simm.s32 $0x8000;
	v23 =	vperm.xlane v23, v20;
	v26 =	vadd.s32 v5, v27  }
0x29d: {  	[tilespmem:s7], [sflag:$0x1] =	stream.indirect_vreg.gather [hbm4b:s3+s21], $0x80, v24, vm0, $0xb8;
	[tilespmem:$0x19280] =	vst v63  }
0x29e: {  	s10 =	simm.s32 $0x8080;
	v23 =	vadd.s32 v5, v23  }
0x29f: {  	[tilespmem:s10], [sflag:$0x1] =	stream.indirect_vreg.gather [hbm4b:s3+s21], $0x80, v25, vm0, $0xb8;
	[tilespmem:$0x19280] =	vst v63  }
0x2a0: {  	s12 =	simm.s32 $0x8100  }
0x2a1: {  	[tilespmem:s12], [sflag:$0x1] =	stream.indirect_vreg.gather [hbm4b:s3+s21], $0x80, v26, vm0, $0xb8;
	[tilespmem:$0x19280] =	vst v63  }
0x2a2: {  	s23 =	simm.s32 $0x8180  }
0x2a3: {  	[tilespmem:s23], [sflag:$0x1] =	stream.indirect_vreg.gather [hbm4b:s3+s21], $0x80, v23, vm0, $0xb8;
	[tilespmem:$0x19280] =	vst v63  }
0x2a4: {  	v23 =	vld [tilespmem:s22+$0x7A0];
	_ =	sdelay $0x4  }
0x2a5: {  	v24 =	vshll.u32 v23, $0x1  }
0x2a6: {  	v23 =	vand.u32 $0x7, v23;
	v24 =	vand.u32 $0xFFFFFFF0, v24  }
0x2a7: {  	v23 =	vor.u32 v23, v24  }
0x2a8: {  	v24 =	vperm.xlane v23, v4;
	_ =	sdelay $0x1  }
0x2a9: {  	v25 =	vperm.xlane v23, v2;
	v24 =	vadd.s32 v5, v24;
	_ =	sdelay $0x1  }
0x2aa: {  	v26 =	vperm.xlane v23, v0;
	v25 =	vadd.s32 v5, v25;
	_ =	sdelay $0x1  }
0x2ab: {  	s25 =	simm.s32 $0x8200;
	v27 =	vperm.xlane v23, v6;
	v26 =	vadd.s32 v5, v26  }
0x2ac: {  	[tilespmem:s25], [sflag:$0x1] =	stream.indirect_vreg.gather [hbm4b:s3+s21], $0x80, v24, vm0, $0xb8;
	[tilespmem:$0x19280] =	vst v63  }
0x2ad: {  	s26 =	simm.s32 $0x8280;
	v24 =	vadd.s32 v5, v27;
	v27 =	vperm.xlane v23, v7  }
0x2ae: {  	[tilespmem:s26], [sflag:$0x1] =	stream.indirect_vreg.gather [hbm4b:s3+s21], $0x80, v25, vm0, $0xb8;
	[tilespmem:$0x19280] =	vst v63  }
0x2af: {  	s7 =	simm.s32 $0x8300;
	v25 =	vadd.s32 v5, v27;
	v27 =	vperm.xlane v23, v8  }
0x2b0: {  	[tilespmem:s7], [sflag:$0x1] =	stream.indirect_vreg.gather [hbm4b:s3+s21], $0x80, v26, vm0, $0xb8;
	[tilespmem:$0x19280] =	vst v63  }
0x2b1: {  	s10 =	simm.s32 $0x8380;
	v26 =	vadd.s32 v5, v27;
	v27 =	vperm.xlane v23, v9  }
0x2b2: {  	[tilespmem:s10], [sflag:$0x1] =	stream.indirect_vreg.gather [hbm4b:s3+s21], $0x80, v24, vm0, $0xb8;
	[tilespmem:$0x19280] =	vst v63  }
0x2b3: {  	s12 =	simm.s32 $0x8400;
	v24 =	vadd.s32 v5, v27;
	v27 =	vperm.xlane v23, v1  }
0x2b4: {  	[tilespmem:s12], [sflag:$0x1] =	stream.indirect_vreg.gather [hbm4b:s3+s21], $0x80, v25, vm0, $0xb8;
	[tilespmem:$0x19280] =	vst v63  }
0x2b5: {  	s23 =	simm.s32 $0x8480;
	v25 =	vadd.s32 v5, v27;
	v27 =	vperm.xlane v23, v13  }
0x2b6: {  	[tilespmem:s23], [sflag:$0x1] =	stream.indirect_vreg.gather [hbm4b:s3+s21], $0x80, v26, vm0, $0xb8;
	[tilespmem:$0x19280] =	vst v63  }
0x2b7: {  	s25 =	simm.s32 $0x8500;
	v26 =	vadd.s32 v5, v27;
	v27 =	vperm.xlane v23, v10  }
0x2b8: {  	[tilespmem:s25], [sflag:$0x1] =	stream.indirect_vreg.gather [hbm4b:s3+s21], $0x80, v24, vm0, $0xb8;
	[tilespmem:$0x19280] =	vst v63  }
0x2b9: {  	s26 =	simm.s32 $0x8580;
	v24 =	vadd.s32 v5, v27;
	v27 =	vperm.xlane v23, v11  }
0x2ba: {  	[tilespmem:s26], [sflag:$0x1] =	stream.indirect_vreg.gather [hbm4b:s3+s21], $0x80, v25, vm0, $0xb8;
	[tilespmem:$0x19280] =	vst v63  }
0x2bb: {  	s7 =	simm.s32 $0x8600;
	v25 =	vadd.s32 v5, v27;
	v27 =	vperm.xlane v23, v12  }
0x2bc: {  	[tilespmem:s7], [sflag:$0x1] =	stream.indirect_vreg.gather [hbm4b:s3+s21], $0x80, v26, vm0, $0xb8;
	[tilespmem:$0x19280] =	vst v63  }
0x2bd: {  	s10 =	simm.s32 $0x8680;
	v26 =	vadd.s32 v5, v27;
	v27 =	vperm.xlane v23, v14  }
0x2be: {  	[tilespmem:s10], [sflag:$0x1] =	stream.indirect_vreg.gather [hbm4b:s3+s21], $0x80, v24, vm0, $0xb8;
	[tilespmem:$0x19280] =	vst v63  }
0x2bf: {  	s12 =	simm.s32 $0x8700;
	v24 =	vadd.s32 v5, v27;
	v27 =	vperm.xlane v23, v16  }
0x2c0: {  	[tilespmem:s12], [sflag:$0x1] =	stream.indirect_vreg.gather [hbm4b:s3+s21], $0x80, v25, vm0, $0xb8;
	[tilespmem:$0x19280] =	vst v63  }
0x2c1: {  	s23 =	simm.s32 $0x8780;
	v25 =	vadd.s32 v5, v27;
	v27 =	vperm.xlane v23, v18  }
0x2c2: {  	[tilespmem:s23], [sflag:$0x1] =	stream.indirect_vreg.gather [hbm4b:s3+s21], $0x80, v26, vm0, $0xb8;
	[tilespmem:$0x19280] =	vst v63  }
0x2c3: {  	s25 =	simm.s32 $0x8800;
	v23 =	vperm.xlane v23, v20;
	v26 =	vadd.s32 v5, v27  }
0x2c4: {  	[tilespmem:s25], [sflag:$0x1] =	stream.indirect_vreg.gather [hbm4b:s3+s21], $0x80, v24, vm0, $0xb8;
	[tilespmem:$0x19280] =	vst v63  }
0x2c5: {  	s26 =	simm.s32 $0x8880;
	v23 =	vadd.s32 v5, v23  }
0x2c6: {  	[tilespmem:s26], [sflag:$0x1] =	stream.indirect_vreg.gather [hbm4b:s3+s21], $0x80, v25, vm0, $0xb8;
	[tilespmem:$0x19280] =	vst v63  }
0x2c7: {  	s7 =	simm.s32 $0x8900  }
0x2c8: {  	[tilespmem:s7], [sflag:$0x1] =	stream.indirect_vreg.gather [hbm4b:s3+s21], $0x80, v26, vm0, $0xb8;
	[tilespmem:$0x19280] =	vst v63  }
0x2c9: {  	s10 =	simm.s32 $0x8980  }
0x2ca: {  	[tilespmem:s10], [sflag:$0x1] =	stream.indirect_vreg.gather [hbm4b:s3+s21], $0x80, v23, vm0, $0xb8;
	[tilespmem:$0x19280] =	vst v63  }
0x2cb: {  	v23 =	vld [tilespmem:s22+$0x7B0];
	_ =	sdelay $0x4  }
0x2cc: {  	v24 =	vshll.u32 v23, $0x1  }
0x2cd: {  	v23 =	vand.u32 $0x7, v23;
	v24 =	vand.u32 $0xFFFFFFF0, v24  }
0x2ce: {  	v23 =	vor.u32 v23, v24  }
0x2cf: {  	v24 =	vperm.xlane v23, v4;
	_ =	sdelay $0x1  }
0x2d0: {  	v25 =	vperm.xlane v23, v2;
	v24 =	vadd.s32 v5, v24;
	_ =	sdelay $0x1  }
0x2d1: {  	v26 =	vperm.xlane v23, v0;
	v25 =	vadd.s32 v5, v25;
	_ =	sdelay $0x1  }
0x2d2: {  	s12 =	simm.s32 $0x8A00;
	v27 =	vperm.xlane v23, v6;
	v26 =	vadd.s32 v5, v26  }
0x2d3: {  	[tilespmem:s12], [sflag:$0x1] =	stream.indirect_vreg.gather [hbm4b:s3+s21], $0x80, v24, vm0, $0xb8;
	[tilespmem:$0x19280] =	vst v63  }
0x2d4: {  	s23 =	simm.s32 $0x8A80;
	v24 =	vadd.s32 v5, v27;
	v27 =	vperm.xlane v23, v7  }
0x2d5: {  	[tilespmem:s23], [sflag:$0x1] =	stream.indirect_vreg.gather [hbm4b:s3+s21], $0x80, v25, vm0, $0xb8;
	[tilespmem:$0x19280] =	vst v63  }
0x2d6: {  	s25 =	simm.s32 $0x8B00;
	v25 =	vadd.s32 v5, v27;
	v27 =	vperm.xlane v23, v8  }
0x2d7: {  	[tilespmem:s25], [sflag:$0x1] =	stream.indirect_vreg.gather [hbm4b:s3+s21], $0x80, v26, vm0, $0xb8;
	[tilespmem:$0x19280] =	vst v63  }
0x2d8: {  	s26 =	simm.s32 $0x8B80;
	v26 =	vadd.s32 v5, v27;
	v27 =	vperm.xlane v23, v9  }
0x2d9: {  	[tilespmem:s26], [sflag:$0x1] =	stream.indirect_vreg.gather [hbm4b:s3+s21], $0x80, v24, vm0, $0xb8;
	[tilespmem:$0x19280] =	vst v63  }
0x2da: {  	s7 =	simm.s32 $0x8C00;
	v24 =	vadd.s32 v5, v27;
	v27 =	vperm.xlane v23, v1  }
0x2db: {  	[tilespmem:s7], [sflag:$0x1] =	stream.indirect_vreg.gather [hbm4b:s3+s21], $0x80, v25, vm0, $0xb8;
	[tilespmem:$0x19280] =	vst v63  }
0x2dc: {  	s10 =	simm.s32 $0x8C80;
	v25 =	vadd.s32 v5, v27;
	v27 =	vperm.xlane v23, v13  }
0x2dd: {  	[tilespmem:s10], [sflag:$0x1] =	stream.indirect_vreg.gather [hbm4b:s3+s21], $0x80, v26, vm0, $0xb8;
	[tilespmem:$0x19280] =	vst v63  }
0x2de: {  	s12 =	simm.s32 $0x8D00;
	v26 =	vadd.s32 v5, v27;
	v27 =	vperm.xlane v23, v10  }
0x2df: {  	[tilespmem:s12], [sflag:$0x1] =	stream.indirect_vreg.gather [hbm4b:s3+s21], $0x80, v24, vm0, $0xb8;
	[tilespmem:$0x19280] =	vst v63  }
0x2e0: {  	s23 =	simm.s32 $0x8D80;
	v24 =	vadd.s32 v5, v27;
	v27 =	vperm.xlane v23, v11  }
0x2e1: {  	[tilespmem:s23], [sflag:$0x1] =	stream.indirect_vreg.gather [hbm4b:s3+s21], $0x80, v25, vm0, $0xb8;
	[tilespmem:$0x19280] =	vst v63  }
0x2e2: {  	s25 =	simm.s32 $0x8E00;
	v25 =	vadd.s32 v5, v27;
	v27 =	vperm.xlane v23, v12  }
0x2e3: {  	[tilespmem:s25], [sflag:$0x1] =	stream.indirect_vreg.gather [hbm4b:s3+s21], $0x80, v26, vm0, $0xb8;
	[tilespmem:$0x19280] =	vst v63  }
0x2e4: {  	s26 =	simm.s32 $0x8E80;
	v26 =	vadd.s32 v5, v27;
	v27 =	vperm.xlane v23, v14  }
0x2e5: {  	[tilespmem:s26], [sflag:$0x1] =	stream.indirect_vreg.gather [hbm4b:s3+s21], $0x80, v24, vm0, $0xb8;
	[tilespmem:$0x19280] =	vst v63  }
0x2e6: {  	s7 =	simm.s32 $0x8F00;
	v24 =	vadd.s32 v5, v27;
	v27 =	vperm.xlane v23, v16  }
0x2e7: {  	[tilespmem:s7], [sflag:$0x1] =	stream.indirect_vreg.gather [hbm4b:s3+s21], $0x80, v25, vm0, $0xb8;
	[tilespmem:$0x19280] =	vst v63  }
0x2e8: {  	s10 =	simm.s32 $0x8F80;
	v25 =	vadd.s32 v5, v27;
	v27 =	vperm.xlane v23, v18  }
0x2e9: {  	[tilespmem:s10], [sflag:$0x1] =	stream.indirect_vreg.gather [hbm4b:s3+s21], $0x80, v26, vm0, $0xb8;
	[tilespmem:$0x19280] =	vst v63  }
0x2ea: {  	s12 =	simm.s32 $0x9000;
	v23 =	vperm.xlane v23, v20;
	v26 =	vadd.s32 v5, v27  }
0x2eb: {  	[tilespmem:s12], [sflag:$0x1] =	stream.indirect_vreg.gather [hbm4b:s3+s21], $0x80, v24, vm0, $0xb8;
	[tilespmem:$0x19280] =	vst v63  }
0x2ec: {  	s23 =	simm.s32 $0x9080;
	v23 =	vadd.s32 v5, v23  }
0x2ed: {  	[tilespmem:s23], [sflag:$0x1] =	stream.indirect_vreg.gather [hbm4b:s3+s21], $0x80, v25, vm0, $0xb8;
	[tilespmem:$0x19280] =	vst v63  }
0x2ee: {  	s25 =	simm.s32 $0x9100  }
0x2ef: {  	[tilespmem:s25], [sflag:$0x1] =	stream.indirect_vreg.gather [hbm4b:s3+s21], $0x80, v26, vm0, $0xb8;
	[tilespmem:$0x19280] =	vst v63  }
0x2f0: {  	s26 =	simm.s32 $0x9180  }
0x2f1: {  	[tilespmem:s26], [sflag:$0x1] =	stream.indirect_vreg.gather [hbm4b:s3+s21], $0x80, v23, vm0, $0xb8;
	[tilespmem:$0x19280] =	vst v63  }
0x2f2: {  	s7 =	simm.s32 $0x1080  }
0x2f3: {  	[tilespmem:s9], [sflag:$0x1] =	stream.indirect.gather [hbm4b:s5+s2], $0x80, s7, s2, $0xb8;
	[tilespmem:$0x19280] =	vst v63  }
0x2f4: {  	v23 =	vld [tilespmem:s22+$0xA00];
	_ =	sdelay $0x4  }
0x2f5: {  	v24 =	vshll.u32 v23, $0x1  }
0x2f6: {  	v23 =	vand.u32 $0x7, v23;
	v24 =	vand.u32 $0xFFFFFFF0, v24  }
0x2f7: {  	v23 =	vor.u32 v23, v24  }
0x2f8: {  	v24 =	vperm.xlane v23, v4;
	_ =	sdelay $0x1  }
0x2f9: {  	v25 =	vperm.xlane v23, v2;
	v24 =	vadd.s32 v5, v24;
	_ =	sdelay $0x1  }
0x2fa: {  	v26 =	vperm.xlane v23, v0;
	v25 =	vadd.s32 v5, v25;
	_ =	sdelay $0x1  }
0x2fb: {  	s10 =	simm.s32 $0x9200;
	v27 =	vperm.xlane v23, v6;
	v26 =	vadd.s32 v5, v26  }
0x2fc: {  	[tilespmem:s10], [sflag:$0x1] =	stream.indirect_vreg.gather [hbm4b:s4+s21], $0x80, v24, vm0, $0xb8;
	[tilespmem:$0x19280] =	vst v63  }
0x2fd: {  	s12 =	simm.s32 $0x9280;
	v24 =	vadd.s32 v5, v27;
	v27 =	vperm.xlane v23, v7  }
0x2fe: {  	[tilespmem:s12], [sflag:$0x1] =	stream.indirect_vreg.gather [hbm4b:s4+s21], $0x80, v25, vm0, $0xb8;
	[tilespmem:$0x19280] =	vst v63  }
0x2ff: {  	s23 =	simm.s32 $0x9300;
	v25 =	vadd.s32 v5, v27;
	v27 =	vperm.xlane v23, v8  }
0x300: {  	[tilespmem:s23], [sflag:$0x1] =	stream.indirect_vreg.gather [hbm4b:s4+s21], $0x80, v26, vm0, $0xb8;
	[tilespmem:$0x19280] =	vst v63  }
0x301: {  	s25 =	simm.s32 $0x9380;
	v26 =	vadd.s32 v5, v27;
	v27 =	vperm.xlane v23, v9  }
0x302: {  	[tilespmem:s25], [sflag:$0x1] =	stream.indirect_vreg.gather [hbm4b:s4+s21], $0x80, v24, vm0, $0xb8;
	[tilespmem:$0x19280] =	vst v63  }
0x303: {  	s26 =	simm.s32 $0x9400;
	v24 =	vadd.s32 v5, v27;
	v27 =	vperm.xlane v23, v1  }
0x304: {  	[tilespmem:s26], [sflag:$0x1] =	stream.indirect_vreg.gather [hbm4b:s4+s21], $0x80, v25, vm0, $0xb8;
	[tilespmem:$0x19280] =	vst v63  }
0x305: {  	s7 =	simm.s32 $0x9480;
	v25 =	vadd.s32 v5, v27;
	v27 =	vperm.xlane v23, v13  }
0x306: {  	[tilespmem:s7], [sflag:$0x1] =	stream.indirect_vreg.gather [hbm4b:s4+s21], $0x80, v26, vm0, $0xb8;
	[tilespmem:$0x19280] =	vst v63  }
0x307: {  	s10 =	simm.s32 $0x9500;
	v26 =	vadd.s32 v5, v27;
	v27 =	vperm.xlane v23, v10  }
0x308: {  	[tilespmem:s10], [sflag:$0x1] =	stream.indirect_vreg.gather [hbm4b:s4+s21], $0x80, v24, vm0, $0xb8;
	[tilespmem:$0x19280] =	vst v63  }
0x309: {  	s12 =	simm.s32 $0x9580;
	v24 =	vadd.s32 v5, v27;
	v27 =	vperm.xlane v23, v11  }
0x30a: {  	[tilespmem:s12], [sflag:$0x1] =	stream.indirect_vreg.gather [hbm4b:s4+s21], $0x80, v25, vm0, $0xb8;
	[tilespmem:$0x19280] =	vst v63  }
0x30b: {  	s23 =	simm.s32 $0x9600;
	v25 =	vadd.s32 v5, v27;
	v27 =	vperm.xlane v23, v12  }
0x30c: {  	[tilespmem:s23], [sflag:$0x1] =	stream.indirect_vreg.gather [hbm4b:s4+s21], $0x80, v26, vm0, $0xb8;
	[tilespmem:$0x19280] =	vst v63  }
0x30d: {  	s25 =	simm.s32 $0x9680;
	v26 =	vadd.s32 v5, v27;
	v27 =	vperm.xlane v23, v14  }
0x30e: {  	[tilespmem:s25], [sflag:$0x1] =	stream.indirect_vreg.gather [hbm4b:s4+s21], $0x80, v24, vm0, $0xb8;
	[tilespmem:$0x19280] =	vst v63  }
0x30f: {  	s26 =	simm.s32 $0x9700;
	v24 =	vadd.s32 v5, v27;
	v27 =	vperm.xlane v23, v16  }
0x310: {  	[tilespmem:s26], [sflag:$0x1] =	stream.indirect_vreg.gather [hbm4b:s4+s21], $0x80, v25, vm0, $0xb8;
	[tilespmem:$0x19280] =	vst v63  }
0x311: {  	s7 =	simm.s32 $0x9780;
	v25 =	vadd.s32 v5, v27;
	v27 =	vperm.xlane v23, v18  }
0x312: {  	[tilespmem:s7], [sflag:$0x1] =	stream.indirect_vreg.gather [hbm4b:s4+s21], $0x80, v26, vm0, $0xb8;
	[tilespmem:$0x19280] =	vst v63  }
0x313: {  	s10 =	simm.s32 $0x9800;
	v23 =	vperm.xlane v23, v20;
	v26 =	vadd.s32 v5, v27  }
0x314: {  	[tilespmem:s10], [sflag:$0x1] =	stream.indirect_vreg.gather [hbm4b:s4+s21], $0x80, v24, vm0, $0xb8;
	[tilespmem:$0x19280] =	vst v63  }
0x315: {  	s12 =	simm.s32 $0x9880;
	v23 =	vadd.s32 v5, v23  }
0x316: {  	[tilespmem:s12], [sflag:$0x1] =	stream.indirect_vreg.gather [hbm4b:s4+s21], $0x80, v25, vm0, $0xb8;
	[tilespmem:$0x19280] =	vst v63  }
0x317: {  	s23 =	simm.s32 $0x9900  }
0x318: {  	[tilespmem:s23], [sflag:$0x1] =	stream.indirect_vreg.gather [hbm4b:s4+s21], $0x80, v26, vm0, $0xb8;
	[tilespmem:$0x19280] =	vst v63  }
0x319: {  	s25 =	simm.s32 $0x9980  }
0x31a: {  	[tilespmem:s25], [sflag:$0x1] =	stream.indirect_vreg.gather [hbm4b:s4+s21], $0x80, v23, vm0, $0xb8;
	[tilespmem:$0x19280] =	vst v63  }
0x31b: {  	v23 =	vld [tilespmem:s22+$0xA10];
	_ =	sdelay $0x4  }
0x31c: {  	v24 =	vshll.u32 v23, $0x1  }
0x31d: {  	v23 =	vand.u32 $0x7, v23;
	v24 =	vand.u32 $0xFFFFFFF0, v24  }
0x31e: {  	v23 =	vor.u32 v23, v24  }
0x31f: {  	v24 =	vperm.xlane v23, v4;
	_ =	sdelay $0x1  }
0x320: {  	v25 =	vperm.xlane v23, v2;
	v24 =	vadd.s32 v5, v24;
	_ =	sdelay $0x1  }
0x321: {  	v26 =	vperm.xlane v23, v0;
	v25 =	vadd.s32 v5, v25;
	_ =	sdelay $0x1  }
0x322: {  	s26 =	simm.s32 $0x9A00;
	v27 =	vperm.xlane v23, v6;
	v26 =	vadd.s32 v5, v26  }
0x323: {  	[tilespmem:s26], [sflag:$0x1] =	stream.indirect_vreg.gather [hbm4b:s4+s21], $0x80, v24, vm0, $0xb8;
	[tilespmem:$0x19280] =	vst v63  }
0x324: {  	s7 =	simm.s32 $0x9A80;
	v24 =	vadd.s32 v5, v27;
	v27 =	vperm.xlane v23, v7  }
0x325: {  	[tilespmem:s7], [sflag:$0x1] =	stream.indirect_vreg.gather [hbm4b:s4+s21], $0x80, v25, vm0, $0xb8;
	[tilespmem:$0x19280] =	vst v63  }
0x326: {  	s10 =	simm.s32 $0x9B00;
	v25 =	vadd.s32 v5, v27;
	v27 =	vperm.xlane v23, v8  }
0x327: {  	[tilespmem:s10], [sflag:$0x1] =	stream.indirect_vreg.gather [hbm4b:s4+s21], $0x80, v26, vm0, $0xb8;
	[tilespmem:$0x19280] =	vst v63  }
0x328: {  	s12 =	simm.s32 $0x9B80;
	v26 =	vadd.s32 v5, v27;
	v27 =	vperm.xlane v23, v9  }
0x329: {  	[tilespmem:s12], [sflag:$0x1] =	stream.indirect_vreg.gather [hbm4b:s4+s21], $0x80, v24, vm0, $0xb8;
	[tilespmem:$0x19280] =	vst v63  }
0x32a: {  	s23 =	simm.s32 $0x9C00;
	v24 =	vadd.s32 v5, v27;
	v27 =	vperm.xlane v23, v1  }
0x32b: {  	[tilespmem:s23], [sflag:$0x1] =	stream.indirect_vreg.gather [hbm4b:s4+s21], $0x80, v25, vm0, $0xb8;
	[tilespmem:$0x19280] =	vst v63  }
0x32c: {  	s25 =	simm.s32 $0x9C80;
	v25 =	vadd.s32 v5, v27;
	v27 =	vperm.xlane v23, v13  }
0x32d: {  	[tilespmem:s25], [sflag:$0x1] =	stream.indirect_vreg.gather [hbm4b:s4+s21], $0x80, v26, vm0, $0xb8;
	[tilespmem:$0x19280] =	vst v63  }
0x32e: {  	s26 =	simm.s32 $0x9D00;
	v26 =	vadd.s32 v5, v27;
	v27 =	vperm.xlane v23, v10  }
0x32f: {  	[tilespmem:s26], [sflag:$0x1] =	stream.indirect_vreg.gather [hbm4b:s4+s21], $0x80, v24, vm0, $0xb8;
	[tilespmem:$0x19280] =	vst v63  }
0x330: {  	s7 =	simm.s32 $0x9D80;
	v24 =	vadd.s32 v5, v27;
	v27 =	vperm.xlane v23, v11  }
0x331: {  	[tilespmem:s7], [sflag:$0x1] =	stream.indirect_vreg.gather [hbm4b:s4+s21], $0x80, v25, vm0, $0xb8;
	[tilespmem:$0x19280] =	vst v63  }
0x332: {  	s10 =	simm.s32 $0x9E00;
	v25 =	vadd.s32 v5, v27;
	v27 =	vperm.xlane v23, v12  }
0x333: {  	[tilespmem:s10], [sflag:$0x1] =	stream.indirect_vreg.gather [hbm4b:s4+s21], $0x80, v26, vm0, $0xb8;
	[tilespmem:$0x19280] =	vst v63  }
0x334: {  	s12 =	simm.s32 $0x9E80;
	v26 =	vadd.s32 v5, v27;
	v27 =	vperm.xlane v23, v14  }
0x335: {  	[tilespmem:s12], [sflag:$0x1] =	stream.indirect_vreg.gather [hbm4b:s4+s21], $0x80, v24, vm0, $0xb8;
	[tilespmem:$0x19280] =	vst v63  }
0x336: {  	s23 =	simm.s32 $0x9F00;
	v24 =	vadd.s32 v5, v27;
	v27 =	vperm.xlane v23, v16  }
0x337: {  	[tilespmem:s23], [sflag:$0x1] =	stream.indirect_vreg.gather [hbm4b:s4+s21], $0x80, v25, vm0, $0xb8;
	[tilespmem:$0x19280] =	vst v63  }
0x338: {  	s25 =	simm.s32 $0x9F80;
	v25 =	vadd.s32 v5, v27;
	v27 =	vperm.xlane v23, v18  }
0x339: {  	[tilespmem:s25], [sflag:$0x1] =	stream.indirect_vreg.gather [hbm4b:s4+s21], $0x80, v26, vm0, $0xb8;
	[tilespmem:$0x19280] =	vst v63  }
0x33a: {  	s26 =	simm.s32 $0xA000;
	v23 =	vperm.xlane v23, v20;
	v26 =	vadd.s32 v5, v27  }
0x33b: {  	[tilespmem:s26], [sflag:$0x1] =	stream.indirect_vreg.gather [hbm4b:s4+s21], $0x80, v24, vm0, $0xb8;
	[tilespmem:$0x19280] =	vst v63  }
0x33c: {  	s7 =	simm.s32 $0xA080;
	v23 =	vadd.s32 v5, v23  }
0x33d: {  	[tilespmem:s7], [sflag:$0x1] =	stream.indirect_vreg.gather [hbm4b:s4+s21], $0x80, v25, vm0, $0xb8;
	[tilespmem:$0x19280] =	vst v63  }
0x33e: {  	s10 =	simm.s32 $0xA100  }
0x33f: {  	[tilespmem:s10], [sflag:$0x1] =	stream.indirect_vreg.gather [hbm4b:s4+s21], $0x80, v26, vm0, $0xb8;
	[tilespmem:$0x19280] =	vst v63  }
0x340: {  	s12 =	simm.s32 $0xA180  }
0x341: {  	[tilespmem:s12], [sflag:$0x1] =	stream.indirect_vreg.gather [hbm4b:s4+s21], $0x80, v23, vm0, $0xb8;
	[tilespmem:$0x19280] =	vst v63  }
0x342: {  	v23 =	vld [tilespmem:s22+$0xA20];
	_ =	sdelay $0x4  }
0x343: {  	v24 =	vshll.u32 v23, $0x1  }
0x344: {  	v23 =	vand.u32 $0x7, v23;
	v24 =	vand.u32 $0xFFFFFFF0, v24  }
0x345: {  	v23 =	vor.u32 v23, v24  }
0x346: {  	v24 =	vperm.xlane v23, v4;
	_ =	sdelay $0x1  }
0x347: {  	v25 =	vperm.xlane v23, v2;
	v24 =	vadd.s32 v5, v24;
	_ =	sdelay $0x1  }
0x348: {  	v26 =	vperm.xlane v23, v0;
	v25 =	vadd.s32 v5, v25;
	_ =	sdelay $0x1  }
0x349: {  	s23 =	simm.s32 $0xA200;
	v27 =	vperm.xlane v23, v6;
	v26 =	vadd.s32 v5, v26  }
0x34a: {  	[tilespmem:s23], [sflag:$0x1] =	stream.indirect_vreg.gather [hbm4b:s4+s21], $0x80, v24, vm0, $0xb8;
	[tilespmem:$0x19280] =	vst v63  }
0x34b: {  	s25 =	simm.s32 $0xA280;
	v24 =	vadd.s32 v5, v27;
	v27 =	vperm.xlane v23, v7  }
0x34c: {  	[tilespmem:s25], [sflag:$0x1] =	stream.indirect_vreg.gather [hbm4b:s4+s21], $0x80, v25, vm0, $0xb8;
	[tilespmem:$0x19280] =	vst v63  }
0x34d: {  	s26 =	simm.s32 $0xA300;
	v25 =	vadd.s32 v5, v27;
	v27 =	vperm.xlane v23, v8  }
0x34e: {  	[tilespmem:s26], [sflag:$0x1] =	stream.indirect_vreg.gather [hbm4b:s4+s21], $0x80, v26, vm0, $0xb8;
	[tilespmem:$0x19280] =	vst v63  }
0x34f: {  	s7 =	simm.s32 $0xA380;
	v26 =	vadd.s32 v5, v27;
	v27 =	vperm.xlane v23, v9  }
0x350: {  	[tilespmem:s7], [sflag:$0x1] =	stream.indirect_vreg.gather [hbm4b:s4+s21], $0x80, v24, vm0, $0xb8;
	[tilespmem:$0x19280] =	vst v63  }
0x351: {  	s10 =	simm.s32 $0xA400;
	v24 =	vadd.s32 v5, v27;
	v27 =	vperm.xlane v23, v1  }
0x352: {  	[tilespmem:s10], [sflag:$0x1] =	stream.indirect_vreg.gather [hbm4b:s4+s21], $0x80, v25, vm0, $0xb8;
	[tilespmem:$0x19280] =	vst v63  }
0x353: {  	s12 =	simm.s32 $0xA480;
	v25 =	vadd.s32 v5, v27;
	v27 =	vperm.xlane v23, v13  }
0x354: {  	[tilespmem:s12], [sflag:$0x1] =	stream.indirect_vreg.gather [hbm4b:s4+s21], $0x80, v26, vm0, $0xb8;
	[tilespmem:$0x19280] =	vst v63  }
0x355: {  	s23 =	simm.s32 $0xA500;
	v26 =	vadd.s32 v5, v27;
	v27 =	vperm.xlane v23, v10  }
0x356: {  	[tilespmem:s23], [sflag:$0x1] =	stream.indirect_vreg.gather [hbm4b:s4+s21], $0x80, v24, vm0, $0xb8;
	[tilespmem:$0x19280] =	vst v63  }
0x357: {  	s25 =	simm.s32 $0xA580;
	v24 =	vadd.s32 v5, v27;
	v27 =	vperm.xlane v23, v11  }
0x358: {  	[tilespmem:s25], [sflag:$0x1] =	stream.indirect_vreg.gather [hbm4b:s4+s21], $0x80, v25, vm0, $0xb8;
	[tilespmem:$0x19280] =	vst v63  }
0x359: {  	s26 =	simm.s32 $0xA600;
	v25 =	vadd.s32 v5, v27;
	v27 =	vperm.xlane v23, v12  }
0x35a: {  	[tilespmem:s26], [sflag:$0x1] =	stream.indirect_vreg.gather [hbm4b:s4+s21], $0x80, v26, vm0, $0xb8;
	[tilespmem:$0x19280] =	vst v63  }
0x35b: {  	s7 =	simm.s32 $0xA680;
	v26 =	vadd.s32 v5, v27;
	v27 =	vperm.xlane v23, v14  }
0x35c: {  	[tilespmem:s7], [sflag:$0x1] =	stream.indirect_vreg.gather [hbm4b:s4+s21], $0x80, v24, vm0, $0xb8;
	[tilespmem:$0x19280] =	vst v63  }
0x35d: {  	s10 =	simm.s32 $0xA700;
	v24 =	vadd.s32 v5, v27;
	v27 =	vperm.xlane v23, v16  }
0x35e: {  	[tilespmem:s10], [sflag:$0x1] =	stream.indirect_vreg.gather [hbm4b:s4+s21], $0x80, v25, vm0, $0xb8;
	[tilespmem:$0x19280] =	vst v63  }
0x35f: {  	s12 =	simm.s32 $0xA780;
	v25 =	vadd.s32 v5, v27;
	v27 =	vperm.xlane v23, v18  }
0x360: {  	[tilespmem:s12], [sflag:$0x1] =	stream.indirect_vreg.gather [hbm4b:s4+s21], $0x80, v26, vm0, $0xb8;
	[tilespmem:$0x19280] =	vst v63  }
0x361: {  	s23 =	simm.s32 $0xA800;
	v23 =	vperm.xlane v23, v20;
	v26 =	vadd.s32 v5, v27  }
0x362: {  	[tilespmem:s23], [sflag:$0x1] =	stream.indirect_vreg.gather [hbm4b:s4+s21], $0x80, v24, vm0, $0xb8;
	[tilespmem:$0x19280] =	vst v63  }
0x363: {  	s25 =	simm.s32 $0xA880;
	v23 =	vadd.s32 v5, v23  }
0x364: {  	[tilespmem:s25], [sflag:$0x1] =	stream.indirect_vreg.gather [hbm4b:s4+s21], $0x80, v25, vm0, $0xb8;
	[tilespmem:$0x19280] =	vst v63  }
0x365: {  	s26 =	simm.s32 $0xA900  }
0x366: {  	[tilespmem:s26], [sflag:$0x1] =	stream.indirect_vreg.gather [hbm4b:s4+s21], $0x80, v26, vm0, $0xb8;
	[tilespmem:$0x19280] =	vst v63  }
0x367: {  	s7 =	simm.s32 $0xA980  }
0x368: {  	[tilespmem:s7], [sflag:$0x1] =	stream.indirect_vreg.gather [hbm4b:s4+s21], $0x80, v23, vm0, $0xb8;
	[tilespmem:$0x19280] =	vst v63  }
0x369: {  	v23 =	vld [tilespmem:s22+$0xA30];
	_ =	sdelay $0x4  }
0x36a: {  	v24 =	vshll.u32 v23, $0x1  }
0x36b: {  	v23 =	vand.u32 $0x7, v23;
	v24 =	vand.u32 $0xFFFFFFF0, v24  }
0x36c: {  	v23 =	vor.u32 v23, v24  }
0x36d: {  	v24 =	vperm.xlane v23, v4;
	_ =	sdelay $0x1  }
0x36e: {  	v25 =	vperm.xlane v23, v2;
	v24 =	vadd.s32 v5, v24;
	_ =	sdelay $0x1  }
0x36f: {  	v26 =	vperm.xlane v23, v0;
	v25 =	vadd.s32 v5, v25;
	_ =	sdelay $0x1  }
0x370: {  	s10 =	simm.s32 $0xAA00;
	v27 =	vperm.xlane v23, v6;
	v26 =	vadd.s32 v5, v26  }
0x371: {  	[tilespmem:s10], [sflag:$0x1] =	stream.indirect_vreg.gather [hbm4b:s4+s21], $0x80, v24, vm0, $0xb8;
	[tilespmem:$0x19280] =	vst v63  }
0x372: {  	s12 =	simm.s32 $0xAA80;
	v24 =	vadd.s32 v5, v27;
	v27 =	vperm.xlane v23, v7  }
0x373: {  	[tilespmem:s12], [sflag:$0x1] =	stream.indirect_vreg.gather [hbm4b:s4+s21], $0x80, v25, vm0, $0xb8;
	[tilespmem:$0x19280] =	vst v63  }
0x374: {  	s23 =	simm.s32 $0xAB00;
	v25 =	vadd.s32 v5, v27;
	v27 =	vperm.xlane v23, v8  }
0x375: {  	[tilespmem:s23], [sflag:$0x1] =	stream.indirect_vreg.gather [hbm4b:s4+s21], $0x80, v26, vm0, $0xb8;
	[tilespmem:$0x19280] =	vst v63  }
0x376: {  	s25 =	simm.s32 $0xAB80;
	v26 =	vadd.s32 v5, v27;
	v27 =	vperm.xlane v23, v9  }
0x377: {  	[tilespmem:s25], [sflag:$0x1] =	stream.indirect_vreg.gather [hbm4b:s4+s21], $0x80, v24, vm0, $0xb8;
	[tilespmem:$0x19280] =	vst v63  }
0x378: {  	s26 =	simm.s32 $0xAC00;
	v24 =	vadd.s32 v5, v27;
	v27 =	vperm.xlane v23, v1  }
0x379: {  	[tilespmem:s26], [sflag:$0x1] =	stream.indirect_vreg.gather [hbm4b:s4+s21], $0x80, v25, vm0, $0xb8;
	[tilespmem:$0x19280] =	vst v63  }
0x37a: {  	s7 =	simm.s32 $0xAC80;
	v25 =	vadd.s32 v5, v27;
	v27 =	vperm.xlane v23, v13  }
0x37b: {  	[tilespmem:s7], [sflag:$0x1] =	stream.indirect_vreg.gather [hbm4b:s4+s21], $0x80, v26, vm0, $0xb8;
	[tilespmem:$0x19280] =	vst v63  }
0x37c: {  	s10 =	simm.s32 $0xAD00;
	v26 =	vadd.s32 v5, v27;
	v27 =	vperm.xlane v23, v10  }
0x37d: {  	[tilespmem:s10], [sflag:$0x1] =	stream.indirect_vreg.gather [hbm4b:s4+s21], $0x80, v24, vm0, $0xb8;
	[tilespmem:$0x19280] =	vst v63  }
0x37e: {  	s12 =	simm.s32 $0xAD80;
	v24 =	vadd.s32 v5, v27;
	v27 =	vperm.xlane v23, v11  }
0x37f: {  	[tilespmem:s12], [sflag:$0x1] =	stream.indirect_vreg.gather [hbm4b:s4+s21], $0x80, v25, vm0, $0xb8;
	[tilespmem:$0x19280] =	vst v63  }
0x380: {  	s23 =	simm.s32 $0xAE00;
	v25 =	vadd.s32 v5, v27;
	v27 =	vperm.xlane v23, v12  }
0x381: {  	[tilespmem:s23], [sflag:$0x1] =	stream.indirect_vreg.gather [hbm4b:s4+s21], $0x80, v26, vm0, $0xb8;
	[tilespmem:$0x19280] =	vst v63  }
0x382: {  	s25 =	simm.s32 $0xAE80;
	v26 =	vadd.s32 v5, v27;
	v27 =	vperm.xlane v23, v14  }
0x383: {  	[tilespmem:s25], [sflag:$0x1] =	stream.indirect_vreg.gather [hbm4b:s4+s21], $0x80, v24, vm0, $0xb8;
	[tilespmem:$0x19280] =	vst v63  }
0x384: {  	s26 =	simm.s32 $0xAF00;
	v24 =	vadd.s32 v5, v27;
	v27 =	vperm.xlane v23, v16  }
0x385: {  	[tilespmem:s26], [sflag:$0x1] =	stream.indirect_vreg.gather [hbm4b:s4+s21], $0x80, v25, vm0, $0xb8;
	[tilespmem:$0x19280] =	vst v63  }
0x386: {  	s7 =	simm.s32 $0xAF80;
	v25 =	vadd.s32 v5, v27;
	v27 =	vperm.xlane v23, v18  }
0x387: {  	[tilespmem:s7], [sflag:$0x1] =	stream.indirect_vreg.gather [hbm4b:s4+s21], $0x80, v26, vm0, $0xb8;
	[tilespmem:$0x19280] =	vst v63  }
0x388: {  	s10 =	simm.s32 $0xB000;
	v23 =	vperm.xlane v23, v20;
	v26 =	vadd.s32 v5, v27  }
0x389: {  	[tilespmem:s10], [sflag:$0x1] =	stream.indirect_vreg.gather [hbm4b:s4+s21], $0x80, v24, vm0, $0xb8;
	[tilespmem:$0x19280] =	vst v63  }
0x38a: {  	s12 =	simm.s32 $0xB080;
	v23 =	vadd.s32 v5, v23  }
0x38b: {  	[tilespmem:s12], [sflag:$0x1] =	stream.indirect_vreg.gather [hbm4b:s4+s21], $0x80, v25, vm0, $0xb8;
	[tilespmem:$0x19280] =	vst v63  }
0x38c: {  	s23 =	simm.s32 $0xB100  }
0x38d: {  	[tilespmem:s23], [sflag:$0x1] =	stream.indirect_vreg.gather [hbm4b:s4+s21], $0x80, v26, vm0, $0xb8;
	[tilespmem:$0x19280] =	vst v63  }
0x38e: {  	s25 =	simm.s32 $0xB180  }
0x38f: {  	[tilespmem:s25], [sflag:$0x1] =	stream.indirect_vreg.gather [hbm4b:s4+s21], $0x80, v23, vm0, $0xb8;
	[tilespmem:$0x19280] =	vst v63  }
0x390: {  	s26 =	simm.s32 $0x1100  }
0x391: {  	[tilespmem:s8], [sflag:$0x1] =	stream.indirect.gather [hbm4b:s0+s2], $0x80, s26, s2, $0xb8;
	[tilespmem:$0x19280] =	vst v63  }
0x392: {  	v23 =	vld [tilespmem:s22+$0xC80];
	_ =	sdelay $0x4  }
0x393: {  	v24 =	vshll.u32 v23, $0x1  }
0x394: {  	v23 =	vand.u32 $0x7, v23;
	v24 =	vand.u32 $0xFFFFFFF0, v24  }
0x395: {  	v23 =	vor.u32 v23, v24  }
0x396: {  	v24 =	vperm.xlane v23, v4;
	_ =	sdelay $0x1  }
0x397: {  	v25 =	vperm.xlane v23, v2;
	v24 =	vadd.s32 v5, v24;
	_ =	sdelay $0x1  }
0x398: {  	v26 =	vperm.xlane v23, v0;
	v25 =	vadd.s32 v5, v25;
	_ =	sdelay $0x1  }
0x399: {  	s7 =	simm.s32 $0xB200;
	v27 =	vperm.xlane v23, v6;
	v26 =	vadd.s32 v5, v26  }
0x39a: {  	[tilespmem:s7], [sflag:$0x1] =	stream.indirect_vreg.gather [hbm4b:s3+s21], $0x80, v24, vm0, $0xb8;
	[tilespmem:$0x19280] =	vst v63  }
0x39b: {  	s10 =	simm.s32 $0xB280;
	v24 =	vadd.s32 v5, v27;
	v27 =	vperm.xlane v23, v7  }
0x39c: {  	[tilespmem:s10], [sflag:$0x1] =	stream.indirect_vreg.gather [hbm4b:s3+s21], $0x80, v25, vm0, $0xb8;
	[tilespmem:$0x19280] =	vst v63  }
0x39d: {  	s12 =	simm.s32 $0xB300;
	v25 =	vadd.s32 v5, v27;
	v27 =	vperm.xlane v23, v8  }
0x39e: {  	[tilespmem:s12], [sflag:$0x1] =	stream.indirect_vreg.gather [hbm4b:s3+s21], $0x80, v26, vm0, $0xb8;
	[tilespmem:$0x19280] =	vst v63  }
0x39f: {  	s23 =	simm.s32 $0xB380;
	v26 =	vadd.s32 v5, v27;
	v27 =	vperm.xlane v23, v9  }
0x3a0: {  	[tilespmem:s23], [sflag:$0x1] =	stream.indirect_vreg.gather [hbm4b:s3+s21], $0x80, v24, vm0, $0xb8;
	[tilespmem:$0x19280] =	vst v63  }
0x3a1: {  	s25 =	simm.s32 $0xB400;
	v24 =	vadd.s32 v5, v27;
	v27 =	vperm.xlane v23, v1  }
0x3a2: {  	[tilespmem:s25], [sflag:$0x1] =	stream.indirect_vreg.gather [hbm4b:s3+s21], $0x80, v25, vm0, $0xb8;
	[tilespmem:$0x19280] =	vst v63  }
0x3a3: {  	s26 =	simm.s32 $0xB480;
	v25 =	vadd.s32 v5, v27;
	v27 =	vperm.xlane v23, v13  }
0x3a4: {  	[tilespmem:s26], [sflag:$0x1] =	stream.indirect_vreg.gather [hbm4b:s3+s21], $0x80, v26, vm0, $0xb8;
	[tilespmem:$0x19280] =	vst v63  }
0x3a5: {  	s6 =	simm.s32 $0xB500;
	v26 =	vadd.s32 v5, v27;
	v27 =	vperm.xlane v23, v10  }
0x3a6: {  	[tilespmem:s6], [sflag:$0x1] =	stream.indirect_vreg.gather [hbm4b:s3+s21], $0x80, v24, vm0, $0xb8;
	[tilespmem:$0x19280] =	vst v63  }
0x3a7: {  	s7 =	simm.s32 $0xB580;
	v24 =	vadd.s32 v5, v27;
	v27 =	vperm.xlane v23, v11  }
0x3a8: {  	[tilespmem:s7], [sflag:$0x1] =	stream.indirect_vreg.gather [hbm4b:s3+s21], $0x80, v25, vm0, $0xb8;
	[tilespmem:$0x19280] =	vst v63  }
0x3a9: {  	s10 =	simm.s32 $0xB600;
	v25 =	vadd.s32 v5, v27;
	v27 =	vperm.xlane v23, v12  }
0x3aa: {  	[tilespmem:s10], [sflag:$0x1] =	stream.indirect_vreg.gather [hbm4b:s3+s21], $0x80, v26, vm0, $0xb8;
	[tilespmem:$0x19280] =	vst v63  }
0x3ab: {  	s12 =	simm.s32 $0xB680;
	v26 =	vadd.s32 v5, v27;
	v27 =	vperm.xlane v23, v14  }
0x3ac: {  	[tilespmem:s12], [sflag:$0x1] =	stream.indirect_vreg.gather [hbm4b:s3+s21], $0x80, v24, vm0, $0xb8;
	[tilespmem:$0x19280] =	vst v63  }
0x3ad: {  	s23 =	simm.s32 $0xB700;
	v24 =	vadd.s32 v5, v27;
	v27 =	vperm.xlane v23, v16  }
0x3ae: {  	[tilespmem:s23], [sflag:$0x1] =	stream.indirect_vreg.gather [hbm4b:s3+s21], $0x80, v25, vm0, $0xb8;
	[tilespmem:$0x19280] =	vst v63  }
0x3af: {  	s25 =	simm.s32 $0xB780;
	v25 =	vadd.s32 v5, v27;
	v27 =	vperm.xlane v23, v18  }
0x3b0: {  	[tilespmem:s25], [sflag:$0x1] =	stream.indirect_vreg.gather [hbm4b:s3+s21], $0x80, v26, vm0, $0xb8;
	[tilespmem:$0x19280] =	vst v63  }
0x3b1: {  	s26 =	simm.s32 $0xB800;
	v23 =	vperm.xlane v23, v20;
	v26 =	vadd.s32 v5, v27  }
0x3b2: {  	[tilespmem:s26], [sflag:$0x1] =	stream.indirect_vreg.gather [hbm4b:s3+s21], $0x80, v24, vm0, $0xb8;
	[tilespmem:$0x19280] =	vst v63  }
0x3b3: {  	s6 =	simm.s32 $0xB880;
	v23 =	vadd.s32 v5, v23  }
0x3b4: {  	[tilespmem:s6], [sflag:$0x1] =	stream.indirect_vreg.gather [hbm4b:s3+s21], $0x80, v25, vm0, $0xb8;
	[tilespmem:$0x19280] =	vst v63  }
0x3b5: {  	s7 =	simm.s32 $0xB900  }
0x3b6: {  	[tilespmem:s7], [sflag:$0x1] =	stream.indirect_vreg.gather [hbm4b:s3+s21], $0x80, v26, vm0, $0xb8;
	[tilespmem:$0x19280] =	vst v63  }
0x3b7: {  	s10 =	simm.s32 $0xB980  }
0x3b8: {  	[tilespmem:s10], [sflag:$0x1] =	stream.indirect_vreg.gather [hbm4b:s3+s21], $0x80, v23, vm0, $0xb8;
	[tilespmem:$0x19280] =	vst v63  }
0x3b9: {  	v23 =	vld [tilespmem:s22+$0xC90];
	_ =	sdelay $0x4  }
0x3ba: {  	v24 =	vshll.u32 v23, $0x1  }
0x3bb: {  	v23 =	vand.u32 $0x7, v23;
	v24 =	vand.u32 $0xFFFFFFF0, v24  }
0x3bc: {  	v23 =	vor.u32 v23, v24  }
0x3bd: {  	v24 =	vperm.xlane v23, v4;
	_ =	sdelay $0x1  }
0x3be: {  	v25 =	vperm.xlane v23, v2;
	v24 =	vadd.s32 v5, v24;
	_ =	sdelay $0x1  }
0x3bf: {  	v26 =	vperm.xlane v23, v0;
	v25 =	vadd.s32 v5, v25;
	_ =	sdelay $0x1  }
0x3c0: {  	s12 =	simm.s32 $0xBA00;
	v27 =	vperm.xlane v23, v6;
	v26 =	vadd.s32 v5, v26  }
0x3c1: {  	[tilespmem:s12], [sflag:$0x1] =	stream.indirect_vreg.gather [hbm4b:s3+s21], $0x80, v24, vm0, $0xb8;
	[tilespmem:$0x19280] =	vst v63  }
0x3c2: {  	s23 =	simm.s32 $0xBA80;
	v24 =	vadd.s32 v5, v27;
	v27 =	vperm.xlane v23, v7  }
0x3c3: {  	[tilespmem:s23], [sflag:$0x1] =	stream.indirect_vreg.gather [hbm4b:s3+s21], $0x80, v25, vm0, $0xb8;
	[tilespmem:$0x19280] =	vst v63  }
0x3c4: {  	s25 =	simm.s32 $0xBB00;
	v25 =	vadd.s32 v5, v27;
	v27 =	vperm.xlane v23, v8  }
0x3c5: {  	[tilespmem:s25], [sflag:$0x1] =	stream.indirect_vreg.gather [hbm4b:s3+s21], $0x80, v26, vm0, $0xb8;
	[tilespmem:$0x19280] =	vst v63  }
0x3c6: {  	s26 =	simm.s32 $0xBB80;
	v26 =	vadd.s32 v5, v27;
	v27 =	vperm.xlane v23, v9  }
0x3c7: {  	[tilespmem:s26], [sflag:$0x1] =	stream.indirect_vreg.gather [hbm4b:s3+s21], $0x80, v24, vm0, $0xb8;
	[tilespmem:$0x19280] =	vst v63  }
0x3c8: {  	s6 =	simm.s32 $0xBC00;
	v24 =	vadd.s32 v5, v27;
	v27 =	vperm.xlane v23, v1  }
0x3c9: {  	[tilespmem:s6], [sflag:$0x1] =	stream.indirect_vreg.gather [hbm4b:s3+s21], $0x80, v25, vm0, $0xb8;
	[tilespmem:$0x19280] =	vst v63  }
0x3ca: {  	s7 =	simm.s32 $0xBC80;
	v25 =	vadd.s32 v5, v27;
	v27 =	vperm.xlane v23, v13  }
0x3cb: {  	[tilespmem:s7], [sflag:$0x1] =	stream.indirect_vreg.gather [hbm4b:s3+s21], $0x80, v26, vm0, $0xb8;
	[tilespmem:$0x19280] =	vst v63  }
0x3cc: {  	s10 =	simm.s32 $0xBD00;
	v26 =	vadd.s32 v5, v27;
	v27 =	vperm.xlane v23, v10  }
0x3cd: {  	[tilespmem:s10], [sflag:$0x1] =	stream.indirect_vreg.gather [hbm4b:s3+s21], $0x80, v24, vm0, $0xb8;
	[tilespmem:$0x19280] =	vst v63  }
0x3ce: {  	s12 =	simm.s32 $0xBD80;
	v24 =	vadd.s32 v5, v27;
	v27 =	vperm.xlane v23, v11  }
0x3cf: {  	[tilespmem:s12], [sflag:$0x1] =	stream.indirect_vreg.gather [hbm4b:s3+s21], $0x80, v25, vm0, $0xb8;
	[tilespmem:$0x19280] =	vst v63  }
0x3d0: {  	s23 =	simm.s32 $0xBE00;
	v25 =	vadd.s32 v5, v27;
	v27 =	vperm.xlane v23, v12  }
0x3d1: {  	[tilespmem:s23], [sflag:$0x1] =	stream.indirect_vreg.gather [hbm4b:s3+s21], $0x80, v26, vm0, $0xb8;
	[tilespmem:$0x19280] =	vst v63  }
0x3d2: {  	s25 =	simm.s32 $0xBE80;
	v26 =	vadd.s32 v5, v27;
	v27 =	vperm.xlane v23, v14  }
0x3d3: {  	[tilespmem:s25], [sflag:$0x1] =	stream.indirect_vreg.gather [hbm4b:s3+s21], $0x80, v24, vm0, $0xb8;
	[tilespmem:$0x19280] =	vst v63  }
0x3d4: {  	s26 =	simm.s32 $0xBF00;
	v24 =	vadd.s32 v5, v27;
	v27 =	vperm.xlane v23, v16  }
0x3d5: {  	[tilespmem:s26], [sflag:$0x1] =	stream.indirect_vreg.gather [hbm4b:s3+s21], $0x80, v25, vm0, $0xb8;
	[tilespmem:$0x19280] =	vst v63  }
0x3d6: {  	s6 =	simm.s32 $0xBF80;
	v25 =	vadd.s32 v5, v27;
	v27 =	vperm.xlane v23, v18  }
0x3d7: {  	[tilespmem:s6], [sflag:$0x1] =	stream.indirect_vreg.gather [hbm4b:s3+s21], $0x80, v26, vm0, $0xb8;
	[tilespmem:$0x19280] =	vst v63  }
0x3d8: {  	s7 =	simm.s32 $0xC000;
	v23 =	vperm.xlane v23, v20;
	v26 =	vadd.s32 v5, v27  }
0x3d9: {  	[tilespmem:s7], [sflag:$0x1] =	stream.indirect_vreg.gather [hbm4b:s3+s21], $0x80, v24, vm0, $0xb8;
	[tilespmem:$0x19280] =	vst v63  }
0x3da: {  	s10 =	simm.s32 $0xC080;
	v23 =	vadd.s32 v5, v23  }
0x3db: {  	[tilespmem:s10], [sflag:$0x1] =	stream.indirect_vreg.gather [hbm4b:s3+s21], $0x80, v25, vm0, $0xb8;
	[tilespmem:$0x19280] =	vst v63  }
0x3dc: {  	s12 =	simm.s32 $0xC100  }
0x3dd: {  	[tilespmem:s12], [sflag:$0x1] =	stream.indirect_vreg.gather [hbm4b:s3+s21], $0x80, v26, vm0, $0xb8;
	[tilespmem:$0x19280] =	vst v63  }
0x3de: {  	s23 =	simm.s32 $0xC180  }
0x3df: {  	[tilespmem:s23], [sflag:$0x1] =	stream.indirect_vreg.gather [hbm4b:s3+s21], $0x80, v23, vm0, $0xb8;
	[tilespmem:$0x19280] =	vst v63  }
0x3e0: {  	v23 =	vld [tilespmem:s22+$0xCA0];
	_ =	sdelay $0x4  }
0x3e1: {  	v24 =	vshll.u32 v23, $0x1  }
0x3e2: {  	v23 =	vand.u32 $0x7, v23;
	v24 =	vand.u32 $0xFFFFFFF0, v24  }
0x3e3: {  	v23 =	vor.u32 v23, v24  }
0x3e4: {  	v24 =	vperm.xlane v23, v4;
	_ =	sdelay $0x1  }
0x3e5: {  	v25 =	vperm.xlane v23, v2;
	v24 =	vadd.s32 v5, v24;
	_ =	sdelay $0x1  }
0x3e6: {  	v26 =	vperm.xlane v23, v0;
	v25 =	vadd.s32 v5, v25;
	_ =	sdelay $0x1  }
0x3e7: {  	s25 =	simm.s32 $0xC200;
	v27 =	vperm.xlane v23, v6;
	v26 =	vadd.s32 v5, v26  }
0x3e8: {  	[tilespmem:s25], [sflag:$0x1] =	stream.indirect_vreg.gather [hbm4b:s3+s21], $0x80, v24, vm0, $0xb8;
	[tilespmem:$0x19280] =	vst v63  }
0x3e9: {  	s26 =	simm.s32 $0xC280;
	v24 =	vadd.s32 v5, v27;
	v27 =	vperm.xlane v23, v7  }
0x3ea: {  	[tilespmem:s26], [sflag:$0x1] =	stream.indirect_vreg.gather [hbm4b:s3+s21], $0x80, v25, vm0, $0xb8;
	[tilespmem:$0x19280] =	vst v63  }
0x3eb: {  	s6 =	simm.s32 $0xC300;
	v25 =	vadd.s32 v5, v27;
	v27 =	vperm.xlane v23, v8  }
0x3ec: {  	[tilespmem:s6], [sflag:$0x1] =	stream.indirect_vreg.gather [hbm4b:s3+s21], $0x80, v26, vm0, $0xb8;
	[tilespmem:$0x19280] =	vst v63  }
0x3ed: {  	s7 =	simm.s32 $0xC380;
	v26 =	vadd.s32 v5, v27;
	v27 =	vperm.xlane v23, v9  }
0x3ee: {  	[tilespmem:s7], [sflag:$0x1] =	stream.indirect_vreg.gather [hbm4b:s3+s21], $0x80, v24, vm0, $0xb8;
	[tilespmem:$0x19280] =	vst v63  }
0x3ef: {  	s10 =	simm.s32 $0xC400;
	v24 =	vadd.s32 v5, v27;
	v27 =	vperm.xlane v23, v1  }
0x3f0: {  	[tilespmem:s10], [sflag:$0x1] =	stream.indirect_vreg.gather [hbm4b:s3+s21], $0x80, v25, vm0, $0xb8;
	[tilespmem:$0x19280] =	vst v63  }
0x3f1: {  	s12 =	simm.s32 $0xC480;
	v25 =	vadd.s32 v5, v27;
	v27 =	vperm.xlane v23, v13  }
0x3f2: {  	[tilespmem:s12], [sflag:$0x1] =	stream.indirect_vreg.gather [hbm4b:s3+s21], $0x80, v26, vm0, $0xb8;
	[tilespmem:$0x19280] =	vst v63  }
0x3f3: {  	s23 =	simm.s32 $0xC500;
	v26 =	vadd.s32 v5, v27;
	v27 =	vperm.xlane v23, v10  }
0x3f4: {  	[tilespmem:s23], [sflag:$0x1] =	stream.indirect_vreg.gather [hbm4b:s3+s21], $0x80, v24, vm0, $0xb8;
	[tilespmem:$0x19280] =	vst v63  }
0x3f5: {  	s25 =	simm.s32 $0xC580;
	v24 =	vadd.s32 v5, v27;
	v27 =	vperm.xlane v23, v11  }
0x3f6: {  	[tilespmem:s25], [sflag:$0x1] =	stream.indirect_vreg.gather [hbm4b:s3+s21], $0x80, v25, vm0, $0xb8;
	[tilespmem:$0x19280] =	vst v63  }
0x3f7: {  	s26 =	simm.s32 $0xC600;
	v25 =	vadd.s32 v5, v27;
	v27 =	vperm.xlane v23, v12  }
0x3f8: {  	[tilespmem:s26], [sflag:$0x1] =	stream.indirect_vreg.gather [hbm4b:s3+s21], $0x80, v26, vm0, $0xb8;
	[tilespmem:$0x19280] =	vst v63  }
0x3f9: {  	s6 =	simm.s32 $0xC680;
	v26 =	vadd.s32 v5, v27;
	v27 =	vperm.xlane v23, v14  }
0x3fa: {  	[tilespmem:s6], [sflag:$0x1] =	stream.indirect_vreg.gather [hbm4b:s3+s21], $0x80, v24, vm0, $0xb8;
	[tilespmem:$0x19280] =	vst v63  }
0x3fb: {  	s7 =	simm.s32 $0xC700;
	v24 =	vadd.s32 v5, v27;
	v27 =	vperm.xlane v23, v16  }
0x3fc: {  	[tilespmem:s7], [sflag:$0x1] =	stream.indirect_vreg.gather [hbm4b:s3+s21], $0x80, v25, vm0, $0xb8;
	[tilespmem:$0x19280] =	vst v63  }
0x3fd: {  	s10 =	simm.s32 $0xC780;
	v25 =	vadd.s32 v5, v27;
	v27 =	vperm.xlane v23, v18  }
0x3fe: {  	[tilespmem:s10], [sflag:$0x1] =	stream.indirect_vreg.gather [hbm4b:s3+s21], $0x80, v26, vm0, $0xb8;
	[tilespmem:$0x19280] =	vst v63  }
0x3ff: {  	s12 =	simm.s32 $0xC800;
	v23 =	vperm.xlane v23, v20;
	v26 =	vadd.s32 v5, v27  }
0x400: {  	[tilespmem:s12], [sflag:$0x1] =	stream.indirect_vreg.gather [hbm4b:s3+s21], $0x80, v24, vm0, $0xb8;
	[tilespmem:$0x19280] =	vst v63  }
0x401: {  	s23 =	simm.s32 $0xC880;
	v23 =	vadd.s32 v5, v23  }
0x402: {  	[tilespmem:s23], [sflag:$0x1] =	stream.indirect_vreg.gather [hbm4b:s3+s21], $0x80, v25, vm0, $0xb8;
	[tilespmem:$0x19280] =	vst v63  }
0x403: {  	s25 =	simm.s32 $0xC900  }
0x404: {  	[tilespmem:s25], [sflag:$0x1] =	stream.indirect_vreg.gather [hbm4b:s3+s21], $0x80, v26, vm0, $0xb8;
	[tilespmem:$0x19280] =	vst v63  }
0x405: {  	s26 =	simm.s32 $0xC980  }
0x406: {  	[tilespmem:s26], [sflag:$0x1] =	stream.indirect_vreg.gather [hbm4b:s3+s21], $0x80, v23, vm0, $0xb8;
	[tilespmem:$0x19280] =	vst v63  }
0x407: {  	v23 =	vld [tilespmem:s22+$0xCB0];
	_ =	sdelay $0x4  }
0x408: {  	v24 =	vshll.u32 v23, $0x1  }
0x409: {  	v23 =	vand.u32 $0x7, v23;
	v24 =	vand.u32 $0xFFFFFFF0, v24  }
0x40a: {  	v23 =	vor.u32 v23, v24  }
0x40b: {  	v24 =	vperm.xlane v23, v4;
	_ =	sdelay $0x1  }
0x40c: {  	v25 =	vperm.xlane v23, v2;
	v24 =	vadd.s32 v5, v24;
	_ =	sdelay $0x1  }
0x40d: {  	v26 =	vperm.xlane v23, v0;
	v25 =	vadd.s32 v5, v25;
	_ =	sdelay $0x1  }
0x40e: {  	s6 =	simm.s32 $0xCA00;
	v27 =	vperm.xlane v23, v6;
	v26 =	vadd.s32 v5, v26  }
0x40f: {  	[tilespmem:s6], [sflag:$0x1] =	stream.indirect_vreg.gather [hbm4b:s3+s21], $0x80, v24, vm0, $0xb8;
	[tilespmem:$0x19280] =	vst v63  }
0x410: {  	s7 =	simm.s32 $0xCA80;
	v24 =	vadd.s32 v5, v27;
	v27 =	vperm.xlane v23, v7  }
0x411: {  	[tilespmem:s7], [sflag:$0x1] =	stream.indirect_vreg.gather [hbm4b:s3+s21], $0x80, v25, vm0, $0xb8;
	[tilespmem:$0x19280] =	vst v63  }
0x412: {  	s10 =	simm.s32 $0xCB00;
	v25 =	vadd.s32 v5, v27;
	v27 =	vperm.xlane v23, v8  }
0x413: {  	[tilespmem:s10], [sflag:$0x1] =	stream.indirect_vreg.gather [hbm4b:s3+s21], $0x80, v26, vm0, $0xb8;
	[tilespmem:$0x19280] =	vst v63  }
0x414: {  	s12 =	simm.s32 $0xCB80;
	v26 =	vadd.s32 v5, v27;
	v27 =	vperm.xlane v23, v9  }
0x415: {  	[tilespmem:s12], [sflag:$0x1] =	stream.indirect_vreg.gather [hbm4b:s3+s21], $0x80, v24, vm0, $0xb8;
	[tilespmem:$0x19280] =	vst v63  }
0x416: {  	s22 =	simm.s32 $0xCC00;
	v24 =	vadd.s32 v5, v27;
	v27 =	vperm.xlane v23, v1  }
0x417: {  	[tilespmem:s22], [sflag:$0x1] =	stream.indirect_vreg.gather [hbm4b:s3+s21], $0x80, v25, vm0, $0xb8;
	[tilespmem:$0x19280] =	vst v63  }
0x418: {  	s23 =	simm.s32 $0xCC80;
	v25 =	vadd.s32 v5, v27;
	v27 =	vperm.xlane v23, v13  }
0x419: {  	[tilespmem:s23], [sflag:$0x1] =	stream.indirect_vreg.gather [hbm4b:s3+s21], $0x80, v26, vm0, $0xb8;
	[tilespmem:$0x19280] =	vst v63  }
0x41a: {  	s25 =	simm.s32 $0xCD00;
	v26 =	vadd.s32 v5, v27;
	v27 =	vperm.xlane v23, v10  }
0x41b: {  	[tilespmem:s25], [sflag:$0x1] =	stream.indirect_vreg.gather [hbm4b:s3+s21], $0x80, v24, vm0, $0xb8;
	[tilespmem:$0x19280] =	vst v63  }
0x41c: {  	s26 =	simm.s32 $0xCD80;
	v24 =	vadd.s32 v5, v27;
	v27 =	vperm.xlane v23, v11  }
0x41d: {  	[tilespmem:s26], [sflag:$0x1] =	stream.indirect_vreg.gather [hbm4b:s3+s21], $0x80, v25, vm0, $0xb8;
	[tilespmem:$0x19280] =	vst v63  }
0x41e: {  	s6 =	simm.s32 $0xCE00;
	v25 =	vadd.s32 v5, v27;
	v27 =	vperm.xlane v23, v12  }
0x41f: {  	[tilespmem:s6], [sflag:$0x1] =	stream.indirect_vreg.gather [hbm4b:s3+s21], $0x80, v26, vm0, $0xb8;
	[tilespmem:$0x19280] =	vst v63  }
0x420: {  	s7 =	simm.s32 $0xCE80;
	v26 =	vadd.s32 v5, v27;
	v27 =	vperm.xlane v23, v14  }
0x421: {  	[tilespmem:s7], [sflag:$0x1] =	stream.indirect_vreg.gather [hbm4b:s3+s21], $0x80, v24, vm0, $0xb8;
	[tilespmem:$0x19280] =	vst v63  }
0x422: {  	s10 =	simm.s32 $0xCF00;
	v24 =	vadd.s32 v5, v27;
	v27 =	vperm.xlane v23, v16  }
0x423: {  	[tilespmem:s10], [sflag:$0x1] =	stream.indirect_vreg.gather [hbm4b:s3+s21], $0x80, v25, vm0, $0xb8;
	[tilespmem:$0x19280] =	vst v63  }
0x424: {  	s12 =	simm.s32 $0xCF80;
	v25 =	vadd.s32 v5, v27;
	v27 =	vperm.xlane v23, v18  }
0x425: {  	[tilespmem:s12], [sflag:$0x1] =	stream.indirect_vreg.gather [hbm4b:s3+s21], $0x80, v26, vm0, $0xb8;
	[tilespmem:$0x19280] =	vst v63  }
0x426: {  	s22 =	simm.s32 $0xD000;
	v23 =	vperm.xlane v23, v20;
	v26 =	vadd.s32 v5, v27  }
0x427: {  	[tilespmem:s22], [sflag:$0x1] =	stream.indirect_vreg.gather [hbm4b:s3+s21], $0x80, v24, vm0, $0xb8;
	[tilespmem:$0x19280] =	vst v63  }
0x428: {  	s23 =	simm.s32 $0xD080;
	v23 =	vadd.s32 v5, v23  }
0x429: {  	[tilespmem:s23], [sflag:$0x1] =	stream.indirect_vreg.gather [hbm4b:s3+s21], $0x80, v25, vm0, $0xb8;
	[tilespmem:$0x19280] =	vst v63  }
0x42a: {  	s25 =	simm.s32 $0xD100  }
0x42b: {  	[tilespmem:s25], [sflag:$0x1] =	stream.indirect_vreg.gather [hbm4b:s3+s21], $0x80, v26, vm0, $0xb8;
	[tilespmem:$0x19280] =	vst v63  }
0x42c: {  	s26 =	simm.s32 $0xD180  }
0x42d: {  	[tilespmem:s26], [sflag:$0x1] =	stream.indirect_vreg.gather [hbm4b:s3+s21], $0x80, v23, vm0, $0xb8;
	[tilespmem:$0x19280] =	vst v63  }
0x42e: {  	s6 =	simm.s32 $0x1180  }
0x42f: {  	[tilespmem:s24], [sflag:$0x1] =	stream.indirect.gather [hbm4b:s5+s2], $0x80, s6, s2, $0xb8;
	[tilespmem:$0x19280] =	vst v63  }
0x430: {  	_ =	swait.ge [sflag:s13], $0x2000  }
0x431: {  	[sflag:s13] =	ssyncset.done $0x0  }
0x432: {  	[sflag:s13] =	ssyncadd.s32 $0xFFFFE000  }
0x433: {  	_ =	swait.ge [sflag:s13], $0x2000  }
0x434: {  	[sflag:s13] =	ssyncset.done $0x0  }
0x435: {  	[sflag:s13] =	ssyncadd.s32 $0xFFFFE000  }
0x436: {  	_ =	swait.ge [sflag:s13], $0x2000  }
0x437: {  	[sflag:s13] =	ssyncset.done $0x0  }
0x438: {  	[sflag:s13] =	ssyncadd.s32 $0xFFFFE000  }
0x439: {  	_ =	swait.ge [sflag:s13], $0x2000  }
0x43a: {  	[sflag:s13] =	ssyncset.done $0x0  }
0x43b: {  	[sflag:s13] =	ssyncadd.s32 $0xFFFFE000  }
0x43c: {  	_ =	swait.ge [sflag:s13], $0x2000  }
0x43d: {  	[sflag:s13] =	ssyncset.done $0x0  }
0x43e: {  	[sflag:s13] =	ssyncadd.s32 $0xFFFFE000  }
0x43f: {  	_ =	swait.ge [sflag:s13], $0x2000  }
0x440: {  	[sflag:s13] =	ssyncset.done $0x0  }
0x441: {  	[sflag:s13] =	ssyncadd.s32 $0xFFFFE000  }
0x442: {  	_ =	swait.ge [sflag:s13], $0x2000  }
0x443: {  	[sflag:s13] =	ssyncset.done $0x0  }
0x444: {  	[sflag:s13] =	ssyncadd.s32 $0xFFFFE000  }
0x445: {  	_ =	swait.ge [sflag:s13], $0x2000  }
0x446: {  	[sflag:s13] =	ssyncset.done $0x0  }
0x447: {  	[sflag:s13] =	ssyncadd.s32 $0xFFFFE000  }
0x448: {  	_ =	swait.ge [sflag:s13], $0x2000  }
0x449: {  	[sflag:s13] =	ssyncset.done $0x0  }
0x44a: {  	[sflag:s13] =	ssyncadd.s32 $0xFFFFE000  }
0x44b: {  	_ =	swait.ge [sflag:s13], $0x2000  }
0x44c: {  	[sflag:s13] =	ssyncset.done $0x0  }
0x44d: {  	[sflag:s13] =	ssyncadd.s32 $0xFFFFE000  }
0x44e: {  	_ =	swait.ge [sflag:s13], $0x2000  }
0x44f: {  	[sflag:s13] =	ssyncset.done $0x0  }
0x450: {  	[sflag:s13] =	ssyncadd.s32 $0xFFFFE000  }
0x451: {  	_ =	swait.ge [sflag:s13], $0x2000  }
0x452: {  	[sflag:s13] =	ssyncset.done $0x0  }
0x453: {  	s7 =	simm.s32 $0x0;
	[sflag:s13] =	ssyncadd.s32 $0xFFFFE000  }
0x454: {  	v23 =	vld [tilespmem:s7+$0x1200]  }
0x455: {  	v24 =	vld [tilespmem:s7+$0x1210]  }
0x456: {  	v26 =	vld [tilespmem:s7+$0x3200]  }
0x457: {  	v27 =	vld [tilespmem:s7+$0x3210]  }
0x458: {  	v28 =	vld [tilespmem:s7+$0x7200]  }
0x459: {  	v29 =	vld [tilespmem:s7+$0x7210]  }
0x45a: {  	v30 =	vld [tilespmem:s7+$0x9200]  }
0x45b: {  	v31 =	vld [tilespmem:s7+$0x9210]  }
0x45c: {  	v32 =	vld [tilespmem:s7+$0x1220]  }
0x45d: {  	v33 =	vld [tilespmem:s7+$0x3220]  }
0x45e: {  	v34 =	vld [tilespmem:s7+$0x5200]  }
0x45f: {  	v35 =	vld [tilespmem:s7+$0x5210]  }
0x460: {  	v36 =	vld [tilespmem:s7+$0x7220]  }
0x461: {  	v37 =	vld [tilespmem:s7+$0x9220]  }
0x462: {  	v38 =	vld [tilespmem:s7+$0xB200]  }
0x463: {  	v39 =	vld [tilespmem:s7+$0xB210]  }
0x464: {  	v40 =	vld [tilespmem:s7+$0x1230]  }
0x465: {  	v41 =	vld [tilespmem:s7+$0x3230]  }
0x466: {  	v42 =	vld [tilespmem:s7+$0x5220]  }
0x467: {  	v43 =	vld [tilespmem:s7+$0x7230]  }
0x468: {  	v44 =	vld [tilespmem:s7+$0x9230]  }
0x469: {  	v45 =	vld [tilespmem:s7+$0xB220]  }
0x46a: {  	v46 =	vld [tilespmem:s7+$0x1240]  }
0x46b: {  	v47 =	vld [tilespmem:s7+$0x3250]  }
0x46c: {  	v48 =	vld [tilespmem:s7+$0x1260]  }
0x46d: {  	v49 =	vld [tilespmem:s7+$0x5230]  }
0x46e: {  	v50 =	vld [tilespmem:s7+$0x7240]  }
0x46f: {  	v51 =	vld [tilespmem:s7+$0x3240]  }
0x470: {  	v52 =	vld [tilespmem:s7+$0x9240]  }
0x471: {  	v53 =	vld [tilespmem:s7+$0xB230]  }
0x472: {  	v54 =	vld [tilespmem:s7+$0x3260]  }
0x473: {  	v55 =	vld [tilespmem:s7+$0x5250]  }
0x474: {  	v56 =	vld [tilespmem:s7+$0x1250]  }
0x475: {  	v57 =	vld [tilespmem:s7+$0x9250]  }
0x476: {  	v58 =	vld [tilespmem:s7+$0x5240]  }
0x477: {  	v59 =	vld [tilespmem:s7+$0x7250]  }
0x478: {  	v60 =	vld [tilespmem:s7+$0xB240]  }
0x479: {  	v61 =	vld [tilespmem:s7+$0x7260]  }
0x47a: {  	v62 =	vld [tilespmem:s7+$0x9260]  }
0x47b: {  	v63 =	vld [tilespmem:s7+$0xB250]  }
0x47c: {  	v0 =	vld [tilespmem:s7+$0x1270]  }
0x47d: {  	v1 =	vld [tilespmem:s7+$0x3270]  }
0x47e: {  	v2 =	vld [tilespmem:s7+$0x7270]  }
0x47f: {  	v24 =	vadd.f32 v27, v24;
	v27 =	vadd.f32 v30, v28;
	v28 =	vld [tilespmem:s7+$0x9270]  }
0x480: {  	v30 =	vld [tilespmem:s19+$0x0]  }
0x481: {  	v23 =	vadd.f32 v26, v23;
	v26 =	vadd.f32 v33, v32;
	v33 =	vld [tilespmem:s16+$0x0]  }
0x482: {  	v36 =	vadd.f32 v37, v36;
	v37 =	vld [tilespmem:s15+$0x0]  }
0x483: {  	s22 =	simm.s32 $0x80;
	v29 =	vadd.f32 v31, v29;
	v31 =	vadd.f32 v41, v40;
	v40 =	vld [tilespmem:s14+$0x0]  }
0x484: {  	v51 =	vadd.f32 v51, v46;
	v46 =	vadd.f32 v52, v50;
	v50 =	vld [tilespmem:s22+$0x7210]  }
0x485: {  	v26 =	vsub.f32 v26, v42;
	v42 =	vld [tilespmem:s7+$0x5270]  }
0x486: {  	v44 =	vadd.f32 v44, v43;
	v24 =	vsub.f32 v24, v35;
	v35 =	vld [tilespmem:s22+$0x1200]  }
0x487: {  	v31 =	vsub.f32 v31, v49;
	v27 =	vsub.f32 v27, v38;
	v38 =	vld [tilespmem:s22+$0x3210]  }
0x488: {  	v32 =	vsub.f32 v44, v53;
	v29 =	vsub.f32 v29, v39;
	v39 =	vld [tilespmem:s22+$0x7200]  }
0x489: {  	v23 =	vsub.f32 v23, v34;
	v34 =	vsub.f32 v46, v60;
	v46 =	vld [tilespmem:s22+$0xB210]  }
0x48a: {  	v49 =	vand.u32 $0x7FFFFFFF, v26;
	v26 =	vsub.f32 v36, v45;
	v36 =	vld [tilespmem:s7+$0xB260];
	v31 =	vand.u32 $0x7FFFFFFF, v31  }
0x48b: {  	v45 =	vld [tilespmem:s1+$0x0];
	v24 =	vand.u32 $0x7FFFFFFF, v24;
	v27 =	vand.u32 $0x7FFFFFFF, v27;
	v23 =	vand.u32 $0x7FFFFFFF, v23  }
0x48c: {  	v29 =	vand.u32 $0x7FFFFFFF, v29;
	v23 =	vsub.f32 v23, v27;
	v27 =	vsub.f32 v51, v58;
	v51 =	vld [tilespmem:s22+$0x9200]  }
0x48d: {  	v32 =	vand.u32 $0x7FFFFFFF, v32;
	v24 =	vsub.f32 v24, v29;
	v29 =	vadd.f32 v57, v59;
	v57 =	vld [tilespmem:s22+$0x5210]  }
0x48e: {  	v31 =	vsub.f32 v31, v32;
	v58 =	vld [tilespmem:s22+$0x7220]  }
0x48f: {  	(v2sf) =	vpush v30, $0x0;
	v32 =	vadd.f32 v28, v2;
	v2 =	vld [tilespmem:s22+$0x9220]  }
0x490: {  	(v2sf) =	vpush v33, $0x0;
	v33 =	vld [tilespmem:s22+$0x1210]  }
0x491: {  	v53 =	vand.u32 $0x7FFFFFFF, v26;
	(v2sf) =	vpush v37, $0x0;
	v37 =	vld [tilespmem:s22+$0x3200]  }
0x492: {  	v30 =	vsub.f32 v49, v53;
	v49 =	vld [tilespmem:s18+$0x0];
	v23 =	vadd.f32 v24, v23  }
0x493: {  	v24 =	vadd.f32 v47, v56;
	v53 =	vld [tilespmem:s22+$0x9210]  }
0x494: {  	(v2sf) =	vpush v40, $0x0;
	v40 =	vld [tilespmem:s22+$0x5220];
	v23 =	vadd.f32 v30, v23  }
0x495: {  	v0 =	vadd.f32 v1, v0;
	v24 =	vsub.f32 v24, v55;
	v55 =	vld [tilespmem:s22+$0x1220]  }
0x496: {  	v52 =	vand.u32 $0x7FFFFFFF, v34;
	v27 =	vand.u32 $0x7FFFFFFF, v27;
	v23 =	vadd.f32 v31, v23;
	v31 =	vld [tilespmem:s22+$0x3220]  }
0x497: {  	v28 =	vsub.f32 v0, v42;
	v27 =	vsub.f32 v27, v52;
	v56 =	vand.u32 $0x7FFFFFFF, v24;
	v24 =	vld [tilespmem:s22+$0x5200]  }
0x498: {  	(v2sf) =	vpush v45, $0x0;
	v33 =	vadd.f32 v38, v33;
	v38 =	vld [tilespmem:s22+$0x3230]  }
0x499: {  	v30 =	vsub.f32 v29, v63;
	v0 =	vadd.f32 v37, v35;
	v35 =	vld [tilespmem:s22+$0x1230]  }
0x49a: {  	v29 =	vadd.f32 v54, v48;
	v34 =	vadd.f32 v53, v50;
	v50 =	vld [tilespmem:s22+$0xB220]  }
0x49b: {  	v2 =	vadd.f32 v2, v58;
	v30 =	vand.u32 $0x7FFFFFFF, v30;
	v53 =	vld [tilespmem:s22+$0x5230];
	v1 =	vadd.f32 v27, v23  }
0x49c: {  	v23 =	vsub.f32 v56, v30;
	v27 =	vadd.f32 v62, v61;
	v62 =	vld [tilespmem:s22+$0x7230]  }
0x49d: {  	v33 =	vsub.f32 v33, v57;
	v57 =	vld [tilespmem:s22+$0x9230];
	v34 =	vsub.f32 v34, v46  }
0x49e: {  	v30 =	vsub.f32 v27, v36;
	v27 =	vadd.f32 v23, v1;
	v1 =	vld [tilespmem:s22+$0xB200]  }
0x49f: {  	v36 =	vadd.f32 v51, v39;
	v33 =	vand.u32 $0x7FFFFFFF, v33;
	v31 =	vadd.f32 v31, v55;
	v55 =	vld [tilespmem:s22+$0xB230]  }
0x4a0: {  	v0 =	vsub.f32 v0, v24;
	v34 =	vand.u32 $0x7FFFFFFF, v34;
	v35 =	vadd.f32 v38, v35  }
0x4a1: {  	v23 =	vor.u32 $0x10, v3;
	v2 =	vsub.f32 v2, v50;
	v33 =	vsub.f32 v33, v34  }
0x4a2: {  	v25 =	vld [tilespmem:s7+$0x5260];
	v30 =	vand.u32 $0x7FFFFFFF, v30;
	v31 =	vsub.f32 v31, v40;
	v42 =	vadd.f32 v57, v62  }
0x4a3: {  	v0 =	vand.u32 $0x7FFFFFFF, v0;
	v35 =	vsub.f32 v35, v53;
	s10 =	spop (v2sf);
	v1 =	vsub.f32 v36, v1  }
0x4a4: {  	v2 =	vand.u32 $0x7FFFFFFF, v2;
	(v2sf) =	vpush v49, $0x0;
	s0 =	sand.u32 $0x3, s10;
	s12 =	spop (v2sf);
	v42 =	vsub.f32 v42, v55  }
0x4a5: {  	v26 =	vld [tilespmem:s7+$0xB270];
	v31 =	vand.u32 $0x7FFFFFFF, v31;
	v35 =	vand.u32 $0x7FFFFFFF, v35;
	s7 =	smul.u32 $0x16, s0;
	s23 =	sand.u32 $0x3, s12;
	v1 =	vand.u32 $0x7FFFFFFF, v1  }
0x4a6: {  	v2 =	vsub.f32 v31, v2;
	s2 =	smul.u32 $0x16, s23;
	v42 =	vand.u32 $0x7FFFFFFF, v42;
	v0 =	vsub.f32 v0, v1  }
0x4a7: {  	s25 =	spop (v2sf);
	v1 =	vsub.f32 v29, v25;
	v59 =	vadd.s32 s7, v23;
	v61 =	vadd.s32 s7, v3  }
0x4a8: {  	s10 =	sand.u32 $0x3, s25;
	s26 =	spop (v2sf);
	v42 =	vsub.f32 v35, v42;
	v60 =	vand.u32 $0x80, v59;
	v56 =	vadd.s32 s2, v3  }
0x4a9: {  	v52 =	vld [tilespmem:s22+$0x1240];
	s0 =	simm.s32 $0x0;
	s23 =	sand.u32 $0x3, s26;
	s10 =	smul.u32 $0x16, s10;
	v37 =	vand.u32 $0x7F, v59;
	v47 =	vand.u32 $0x7F, v61;
	v41 =	vand.u32 $0x80, v61  }
0x4aa: {  	v45 =	vld [tilespmem:s22+$0x3240];
	s6 =	smul.u32 $0x16, s23;
	v0 =	vadd.f32 v33, v0;
	v1 =	vand.u32 $0x7FFFFFFF, v1;
	v39 =	vadd.s32 s0, v60  }
0x4ab: {  	v50 =	vld [tilespmem:s22+$0x5250];
	s12 =	spop (v2sf);
	v63 =	vadd.s32 s10, v3;
	v59 =	vand.u32 $0x80, v56;
	v40 =	vand.u32 $0x7F, v56  }
0x4ac: {  	v57 =	vld [tilespmem:s22+$0x9240];
	s25 =	sand.u32 $0x3, s12;
	v41 =	vadd.s32 s0, v41;
	v1 =	vsub.f32 v1, v30;
	v58 =	vadd.s32 s6, v3  }
0x4ad: {  	v53 =	vld [tilespmem:s22+$0x5240];
	s7 =	smul.u32 $0x16, s25;
	v37 =	vor.u32 v37, v39;
	v38 =	vadd.s32 s0, v59;
	v61 =	vand.u32 $0x80, v63  }
0x4ae: {  	v49 =	vld [tilespmem:s22+$0x3250];
	v43 =	vand.u32 $0x7F, v63;
	v41 =	vor.u32 v47, v41;
	v0 =	vadd.f32 v2, v0  }
0x4af: {  	v55 =	vld [tilespmem:s22+$0x3260];
	v60 =	vand.u32 $0x80, v58;
	v48 =	vand.u32 $0x7F, v58;
	v62 =	vadd.s32 s7, v3  }
0x4b0: {  	v56 =	vld [tilespmem:s22+$0x1260];
	v44 =	vadd.s32 s0, v61;
	v38 =	vor.u32 v40, v38;
	v39 =	vadd.s32 s0, v60  }
0x4b1: {  	v30 =	vld [tilespmem:s22+$0x3270];
	v63 =	vand.u32 $0x80, v62;
	v59 =	vand.u32 $0x7F, v62;
	v60 =	vadd.s32 s10, v23  }
0x4b2: {  	s30 =	sadd.s32 $0x1, s14;
	v62 =	vld [tilespmem:s22+$0x7240];
	v0 =	vadd.f32 v42, v0;
	v39 =	vor.u32 v48, v39;
	v48 =	vadd.s32 s0, v63  }
0x4b3: {  	v42 =	vld [tilespmem:s30+$0x0];
	v63 =	vand.u32 $0x80, v60;
	v54 =	vand.u32 $0x7F, v60;
	v60 =	vadd.s32 s2, v23  }
0x4b4: {  	v43 =	vor.u32 v43, v44;
	v31 =	vand.u32 $0x80, v60;
	v35 =	vand.u32 $0x7F, v60;
	v60 =	vld [tilespmem:s22+$0xB240]  }
0x4b5: {  	v45 =	vadd.f32 v45, v52;
	v51 =	vadd.s32 s6, v23;
	v52 =	vadd.s32 s0, v63;
	v37 =	vld.idx.msk [tilespmem:v37+s29+$0x0], $0xffff  }
0x4b6: {  	v61 =	vand.u32 $0x7F, v51;
	v51 =	vand.u32 $0x80, v51;
	v52 =	vor.u32 v54, v52;
	v54 =	vld [tilespmem:s22+$0x9250]  }
0x4b7: {  	v51 =	vadd.s32 s0, v51;
	v44 =	vor.u32 v59, v48;
	v41 =	vld.idx.msk [tilespmem:v41+s29+$0x0], $0xffff  }
0x4b8: {  	v48 =	vor.u32 v61, v51;
	v38 =	vld.idx.msk [tilespmem:v38+s8+$0x0], $0xffff;
	s26 =	spop (v2sf)  }
0x4b9: {  	v31 =	vadd.s32 s0, v31;
	v43 =	vld.idx.msk [tilespmem:v43+s9+$0x0], $0xffff;
	s10 =	sand.u32 $0x3, s26  }
0x4ba: {  	v31 =	vor.u32 v35, v31;
	v40 =	vadd.f32 v57, v62;
	v57 =	vld [tilespmem:s22+$0x7250];
	s10 =	smul.u32 $0x16, s10  }
0x4bb: {  	v39 =	vld.idx.msk [tilespmem:v39+s17+$0x0], $0xffff  }
0x4bc: {  	v62 =	vadd.s32 s7, v23;
	v44 =	vld.idx.msk [tilespmem:v44+s11+$0x0], $0xffff;
	v58 =	vadd.s32 s10, v3  }
0x4bd: {  	v63 =	vand.u32 $0x7F, v62;
	v35 =	vand.u32 $0x80, v62;
	v48 =	vld.idx.msk [tilespmem:v48+s17+$0x0], $0xffff;
	v59 =	vand.u32 $0x80, v58  }
0x4be: {  	v52 =	vld.idx.msk [tilespmem:v52+s9+$0x0], $0xffff;
	v61 =	vadd.s32 s10, v23;
	v51 =	vand.u32 $0x7F, v58;
	v47 =	vadd.s32 s0, v59  }
0x4bf: {  	v62 =	vsub.f32 v45, v53;
	v53 =	vld.idx.msk [tilespmem:v31+s8+$0x0], $0xffff;
	v24 =	vand.u32 $0x80, v61;
	v47 =	vor.u32 v51, v47  }
0x4c0: {  	v31 =	vld [tilespmem:s22+$0x7260];
	v46 =	vand.u32 $0x7F, v61;
	v24 =	vadd.s32 s0, v24  }
0x4c1: {  	v26 =	vsub.f32 v32, v26;
	s25 =	sadd.s32 $0x1, s16;
	v51 =	vld [tilespmem:s22+$0x1250];
	v46 =	vor.u32 v46, v24;
	v24 =	vadd.s32 s0, v35  }
0x4c2: {  	v25 =	vadd.f32 v54, v57;
	v54 =	vsub.f32 v40, v60;
	v40 =	vld [tilespmem:s25+$0x0];
	v59 =	vor.u32 v63, v24  }
0x4c3: {  	v24 =	vadd.f32 v55, v56;
	v56 =	vld [tilespmem:s22+$0xB250]  }
0x4c4: {  	v28 =	vand.u32 $0x7FFFFFFF, v28;
	v26 =	vand.u32 $0x7FFFFFFF, v26;
	v63 =	vld.idx.msk [tilespmem:v47+s24+$0x0], $0xffff  }
0x4c5: {  	v26 =	vsub.f32 v28, v26;
	v1 =	vadd.f32 v1, v27;
	v58 =	vld [tilespmem:s22+$0x1270]  }
0x4c6: {  	v61 =	vadd.f32 v38, v43;
	v29 =	vld.idx.msk [tilespmem:v46+s24+$0x0], $0xffff;
	v55 =	vadd.f32 v49, v51  }
0x4c7: {  	v39 =	vadd.f32 v39, v41;
	v37 =	vadd.f32 v48, v37;
	v32 =	vand.u32 $0x7FFFFFFF, v54;
	v34 =	vld.idx.msk [tilespmem:v59+s11+$0x0], $0xffff  }
0x4c8: {  	v59 =	vand.u32 $0x7FFFFFFF, v62;
	v33 =	vsub.f32 v25, v56;
	v62 =	vld [tilespmem:s22+$0x9270];
	v57 =	vsub.f32 v55, v50  }
0x4c9: {  	s23 =	sadd.s32 $0x1, s19;
	v32 =	vsub.f32 v59, v32;
	v2 =	vsub.f32 v61, v63;
	v61 =	vld [tilespmem:s22+$0x7270]  }
0x4ca: {  	s28 =	sadd.s32 $0x1, s15;
	v60 =	vsub.f32 v39, v44;
	v28 =	vadd.f32 v30, v58;
	v63 =	vld [tilespmem:s23+$0x0]  }
0x4cb: {  	v41 =	vld [tilespmem:s28+$0x0];
	v30 =	vand.u32 $0x7FFFFFFF, v33;
	v27 =	vadd.f32 v32, v0;
	v0 =	vand.u32 $0x7FFFFFFF, v57  }
0x4cc: {  	v35 =	vld [tilespmem:s22+$0x9260];
	v33 =	vsub.f32 v0, v30;
	v0 =	vadd.f32 v53, v52  }
0x4cd: {  	v25 =	vld [tilespmem:s22+$0x5260];
	v32 =	vadd.f32 v26, v1  }
0x4ce: {  	v38 =	vand.u32 $0x7FFFFFFF, v60;
	v30 =	vld [tilespmem:s22+$0xB260];
	v36 =	vsub.f32 v37, v34;
	v37 =	vsub.f32 v0, v29  }
0x4cf: {  	s31 =	sadd.s32 $0x1, s18;
	s7 =	simm.s32 $0x400;
	s0 =	sadd.s32 $0x1, s1;
	v34 =	vld [tilespmem:s22+$0x5270];
	v39 =	vand.u32 $0x7FFFFFFF, v2;
	v26 =	vadd.f32 v62, v61;
	(v2sf) =	vpush v63, $0x0  }
.LBB2_3:
0x4d0: {  	s2 =	smov.u32 s7  }
0x4d1: {  	v29 =	vld [tilespmem:s22+$0xB270];
	s22 =	sshra.s32 s7, $0x2;
	v0 =	vadd.f32 v35, v31;
	(v2sf) =	vpush v40, $0x0;
	v1 =	vand.u32 $0x7FFFFFFF, v36;
	s21 =	sadd.s32 $0x1, s21;
	s2 =	sadd.s32 $0x200, s7  }
0x4d2: {  	p0 =	sne.s32 s7, $0x7E00;
	v31 =	vsub.f32 v38, v39;
	v35 =	vand.u32 $0x7FFFFFFF, v37;
	v2 =	vld [tilespmem:s22+$0x1200];
	(v2sf) =	vpush v41, $0x0  }
0x4d3: {  	v1 =	vsub.f32 v1, v35;
	v36 =	vld [tilespmem:s22+$0x1210];
	(v2sf) =	vpush v42, $0x0  }
0x4d4: {  	v30 =	vsub.f32 v0, v30;
	v0 =	vadd.f32 v31, v32;
	v35 =	vld [tilespmem:s0+$0x0]  }
0x4d5: {  	v27 =	vadd.f32 v33, v27;
	v28 =	vsub.f32 v28, v34;
	v1 =	vnsel vm1, $0x0, v1;
	v31 =	vld [tilespmem:s22+$0x3200]  }
0x4d6: {  	v0 =	vadd.f32 v1, v0;
	v32 =	vld [tilespmem:s22+$0x3210]  }
0x4d7: {  	v1 =	vld [tilespmem:s22+$0x7200]  }
0x4d8: {  	v34 =	vperm.xlane v0, v15;
	v33 =	vld [tilespmem:s31+$0x0]  }
0x4d9: {  	v37 =	vld [tilespmem:s22+$0x7210];
	(v2sf) =	vpush v35, $0x0  }
0x4da: {  	v0 =	vadd.f32 v0, v34;
	v35 =	vld [tilespmem:s22+$0x9200];
	v31 =	vadd.f32 v31, v2  }
0x4db: {  	v2 =	vld [tilespmem:s22+$0x9210];
	v36 =	vadd.f32 v32, v36  }
0x4dc: {  	v34 =	vperm.xlane v0, v17;
	v38 =	vld [tilespmem:s22+$0x1220]  }
0x4dd: {  	v39 =	vld [tilespmem:s22+$0x3220];
	(v2sf) =	vpush v33, $0x0  }
0x4de: {  	v0 =	vadd.f32 v0, v34;
	v32 =	vld [tilespmem:s22+$0x5200]  }
0x4df: {  	v40 =	vld [tilespmem:s22+$0x5210];
	v33 =	vadd.f32 v35, v1;
	s7 =	spop (v2sf)  }
0x4e0: {  	v1 =	vld [tilespmem:s22+$0x7220];
	v34 =	vadd.f32 v2, v37;
	s7 =	sand.u32 $0x3, s7;
	s10 =	spop (v2sf);
	v2 =	vperm.xlane v0, v19  }
0x4e1: {  	v37 =	vld [tilespmem:s22+$0x9220];
	s7 =	smul.u32 $0x16, s7;
	s10 =	sand.u32 $0x3, s10;
	s12 =	spop (v2sf)  }
0x4e2: {  	v35 =	vld [tilespmem:s22+$0xB200];
	v39 =	vadd.f32 v39, v38;
	s12 =	sand.u32 $0x3, s12;
	s10 =	smul.u32 $0x16, s10;
	s6 =	spop (v2sf);
	v0 =	vadd.f32 v0, v2  }
0x4e3: {  	v38 =	vld [tilespmem:s22+$0xB210];
	v2 =	vadd.s32 s7, v3;
	v41 =	vadd.s32 s7, v23;
	s6 =	sand.u32 $0x3, s6;
	s12 =	smul.u32 $0x16, s12  }
0x4e4: {  	s7 =	sshll.u32 s21, $0x7;
	v42 =	vld [tilespmem:s22+$0x1230];
	v36 =	vsub.f32 v36, v40;
	v40 =	vand.u32 $0x80, v41;
	s6 =	smul.u32 $0x16, s6;
	v43 =	vperm.xlane v0, v21  }
0x4e5: {  	v46 =	vadd.s32 s10, v3;
	v44 =	vld [tilespmem:s22+$0x3230];
	v40 =	vadd.s32 s7, v40;
	v45 =	vadd.s32 s12, v3  }
0x4e6: {  	v47 =	vld [tilespmem:s22+$0x5220];
	v1 =	vadd.f32 v37, v1;
	v37 =	vand.u32 $0x7F, v41;
	v0 =	vadd.f32 v0, v43  }
0x4e7: {  	v49 =	vand.u32 $0x80, v46;
	v43 =	vand.u32 $0x7F, v2;
	v48 =	vadd.s32 s6, v3;
	v41 =	vld [tilespmem:s22+$0x7230]  }
0x4e8: {  	v40 =	vor.u32 v37, v40;
	v51 =	vand.u32 $0x80, v48;
	v50 =	vld [tilespmem:s22+$0x9230];
	s26 =	spop (v2sf);
	v0 =	vadd.f32 $1.000000000e+00, v0  }
0x4e9: {  	v2 =	vand.u32 $0x80, v2;
	v53 =	vadd.s32 s6, v23;
	v48 =	vand.u32 $0x7F, v48;
	v52 =	vld [tilespmem:s22+$0xB220];
	s6 =	sand.u32 $0x3, s26  }
0x4ea: {  	v54 =	vld [tilespmem:s22+$0x1240];
	v42 =	vadd.f32 v44, v42;
	s6 =	smul.u32 $0x16, s6;
	v44 =	vadd.s32 s7, v49;
	v0 =	vmax.f32 v0, $0.0e+00  }
0x4eb: {  	v46 =	vand.u32 $0x7F, v46;
	v37 =	vld [tilespmem:s22+$0x3250];
	v39 =	vsub.f32 v39, v47;
	v0 =	vnsel vm0, $0x0, v0  }
0x4ec: {  	v55 =	vadd.s32 s12, v23;
	v49 =	vand.u32 $0x80, v45;
	v47 =	vld [tilespmem:s22+$0x1260];
	s12 =	spop (v2sf);
	v22 =	vadd.f32 v0, v22  }
0x4ed: {  	v45 =	vand.u32 $0x7F, v45;
	v0 =	vld [tilespmem:s22+$0x5230];
	v39 =	vand.u32 $0x7FFFFFFF, v39;
	v41 =	vadd.f32 v50, v41;
	s12 =	sand.u32 $0x3, s12  }
0x4ee: {  	v56 =	vadd.s32 s6, v23;
	v50 =	vadd.s32 s7, v51;
	v51 =	vand.u32 $0x7F, v53;
	v40 =	vld.idx.msk [tilespmem:v40+s29+$0x0], $0xffff;
	s12 =	smul.u32 $0x16, s12  }
0x4ef: {  	v48 =	vor.u32 v48, v50;
	v50 =	vand.u32 $0x80, v55;
	v55 =	vand.u32 $0x7F, v55;
	v57 =	vld [tilespmem:s22+$0x7240]  }
0x4f0: {  	v2 =	vadd.s32 s7, v2;
	v49 =	vadd.s32 s7, v49;
	v59 =	vadd.s32 s6, v3;
	v58 =	vld [tilespmem:s22+$0x3240]  }
0x4f1: {  	v45 =	vor.u32 v45, v49;
	v53 =	vand.u32 $0x80, v53;
	v61 =	vand.u32 $0x80, v59;
	v60 =	vld [tilespmem:s22+$0x9240]  }
0x4f2: {  	v62 =	vadd.s32 s10, v23;
	v59 =	vand.u32 $0x7F, v59;
	v61 =	vadd.s32 s7, v61;
	v49 =	vld [tilespmem:s22+$0xB230]  }
0x4f3: {  	v53 =	vadd.s32 s7, v53;
	v59 =	vor.u32 v59, v61;
	v61 =	vand.u32 $0x7F, v56;
	v63 =	vld [tilespmem:s22+$0x3260]  }
0x4f4: {  	v4 =	vand.u32 $0x7F, v62;
	v6 =	vadd.s32 s12, v3;
	v7 =	vadd.s32 s12, v23;
	v48 =	vld.idx.msk [tilespmem:v48+s17+$0x0], $0xffff  }
0x4f5: {  	v44 =	vor.u32 v46, v44;
	v46 =	vand.u32 $0x80, v6;
	v6 =	vand.u32 $0x7F, v6;
	v8 =	vld [tilespmem:s22+$0x5250]  }
0x4f6: {  	v50 =	vadd.s32 s7, v50;
	v46 =	vadd.s32 s7, v46;
	v54 =	vadd.f32 v58, v54;
	v45 =	vld.idx.msk [tilespmem:v45+s9+$0x0], $0xffff  }
0x4f7: {  	v0 =	vsub.f32 v42, v0;
	v42 =	vor.u32 v51, v53;
	v58 =	vld [tilespmem:s22+$0x1250];
	v41 =	vsub.f32 v41, v49  }
0x4f8: {  	v2 =	vor.u32 v43, v2;
	v1 =	vsub.f32 v1, v52;
	v6 =	vor.u32 v6, v46;
	v43 =	vld.idx.msk [tilespmem:v59+s11+$0x0], $0xffff  }
0x4f9: {  	v0 =	vand.u32 $0x7FFFFFFF, v0;
	v49 =	vand.u32 $0x80, v62;
	v46 =	vld [tilespmem:s22+$0x9250];
	v41 =	vand.u32 $0x7FFFFFFF, v41  }
0x4fa: {  	v1 =	vand.u32 $0x7FFFFFFF, v1;
	v51 =	vld [tilespmem:s22+$0x5240];
	v0 =	vsub.f32 v0, v41;
	v41 =	vor.u32 v55, v50  }
0x4fb: {  	v1 =	vsub.f32 v39, v1;
	v39 =	vand.u32 $0x80, v56;
	v49 =	vadd.s32 s7, v49;
	v44 =	vld.idx.msk [tilespmem:v44+s8+$0x0], $0xffff  }
0x4fc: {  	v52 =	vand.u32 $0x80, v7;
	v39 =	vadd.s32 s7, v39;
	v50 =	vadd.f32 v60, v57;
	v42 =	vld.idx.msk [tilespmem:v42+s17+$0x0], $0xffff  }
0x4fd: {  	v34 =	vsub.f32 v34, v38;
	v7 =	vand.u32 $0x7F, v7;
	v4 =	vor.u32 v4, v49;
	v2 =	vld.idx.msk [tilespmem:v2+s29+$0x0], $0xffff  }
0x4fe: {  	v32 =	vsub.f32 v31, v32;
	v31 =	vsub.f32 v33, v35;
	v33 =	vadd.s32 s7, v52;
	v38 =	vld [tilespmem:s22+$0x7250]  }
0x4ff: {  	v35 =	vand.u32 $0x7FFFFFFF, v36;
	v34 =	vand.u32 $0x7FFFFFFF, v34;
	v7 =	vor.u32 v7, v33;
	v36 =	vld.idx.msk [tilespmem:v41+s9+$0x0], $0xffff  }
0x500: {  	v34 =	vsub.f32 v35, v34;
	v33 =	vand.u32 $0x7FFFFFFF, v31;
	v35 =	vor.u32 v61, v39;
	v6 =	vld.idx.msk [tilespmem:v6+s24+$0x0], $0xffff  }
0x501: {  	v41 =	vadd.f32 v63, v47;
	v39 =	vld [tilespmem:s22+$0xB240]  }
0x502: {  	v44 =	vadd.f32 v44, v45;
	v4 =	vld.idx.msk [tilespmem:v4+s8+$0x0], $0xffff  }
0x503: {  	v32 =	vand.u32 $0x7FFFFFFF, v32;
	v45 =	vsub.f32 v54, v51;
	v2 =	vadd.f32 v48, v2;
	v31 =	vld [tilespmem:s22+$0x7260]  }
0x504: {  	v25 =	vsub.f32 v24, v25;
	v32 =	vsub.f32 v32, v33;
	v24 =	vmov v41;
	v7 =	vld.idx.msk [tilespmem:v7+s24+$0x0], $0xffff  }
0x505: {  	v26 =	vsub.f32 v26, v29;
	v33 =	vadd.f32 v46, v38;
	v46 =	vld.idx.msk [tilespmem:v35+s11+$0x0], $0xffff  }
0x506: {  	v30 =	vand.u32 $0x7FFFFFFF, v30;
	v47 =	vadd.f32 v42, v40;
	v35 =	vld [tilespmem:s22+$0x9260];
	v29 =	vsub.f32 v50, v39  }
0x507: {  	v26 =	vand.u32 $0x7FFFFFFF, v26;
	v32 =	vadd.f32 v34, v32;
	v34 =	vadd.f32 v37, v58;
	v38 =	vld [tilespmem:s22+$0xB250]  }
0x508: {  	v25 =	vand.u32 $0x7FFFFFFF, v25;
	v39 =	vand.u32 $0x7FFFFFFF, v45;
	v37 =	vld [tilespmem:s22+$0x1270];
	v29 =	vand.u32 $0x7FFFFFFF, v29  }
0x509: {  	v30 =	vsub.f32 v25, v30;
	v8 =	vsub.f32 v34, v8;
	v41 =	vld [tilespmem:s22+$0x3270]  }
0x50a: {  	v2 =	vsub.f32 v2, v43;
	v29 =	vsub.f32 v39, v29;
	v25 =	vld [tilespmem:s22+$0x5260]  }
0x50b: {  	v28 =	vand.u32 $0x7FFFFFFF, v28;
	v1 =	vadd.f32 v1, v32;
	v6 =	vsub.f32 v44, v6;
	v34 =	vld [tilespmem:s22+$0x7270]  }
0x50c: {  	s23 =	sadd.s32 $0x1, s23;
	v26 =	vsub.f32 v28, v26;
	v43 =	vld [tilespmem:s22+$0x9270];
	v32 =	vsub.f32 v33, v38;
	v38 =	vand.u32 $0x7FFFFFFF, v2  }
0x50d: {  	s25 =	sadd.s32 $0x1, s25;
	v0 =	vadd.f32 v0, v1;
	v1 =	vadd.f32 v30, v27;
	v39 =	vand.u32 $0x7FFFFFFF, v6;
	v2 =	vld [tilespmem:s23+$0x0]  }
.Ltmp0:
0x50e: {  	s28 =	sadd.s32 $0x1, s28;
	v6 =	vand.u32 $0x7FFFFFFF, v8;
	v40 =	vld [tilespmem:s25+$0x0];
	v8 =	vand.u32 $0x7FFFFFFF, v32;
	v28 =	vadd.f32 v41, v37;
	(pc) =	sbr.rel @p0 .LBB2_3-.Ltmp0, $4  }
0x50f: {  	s30 =	sadd.s32 $0x1, s30;
	v27 =	vadd.f32 v29, v0;
	v32 =	vadd.f32 v26, v1;
	v41 =	vld [tilespmem:s28+$0x0]  }
0x510: {  	v0 =	vadd.f32 v4, v36;
	v33 =	vsub.f32 v6, v8;
	v42 =	vld [tilespmem:s30+$0x0]  }
0x511: {  	s0 =	sadd.s32 $0x1, s0;
	s31 =	sadd.s32 $0x1, s31;
	v36 =	vsub.f32 v47, v46;
	v30 =	vld [tilespmem:s22+$0xB260];
	v26 =	vadd.f32 v43, v34  }
0x512: {  	s7 =	smov.u32 s2;
	v37 =	vsub.f32 v0, v7;
	v34 =	vld [tilespmem:s22+$0x5270];
	(v2sf) =	vpush v2, $0x0  }
0x513: {  	(v2sf) =	vpush v40, $0x0;
	_ =	sdelay $0x1  }
0x514: {  	(v2sf) =	vpush v41, $0x0;
	_ =	sdelay $0x1  }
0x515: {  	(v2sf) =	vpush v42, $0x0  }
0x516: {  	v0 =	vld [tilespmem:s0+$0x0];
	_ =	sdelay $0x4  }
0x517: {  	(v2sf) =	vpush v0, $0x0;
	v0 =	vld [tilespmem:s31+$0x0];
	_ =	sdelay $0x3  }
0x518: {  	s25 =	spop (v2sf)  }
0x519: {  	(v2sf) =	vpush v0, $0x0;
	s0 =	sand.u32 $0x3, s25;
	s2 =	spop (v2sf)  }
0x51a: {  	s0 =	smul.u32 $0x16, s0;
	s2 =	sand.u32 $0x3, s2  }
0x51b: {  	v2 =	vadd.f32 v35, v31;
	s6 =	spop (v2sf);
	s2 =	smul.u32 $0x16, s2  }
0x51c: {  	v6 =	vsub.f32 v38, v39;
	s6 =	sand.u32 $0x3, s6;
	v0 =	vadd.s32 s0, v23;
	v1 =	vadd.s32 s0, v3  }
0x51d: {  	s7 =	sadd.s32 $0x1, s21;
	s10 =	spop (v2sf);
	s6 =	smul.u32 $0x16, s6;
	v4 =	vand.u32 $0x80, v0;
	v8 =	vadd.s32 s2, v3;
	v0 =	vand.u32 $0x7F, v0  }
0x51e: {  	s26 =	sshll.u32 s7, $0x7;
	s10 =	sand.u32 $0x3, s10;
	v29 =	vand.u32 $0x7F, v1;
	v1 =	vand.u32 $0x80, v1;
	v53 =	vadd.s32 s2, v23  }
0x51f: {  	s28 =	smul.u32 $0x16, s10;
	v4 =	vadd.s32 s26, v4;
	v7 =	vadd.s32 s6, v3;
	v45 =	vand.u32 $0x80, v8  }
0x520: {  	v8 =	vand.u32 $0x7F, v8;
	v48 =	vadd.s32 s6, v23;
	v1 =	vadd.s32 s26, v1  }
0x521: {  	v55 =	vand.u32 $0x7F, v53;
	v44 =	vadd.s32 s28, v3;
	v46 =	vadd.s32 s28, v23  }
0x522: {  	v0 =	vor.u32 v0, v4;
	v35 =	vadd.s32 s26, v45;
	v47 =	vand.u32 $0x80, v7  }
0x523: {  	v7 =	vand.u32 $0x7F, v7;
	v43 =	vand.u32 $0x80, v48;
	v40 =	vand.u32 $0x7F, v48  }
0x524: {  	s30 =	spop (v2sf);
	v1 =	vor.u32 v29, v1;
	v4 =	vand.u32 $0x80, v44;
	v31 =	vand.u32 $0x7F, v44  }
0x525: {  	s7 =	sand.u32 $0x3, s30;
	v49 =	vand.u32 $0x7F, v46;
	v39 =	vadd.s32 s26, v47;
	v38 =	vand.u32 $0x80, v46  }
0x526: {  	s7 =	smul.u32 $0x16, s7;
	v8 =	vor.u32 v8, v35;
	v43 =	vadd.s32 s26, v43;
	v4 =	vadd.s32 s26, v4  }
0x527: {  	v7 =	vor.u32 v7, v39;
	v38 =	vadd.s32 s26, v38;
	v40 =	vor.u32 v40, v43  }
0x528: {  	v50 =	vadd.s32 s7, v23;
	v4 =	vor.u32 v31, v4;
	v51 =	vadd.s32 s7, v3;
	s31 =	spop (v2sf)  }
0x529: {  	v54 =	vld [tilespmem:s22+$0xB270];
	v38 =	vor.u32 v49, v38;
	v52 =	vand.u32 $0x80, v51;
	v31 =	vand.u32 $0x7F, v51;
	s6 =	sand.u32 $0x3, s31  }
0x52a: {  	v59 =	vand.u32 $0x80, v50;
	v42 =	vand.u32 $0x7F, v50;
	v39 =	vadd.s32 s26, v52;
	v0 =	vld.idx.msk [tilespmem:v0+s29+$0x0], $0xffff;
	s6 =	smul.u32 $0x16, s6  }
0x52b: {  	v41 =	vadd.s32 s26, v59;
	v1 =	vld.idx.msk [tilespmem:v1+s29+$0x0], $0xffff;
	v31 =	vor.u32 v31, v39;
	v39 =	vand.u32 $0x80, v53  }
0x52c: {  	v8 =	vld.idx.msk [tilespmem:v8+s8+$0x0], $0xffff;
	v41 =	vor.u32 v42, v41;
	v39 =	vadd.s32 s26, v39;
	v56 =	vadd.s32 s6, v3  }
0x52d: {  	v7 =	vld.idx.msk [tilespmem:v7+s9+$0x0], $0xffff;
	v23 =	vadd.s32 s6, v23;
	v39 =	vor.u32 v55, v39;
	v57 =	vand.u32 $0x80, v56  }
0x52e: {  	v4 =	vld.idx.msk [tilespmem:v4+s17+$0x0], $0xffff;
	v29 =	vand.u32 $0x7F, v56;
	v58 =	vand.u32 $0x80, v23;
	v43 =	vadd.s32 s26, v57  }
0x52f: {  	v60 =	vld.idx.msk [tilespmem:v40+s9+$0x0], $0xffff;
	v23 =	vand.u32 $0x7F, v23;
	v29 =	vor.u32 v29, v43;
	v43 =	vadd.s32 s26, v58  }
0x530: {  	v38 =	vld.idx.msk [tilespmem:v38+s17+$0x0], $0xffff;
	v23 =	vor.u32 v23, v43  }
0x531: {  	v36 =	vand.u32 $0x7FFFFFFF, v36;
	v27 =	vadd.f32 v33, v27;
	v37 =	vand.u32 $0x7FFFFFFF, v37;
	v31 =	vld.idx.msk [tilespmem:v31+s11+$0x0], $0xffff  }
0x532: {  	v36 =	vsub.f32 v36, v37;
	v6 =	vadd.f32 v6, v32;
	v61 =	vld.idx.msk [tilespmem:v39+s8+$0x0], $0xffff  }
0x533: {  	v2 =	vsub.f32 v2, v30;
	v1 =	vadd.f32 v4, v1;
	v4 =	vld.idx.msk [tilespmem:v41+s11+$0x0], $0xffff  }
0x534: {  	v28 =	vsub.f32 v28, v34;
	v62 =	vsub.f32 v26, v54;
	v29 =	vld.idx.msk [tilespmem:v29+s24+$0x0], $0xffff  }
0x535: {  	v7 =	vadd.f32 v8, v7;
	v8 =	vld.idx.msk [tilespmem:v23+s24+$0x0], $0xffff;
	v23 =	vsub.f32 v24, v25  }
0x536: {  	v2 =	vand.u32 $0x7FFFFFFF, v2;
	v0 =	vadd.f32 v38, v0;
	v1 =	vsub.f32 v1, v31  }
0x537: {  	v24 =	vand.u32 $0x7FFFFFFF, v62;
	v63 =	vadd.f32 v61, v60;
	v23 =	vand.u32 $0x7FFFFFFF, v23  }
0x538: {  	v0 =	vsub.f32 v0, v4;
	v2 =	vsub.f32 v23, v2;
	v23 =	vand.u32 $0x7FFFFFFF, v28  }
0x539: {  	v7 =	vsub.f32 v7, v29;
	v23 =	vsub.f32 v23, v24  }
0x53a: {  	v2 =	vadd.f32 v2, v27;
	v4 =	vsub.f32 v63, v8  }
0x53b: {  	v1 =	vand.u32 $0x7FFFFFFF, v1;
	v0 =	vand.u32 $0x7FFFFFFF, v0;
	v7 =	vand.u32 $0x7FFFFFFF, v7  }
0x53c: {  	v2 =	vadd.f32 v23, v2;
	v1 =	vsub.f32 v1, v7;
	v4 =	vand.u32 $0x7FFFFFFF, v4  }
0x53d: {  	v7 =	vnsel vm1, $0x0, v36;
	v0 =	vsub.f32 v0, v4  }
0x53e: {  	v4 =	vadd.f32 v7, v6;
	v1 =	vadd.f32 v1, v2  }
0x53f: {  	v0 =	vnsel vm1, $0x0, v0  }
0x540: {  	v2 =	vperm.xlane v4, v15;
	v0 =	vadd.f32 v0, v1;
	_ =	sdelay $0x1  }
0x541: {  	v1 =	vadd.f32 v4, v2;
	v2 =	vperm.xlane v0, v15;
	_ =	sdelay $0x1  }
0x542: {  	v4 =	vperm.xlane v1, v17;
	v0 =	vadd.f32 v0, v2;
	_ =	sdelay $0x1  }
0x543: {  	v1 =	vadd.f32 v1, v4;
	v2 =	vperm.xlane v0, v17;
	_ =	sdelay $0x1  }
0x544: {  	v4 =	vperm.xlane v1, v19;
	v0 =	vadd.f32 v0, v2;
	_ =	sdelay $0x1  }
0x545: {  	v1 =	vadd.f32 v1, v4;
	v2 =	vperm.xlane v0, v19;
	_ =	sdelay $0x1  }
0x546: {  	v4 =	vperm.xlane v1, v21;
	v0 =	vadd.f32 v0, v2;
	_ =	sdelay $0x1  }
0x547: {  	v1 =	vadd.f32 v1, v4;
	v2 =	vperm.xlane v0, v21;
	_ =	sdelay $0x1  }
0x548: {  	s20 =	sadd.s32 $0x1, s20;
	v1 =	vadd.f32 $1.000000000e+00, v1;
	v0 =	vadd.f32 v0, v2  }
0x549: {  	p0 =	sne.s32 s20, $0x8  }
.Ltmp1:
0x54a: {  	v1 =	vmax.f32 v1, $0.0e+00;
	v0 =	vadd.f32 $1.000000000e+00, v0;
	(pc) =	sbr.rel @p0 .LBB2_2-.Ltmp1, $4  }
0x54b: {  	v1 =	vnsel vm0, $0x0, v1  }
0x54c: {  	v1 =	vadd.f32 v1, v22;
	v0 =	vmax.f32 v0, $0.0e+00  }
0x54d: {  	s19 =	sadd.s32 $0x40, s19;
	s14 =	sadd.s32 $0x40, s14;
	s1 =	sadd.s32 $0x40, s1;
	v0 =	vnsel vm0, $0x0, v0  }
0x54e: {  	s15 =	sadd.s32 $0x40, s15;
	s16 =	sadd.s32 $0x40, s16;
	s18 =	sadd.s32 $0x40, s18;
	v22 =	vadd.f32 v0, v1  }
0x54f: {  	s19 =	simm.s32 $0x0  }
0x550: {  	s0 =	rddreg [dreg:$0xf];
	s1 =	simm.s32 $0x19200;
	s2 =	simm.s32 $0x2;
	[tilespmem:$0x19200] =	vst v22  }
0x551: {  	[hbm4b:s0+s19] =	stream.linear.scatter [tilespmem:s1], [sflag:$0x2], $0x80, $0x38;
	[tilespmem:$0x19280] =	vst v63  }
0x552: {  	_ =	swait.ge [sflag:s2], $0x80  }
0x553: {  	s30 =	rddreg [dreg:$0x11]  }
0x554: {  	s31 =	rddreg [dreg:$0x10];
	s1 =	sadd.s32 $0x1, s30  }
0x555: {  	p0 =	sne.s32 s1, s31  }
.Ltmp2:
0x556: {  	_ = 	snop;
	(pc) =	sbr.rel @p0 .LBB2_1-.Ltmp2, $3  }
0x557: {  	_ =	sdelay $0x1  }
0x558: {  	[sflag:s2] =	ssyncset.done $0x0  }
0x559: {  	[sflag:s2] =	ssyncadd.s32 $0xFFFFFF80  }
0x55a: {  	_ =	sfence.sel $0x180000  }
0x55b: {  	[bflag:$0x0] =	sbarrier.arrive $0xFFFF  }
0x55c: {  	_ =	strace $0x9000004A  }
0x55d: {  	s0 =	stileid.u32;
	[bflag:$0x2] =	sbarrier.arrive $0xFFFF  }
0x55e: {  	p0 =	sne.s32 s0, $0x0;
	s0 =	rddreg [dreg:$0x7]  }
0x55f: {  	s0 =	sadd.s32 @!p0 $0x100000, s0  }
0x560: {  	[sflag:s0] =	ssyncadd.tile.s32 @!p0 $0x1;
	_ =	shalt  }
.Lfunc_end2:
_tile_overlayer_lowered:
.L_overlay_start_2:
0x561: {  	(tag) =	ssettag $0x2  }
0x562: {  	s0 =	rddreg [dreg:$0x0];
	s2 =	stileid.u32  }
0x563: {  	s1 =	rddreg [dreg:$0x1];
	p0 =	sne.s32 s2, $0x0  }
0x564: {  	s3 =	rddreg [dreg:$0x2];
	[bflag:$0x3] =	sbarrier.arrive $0xFFFF;
	s2 =	simm.s32 @!p0 $0x1C02  }
0x565: {  	[timem:s3], [sflag:s2] =	dma.local @!p0 [hbm:s0], s1  }
0x566: {  	s0 =	simm.s32 @!p0 $0x2  }
0x567: {  	_ =	swait.ge @!p0 [sflag:s0], s1  }
0x568: {  	s1 =	ssub.s32 @!p0 $0x0, s1;
	[sflag:s0] =	ssyncset.done @!p0 $0x0  }
0x569: {  	[sflag:s0] =	ssyncadd.s32 @!p0 s1  }
0x56a: {  	[bflag:$0x3] =	sbarrier.arrive $0xFFFF  }
0x56b: {  	_ =	shalt  }

// kernel: sparse-core-data-format-call.cloned.1.call-start
scs
called_computation_lowered:
.L_overlay_start_0:
0x0: {  	s1 =	sld [smem:$0x3FD9]  }
0x1: {  	s2 =	sld [smem:$0x3FFE];
	_ =	sdelay $0x1  }
0x2: {  	s3 =	srdreg.scid  }
0x3: {  	s0 =	sand.u32 $0x1, s3  }
0x4: {  	s17 =	sshll.u32 s0, $0xA;
	s1 =	sadd.s32 s2, s1  }
0x5: {  	s1 =	sadd.s32 s1, s17  }
0x6: {  	[smem:$0x3FC0] =	sst s1  }
0x7: {  	_ = 	snop  }
0x8: {  	(tm) =	ssettm $0x1  }
0x9: {  	s18 =	sld [smem:$0x3FFB];
	_ =	sdelay $0x3  }
0xa: {  	_ =	strace s18  }
0xb: {  	s1 =	sld [smem:$0x3FFC];
	_ =	sdelay $0x3  }
0xc: {  	_ =	strace s1  }
0xd: {  	s1 =	sld [smem:$0x3FFD];
	_ =	sdelay $0x3  }
0xe: {  	_ =	strace s1  }
0xf: {  	_ =	strace $0x8FFFFFFF  }
0x10: {  	s19 =	sld [smem:$0x3FDB];
	_ =	sdelay $0x1  }
0x11: {  	s20 =	simm.s32 $_scs_section_size  }
0x12: {  	s4 =	simm.s32 $_size__tile_overlayer_lowered;
	s5 =	simm.s32 $_tile_overlayer_lowered  }
0x13: {  	s23 =	simm.s32 $0x1BFF;
	s22 =	sshll.u32 s5, $0x1;
	s1 =	sadd.s32 s20, s19  }
0x14: {  	s6 =	simm.s32 $0x0;
	s21 =	sshll.u32 s4, $0x1;
	s4 =	sadd.s32 s22, s1  }
0x15: {  	[timem:s6], [sflag:s23] =	dma.local [hbm:s4], s21  }
0x16: {  	_ =	swait.ge [sflag:s23], s21  }
0x17: {  	s2 =	ssub.s32 $0x0, s21;
	[sflag:s23] =	ssyncset.done $0x0  }
0x18: {  	[sflag:s23] =	ssyncadd.s32 s2;
	_ =	sdelay $0x1  }
0x19: {  	s24 =	simm.s32 $0x1B8B  }
0x1a: {  	_ =	swait.ge [sflag:s24], $0x1  }
0x1b: {  	[sflag:s24] =	ssyncset.done $0x0  }
0x1c: {  	s26 =	simm.s32 $0x1B8E;
	s25 =	sld [smem:$0x3FFE];
	[sflag:s24] =	ssyncadd.s32 $0xFFFFFFFF  }
0x1d: {  	s27 =	simm.s32 $execute0_lowered;
	[smem:$0x3FD2] =	sst s26  }
0x1e: {  	s4 =	sshll.u32 s27, $0x1;
	_ =	strace $0x80000046;
	[dreg:$0x1] =	wrdreg $0xFFFFFFFF  }
0x1f: {  	s28 =	simm.s32 $_size_execute0_lowered;
	s1 =	sadd.s32 s1, s4;
	[dreg:$0x0] =	wrdreg $0x0  }
0x20: {  	s4 =	sshll.u32 s28, $0x1;
	[dreg:$0x2] =	wrdreg s1  }
0x21: {  	[dreg:$0x3] =	wrdreg s4  }
0x22: {  	[dreg:$0x4] =	wrdreg $0xC0  }
0x23: {  	_ =	task [dreg:s6], $0x5FFFF  }
0x24: {  	[dreg:$0x1] =	wrdreg $0xFFFFFFFF  }
0x25: {  	[dreg:$0x0] =	wrdreg $0x60  }
0x26: {  	[dreg:$0x2] =	wrdreg s25  }
0x27: {  	[dreg:$0x3] =	wrdreg $0x9  }
0x28: {  	_ =	task.clear_ibuf [dreg:s6], $0x4FFFF;
	_ =	strace $0x90000046  }
0x29: {  	s29 =	simm.s32 $0x9;
	_ =	strace $0x80000048  }
0x2a: {  	_ =	swait.ge [sflag:s29], $0x1  }
0x2b: {  	[sflag:s29] =	ssyncadd.s32 $0xFFFFFFFF  }
0x2c: {  	_ =	strace $0x90000048  }
0x2d: {  	_ =	sfence  }
0x2e: {  	s30 =	sld [smem:$0x0];
	_ =	sdelay $0x2  }
0x2f: {  	s31 =	sshll.u32 s3, $0xD;
	s3 =	sshrl.u32 s3, $0x2  }
0x30: {  	s2 =	sand.u32 $0x4000, s31;
	s1 =	sadd.s32 s3, s30  }
0x31: {  	s0 =	sor.u32 s2, s0;
	s1 =	sshll.u32 s1, $0x11  }
0x32: {  	s0 =	sor.u32 s1, s0  }
0x33: {  	s0 =	sadd.s32 $0x8F2B, s0  }
0x34: {  	[sflag:s0] =	ssyncadd.remote.s32 $0x1  }
0x35: {  	_ =	sfence.sel $0xFFFF  }
0x36: {  	[dreg:$0x0] =	wrdreg $0xFFFFFFFF;
	(pc) =	sbr.abs _section_cstart, $3  }
0x37: {  	[dreg:$0x1] =	wrdreg $0xFFFFFFFF  }
0x38: {  	_ =	task.clear_ibuf [dreg:s6], $0x2FFFF;
	_ =	strace $0x9FFFFFFF  }
0x39: {  	(tm) =	ssettm $0x7FFFFFFF  }
tec
execute0_lowered:
.L_overlay_start_1:
0x0: {  	(tag) =	ssettag $0x1  }
0x1: {  	s0 =	srdreg.scid;
	s1 =	rddreg [dreg:$0x0]  }
0x2: {  	s2 =	stileid.u32;
	_ =	strace $0x80000047;
	s29 =	simm.s32 $0x1  }
0x3: {  	s31 =	simm.s32 $0x2;
	s14 =	simm.s32 $0x0;
	s0 =	sshll.u32 s0, $0x4  }
0x4: {  	s9 =	simm.s32 $0x0;
	s8 =	simm.s32 $0x0;
	s0 =	sand.u32 $0x10, s0  }
0x5: {  	s27 =	sadd.s32 $0x1000, s1;
	s28 =	sadd.s32 $0x2DD800, s1;
	s0 =	sor.u32 s2, s0  }
.Ltmp0:
0x6: {  	[dreg:$0x2] =	wrdreg s27;
	s10 =	sshll.u32 s0, $0x7;
	(pc) =	sbr.rel .LBB1_1-.Ltmp0, $4  }
0x7: {  	s11 =	simm.s32 $0x0;
	[dreg:$0x4] =	wrdreg s28;
	s30 =	ssub.s32 $0xF4200, s10  }
0x8: {  	s12 =	simm.s32 $0x0;
	[dreg:$0x3] =	wrdreg s10;
	s0 =	sshrl.u32 s30, $0xC  }
0x9: {  	[sflag:s29] =	ssyncpa.u1 $0x0;
	[dreg:$0x5] =	wrdreg s0;
	s7 =	sadd.s32 $0x2, s0  }
0xa: {  	s13 =	simm.s32 $0x0;
	[sflag:s31] =	ssyncpa.u1 $0x0;
	[dreg:$0x6] =	wrdreg s7  }
.LBB1_12:
0xb: {  	s8 =	rddreg [dreg:$0x7]  }
0xc: {  	s4 =	rddreg [dreg:$0xb]  }
0xd: {  	s1 =	sshll.u32 s11, $0x3;
	s24 =	rddreg [dreg:$0xa]  }
0xe: {  	s3 =	smov.u32 s11;
	s27 =	sshrl.u32 s11, $0x3;
	s29 =	rddreg [dreg:$0x4]  }
0xf: {  	s28 =	sand.u32 $0x7, s11;
	s7 =	rddreg [dreg:$0x6];
	s0 =	sshll.u32 s8, $0x7  }
0x10: {  	s1 =	sand.u32 $0xFFFFFC00, s1;
	p0 =	sgt.s32 s8, $0xF41C0;
	s2 =	sand.u32 $0xFFFFFC00, s0  }
0x11: {  	s0 =	sand.u32 $0x380, s0;
	s1 =	sadd.s32 s1, s2;
	s2 =	smov.u32 s8  }
0x12: {  	s9 =	rddreg [dreg:$0x8];
	s0 =	sor.u32 s0, s1;
	s2 =	simm.s32 @!p0 $0xF41C0  }
0x13: {  	p0 =	sgt.s32 s11, $0x60;
	s0 =	sshrl.u32 s0, $0x7;
	s2 =	sadd.s32 s4, s2  }
0x14: {  	s3 =	simm.s32 @!p0 $0x60;
	s23 =	smulhi.u32 $0x218DEF5, s0;
	s25 =	sadd.s32 $0xFFF0BE40, s2  }
0x15: {  	s3 =	sadd.s32 s24, s3;
	s2 =	ssub.s32 $0xF4240, s2;
	p0 =	sgt.s32 s25, $0x7F  }
0x16: {  	s26 =	sadd.s32 $0xFFFFFFA0, s3;
	s3 =	ssub.s32 $0x80, s3;
	s1 =	sshrl.u32 s23, $0xD  }
0x17: {  	s2 =	simm.s32 @p0 $0x0;
	p0 =	sgt.s32 s26, $0x1F;
	s1 =	smul.u32 $0xF4240, s1  }
0x18: {  	s31 =	simm.s32 $0x80;
	s14 =	rddreg [dreg:$0x9];
	s3 =	simm.s32 @p0 $0x0  }
0x19: {  	s2 =	smul.u32 s3, s2;
	s0 =	ssub.s32 s0, s1;
	s1 =	sand.u32 $0xF, s27  }
0x1a: {  	s3 =	sshll.u32 s28, $0x12;
	s0 =	sshll.u32 s0, $0x4;
	s1 =	sadd.s32 s29, s1  }
0x1b: {  	s30 =	sor.u32 $0x20, s3;
	s2 =	sand.u32 $0x3FFFFFFF, s2;
	s0 =	sadd.s32 s0, s1  }
0x1c: {  	[hbm4b:s0+s30] =	stream.strided.scatter [tilespmem:s18], [sflag:$0x2], s2, s31, s30, $0x10;
	[tilespmem:$0x4100] =	vst v63  }
.LBB1_13:
0x1d: {  	p0 =	slt.u32 s13, $0x2  }
0x1e: {  	s1 =	smov.u32 s14;
	s2 =	smov.u32 s9;
	p1 =	sgt.s32 @!p0 s14, $0xF41C0  }
0x1f: {  	s0 =	sshra.s32 @!p0 s14, $0x1F;
	p2 =	sgt.s32 @!p0 s9, $0x60;
	s3 =	sshra.s32 @!p0 s9, $0x1F  }
0x20: {  	p1 =	por !p1, p0;
	s0 =	sand.u32 @!p0 s0, s14;
	p2 =	por !p2, p0  }
0x21: {  	s3 =	sand.u32 @!p0 s3, s9;
	s1 =	simm.s32 @p1 $0xF41C0;
	s2 =	simm.s32 @p2 $0x60  }
0x22: {  	s0 =	ssub.s32 @!p0 s1, s0;
	s1 =	ssub.s32 @!p0 s2, s3  }
0x23: {  	s2 =	sadd.s32 @!p0 $0xFFF0BE40, s0;
	s3 =	sadd.s32 @!p0 $0xFFFFFFA0, s1  }
0x24: {  	s0 =	ssub.s32 @!p0 $0xF4240, s0;
	p1 =	sgt.s32 @!p0 s2, $0x7F;
	p2 =	sgt.s32 @!p0 s3, $0x1F  }
0x25: {  	s1 =	ssub.s32 @!p0 $0x80, s1;
	p1 =	por !p1, p0;
	p2 =	por !p2, p0  }
0x26: {  	s0 =	simm.s32 @!p1 $0x0;
	s1 =	simm.s32 @!p2 $0x0  }
0x27: {  	s0 =	smul.u32 @!p0 s1, s0  }
0x28: {  	s4 =	smov.u32 s12  }
0x29: {  	s2 =	simm.s32 @!p0 $0x2;
	s1 =	sadd.s32 $0x1000, s10;
	s0 =	sand.u32 @!p0 $0x3FFFFFFF, s0  }
0x2a: {  	s3 =	sadd.s32 $0x20, s12;
	p1 =	sgt.s32 s1, $0xF423F;
	_ =	swait.ge @!p0 [sflag:s2], s0  }
0x2b: {  	s4 =	smov.u32 @p1 s3;
	s3 =	rddreg [dreg:$0x3]  }
0x2c: {  	s1 =	smov.u32 @p1 s3;
	p1 =	sgt.s32 s4, $0x15  }
0x2d: {  	s4 =	simm.s32 @p1 $0x0;
	p1 =	sne.s32 s13, s7  }
.Ltmp1:
0x2e: {  	_ = 	snop;
	(pc) =	sbr.rel @!p1 .LBB1_14-.Ltmp1, $4  }
0x2f: {  	s14 =	smov.u32 s8  }
0x30: {  	s9 =	smov.u32 s11;
	s0 =	ssub.s32 @!p0 $0x0, s0;
	[sflag:s2] =	ssyncset.done @!p0 $0x0  }
0x31: {  	s8 =	smov.u32 s10;
	s11 =	smov.u32 s12;
	[sflag:s2] =	ssyncadd.s32 @!p0 s0  }
0x32: {  	s13 =	sadd.s32 $0x1, s13;
	s10 =	smov.u32 s1;
	s12 =	smov.u32 s4  }
.LBB1_1:
0x33: {  	s0 =	rddreg [dreg:$0x5]  }
0x34: {  	p0 =	sgt.u32 s13, s0  }
0x35: {  	s0 =	sshrl.u32 @!p0 s12, $0x3  }
0x36: {  	s1 =	sshll.u32 @!p0 s10, $0x3;
	s0 =	smul.u32 @!p0 $0x7A1400, s0  }
0x37: {  	s5 =	smov.u32 s10;
	s2 =	sshll.u32 @!p0 s12, $0x7;
	s1 =	sand.u32 @!p0 $0xFFFFFC00, s1  }
0x38: {  	s3 =	sand.u32 @!p0 $0x7F, s10;
	s0 =	sadd.s32 @!p0 s0, s1;
	s1 =	sand.u32 @!p0 $0x380, s2  }
0x39: {  	p1 =	sgt.s32 @!p0 s12, $0xFFFFFFF8;
	s4 =	sshra.s32 @!p0 s12, $0x1F;
	s0 =	sor.u32 @!p0 s1, s0  }
0x3a: {  	s6 =	sshra.s32 @!p0 s10, $0x1F;
	p1 =	por !p1, p0;
	s1 =	smulhi.u32 @!p0 $0x218D6287, s0  }
0x3b: {  	s4 =	sand.u32 @!p0 s4, s12;
	s0 =	sor.u32 @!p0 s3, s0;
	s3 =	smov.u32 s12  }
0x3c: {  	s3 =	simm.s32 @p1 $0xFFFFFFF8;
	p1 =	sgt.s32 @!p0 s10, $0xF4200;
	s1 =	sshrl.u32 @!p0 s1, $0x11  }
0x3d: {  	p1 =	por !p1, p0;
	s3 =	ssub.s32 @!p0 s3, s4;
	s2 =	smul.u32 @!p0 $0xAAB, s1  }
0x3e: {  	s4 =	sand.u32 @!p0 s6, s10;
	s6 =	smulhi.u32 @!p0 $0x218D6287, s0;
	s5 =	simm.s32 @p1 $0xF4200  }
0x3f: {  	s4 =	ssub.s32 @!p0 s5, s4;
	s5 =	sadd.s32 @!p0 $0x8, s3;
	s2 =	sshrl.u32 @!p0 s2, $0x10  }
0x40: {  	p1 =	sgt.s32 @!p0 s5, $0x1F;
	s5 =	sshrl.u32 @!p0 s6, $0x11;
	s2 =	smul.u32 @!p0 $0x18, s2  }
0x41: {  	s3 =	ssub.s32 @!p0 $0x18, s3;
	s5 =	smul.u32 @!p0 $0xF4280, s5  }
0x42: {  	p1 =	por !p1, p0;
	s1 =	ssub.s32 @!p0 s1, s2;
	s2 =	sadd.s32 @!p0 $0xFFF0BE00, s4  }
0x43: {  	s3 =	simm.s32 @!p1 $0x0;
	s4 =	ssub.s32 @!p0 $0xF4280, s4;
	p2 =	sgt.s32 @!p0 s2, $0x7F  }
0x44: {  	s0 =	ssub.s32 @!p0 s0, s5;
	s1 =	sand.u32 @!p0 $0xFFFF, s1;
	p2 =	por !p2, p0  }
0x45: {  	s2 =	sxor.u32 @!p0 $0xFFFFFFFF, s13;
	s1 =	smul.u32 @!p0 $0x1E850, s1;
	s4 =	simm.s32 @!p2 $0x0  }
0x46: {  	s5 =	rddreg [dreg:$0x2];
	s2 =	sshll.u32 @!p0 s2, $0xC;
	s3 =	smul.u32 @!p0 s3, s4  }
0x47: {  	s2 =	sand.u32 @!p0 $0x1000, s2;
	s4 =	sshrl.u32 @!p0 s0, $0x3;
	s0 =	sand.u32 @!p0 $0x7, s0  }
0x48: {  	s4 =	sadd.s32 @!p0 s5, s4;
	s0 =	sshll.u32 @!p0 s0, $0x12;
	s3 =	sand.u32 @!p0 $0x3FFFFFFF, s3  }
0x49: {  	s1 =	sadd.s32 @!p0 s1, s4;
	s0 =	sor.u32 @!p0 $0x400, s0;
	s4 =	simm.s32 @!p0 $0x7A1400  }
0x4a: {  	[tilespmem:s2], [sflag:$0x1] =	stream.strided.gather @!p0 [hbm4b:s1+s0], s3, s4, s0, $0x38;
	[tilespmem:$0x4100] =	vst v63  }
0x4b: {  	p0 =	seq.s32 s13, $0x0  }
0x4c: {  	p1 =	sge.u32 @!p0 s13, s7  }
0x4d: {  	p0 =	por p0, p1  }
.Ltmp2:
0x4e: {  	_ = 	snop;
	(pc) =	sbr.rel @p0 .LBB1_13-.Ltmp2, $1  }
0x4f: {  	_ =	sdelay $0x3  }
0x50: {  	s0 =	ssub.s32 $0x0, s11;
	s1 =	sshra.s32 s11, $0x1F;
	p0 =	sgt.s32 s11, $0xFFFFFFF8  }
0x51: {  	s2 =	smov.u32 s11;
	s25 =	ssub.s32 $0x0, s8;
	s26 =	sshra.s32 s8, $0x1F  }
0x52: {  	s3 =	smov.u32 s8;
	s2 =	simm.s32 @!p0 $0xFFFFFFF8;
	p0 =	sgt.s32 s8, $0xF4200  }
0x53: {  	s4 =	sand.u32 s0, s1;
	s1 =	sand.u32 s25, s26;
	s3 =	simm.s32 @!p0 $0xF4200  }
0x54: {  	s2 =	sadd.s32 s4, s2;
	[dreg:$0xb] =	wrdreg s1;
	s1 =	sadd.s32 s1, s3  }
0x55: {  	s27 =	sadd.s32 $0x8, s2;
	s2 =	ssub.s32 $0x18, s2;
	s28 =	sadd.s32 $0xFFF0BE00, s1  }
0x56: {  	p0 =	sgt.s32 s27, $0x1F;
	s0 =	ssub.s32 $0xF4280, s1;
	p1 =	sgt.s32 s28, $0x7F  }
0x57: {  	s2 =	simm.s32 @p0 $0x0;
	s0 =	simm.s32 @p1 $0x0  }
0x58: {  	s29 =	smul.u32 s2, s0;
	s2 =	sadd.s32 $0x20, s11  }
0x59: {  	p0 =	slt.s32 s2, $0x16  }
0x5a: {  	s2 =	simm.s32 @!p0 $0x16  }
0x5b: {  	[dreg:$0x9] =	wrdreg s14;
	s19 =	ssub.s32 s2, s11  }
0x5c: {  	[dreg:$0x8] =	wrdreg s9;
	p0 =	slt.s32 s19, $0x1  }
.Ltmp3:
0x5d: {  	[dreg:$0x7] =	wrdreg s8;
	s30 =	simm.s32 $0x1;
	(pc) =	sbr.rel @p0 .LBB1_12-.Ltmp3, $4  }
0x5e: {  	[dreg:$0xa] =	wrdreg s4;
	s0 =	sand.u32 $0x1, s13;
	s1 =	sand.u32 $0x3FFFFFFF, s29  }
0x5f: {  	s31 =	smul.u32 $0x1080, s0;
	_ =	swait.ge [sflag:s30], s1  }
0x60: {  	s1 =	ssub.s32 $0x0, s1;
	[sflag:s30] =	ssyncset.done $0x0  }
0x61: {  	s18 =	sor.u32 $0x2000, s31;
	[sflag:s30] =	ssyncadd.s32 s1  }
0x62: {  	s2 =	rddreg [dreg:$0x7]  }
0x63: {  	s1 =	sadd.s32 $0x80, s2  }
0x64: {  	p0 =	slt.s32 s1, $0xF4240  }
.Ltmp4:
0x65: {  	s1 =	simm.s32 @!p0 $0xF4240;
	(pc) =	sbr.rel .LBB1_4-.Ltmp4, $4  }
0x66: {  	s22 =	sshll.u32 s0, $0xC;
	s1 =	ssub.s32 s1, s2  }
0x67: {  	s24 =	simm.s32 $0x0;
	s25 =	simm.s32 $0x400;
	s1 =	sadd.s32 $0xF, s1  }
0x68: {  	s20 =	sand.u32 $0xFFFFFFF0, s1;
	s21 =	sand.u32 $0xFFFFFF00, s1;
	s31 =	sshll.u32 s1, $0x3  }
0x69: {  	p0 =	slt.s32 s1, $0x100;
	s23 =	sand.u32 $0xFFFFF800, s31;
	p1 =	sge.s32 s21, s20  }
.LBB1_11:
0x6a: {  	s24 =	sadd.s32 $0x1, s24  }
0x6b: {  	p2 =	sne.s32 s24, s19  }
.Ltmp5:
0x6c: {  	_ = 	snop;
	(pc) =	sbr.rel @!p2 .LBB1_12-.Ltmp5, $2  }
0x6d: {  	_ =	sdelay $0x2  }
0x6e: {  	s25 =	sadd.s32 $0x80, s25  }
.LBB1_4:
.Ltmp6:
0x6f: {  	(pc) =	sbr.rel @p0 .LBB1_8-.Ltmp6, $2  }
0x70: {  	_ =	sdelay $0x2  }
0x71: {  	s26 =	sshll.u32 s24, $0x7;
	s27 =	sand.u32 $0x7F, s24  }
0x72: {  	s1 =	sshll.u32 s24, $0x3  }
0x73: {  	s5 =	sand.u32 $0x380, s26;
	s2 =	sshrl.u32 s1, $0x7  }
0x74: {  	s3 =	sadd.s32 $0x800, s1;
	s6 =	sadd.s32 $0x1000, s1;
	s17 =	sadd.s32 s5, s22  }
0x75: {  	s9 =	sadd.s32 $0x1800, s1;
	s16 =	sadd.s32 $0x2800, s1;
	s7 =	sadd.s32 $0x3000, s1  }
0x76: {  	s1 =	sadd.s32 $0x3800, s1;
	s0 =	sand.u32 $0x78, s2;
	s3 =	sshrl.u32 s3, $0x7  }
0x77: {  	s8 =	sshrl.u32 s6, $0x7;
	s6 =	sshrl.u32 s9, $0x7;
	s9 =	sshrl.u32 s1, $0x7  }
0x78: {  	v0 =	vmov s17;
	s17 =	sand.u32 $0xC00, s25;
	s4 =	smul.u32 $0x84, s0;
	s3 =	sand.u32 $0x78, s3  }
0x79: {  	s5 =	sand.u32 $0x78, s8;
	s14 =	sand.u32 $0x78, s6;
	s3 =	smul.u32 $0x84, s3  }
0x7a: {  	s0 =	sxor.u32 $0x40, s0;
	s5 =	smul.u32 $0x84, s5;
	s4 =	sshrl.u32 s4, $0x2  }
0x7b: {  	s8 =	sshrl.u32 s7, $0x7;
	s0 =	smul.u32 $0x84, s0;
	s4 =	sadd.s32 s4, s18  }
0x7c: {  	s3 =	sshrl.u32 s3, $0x2;
	s15 =	sshrl.u32 s5, $0x2;
	s5 =	sshrl.u32 s16, $0x7  }
0x7d: {  	s0 =	sshrl.u32 s0, $0x2;
	s16 =	sadd.s32 $0x20, s2;
	s3 =	sadd.s32 s3, s18  }
0x7e: {  	s28 =	sadd.s32 s27, s4;
	s4 =	sadd.s32 s15, s18;
	s6 =	sadd.s32 s0, s18  }
0x7f: {  	s15 =	sadd.s32 $0x10, s2;
	s7 =	sand.u32 $0x78, s16;
	s16 =	sadd.s32 $0x30, s2  }
0x80: {  	s29 =	sadd.s32 s27, s3;
	s3 =	smul.u32 $0x84, s14;
	s30 =	sadd.s32 s27, s4  }
0x81: {  	s4 =	sand.u32 $0x78, s5;
	s31 =	sadd.s32 s27, s6;
	s6 =	smul.u32 $0x84, s7  }
0x82: {  	s5 =	sand.u32 $0x78, s15;
	s7 =	sadd.s32 $0x50, s2;
	s4 =	smul.u32 $0x84, s4  }
0x83: {  	s14 =	sand.u32 $0x78, s9;
	s5 =	smul.u32 $0x84, s5;
	s7 =	sand.u32 $0x78, s7  }
0x84: {  	s3 =	sshrl.u32 s3, $0x2;
	s6 =	sshrl.u32 s6, $0x2;
	s7 =	smul.u32 $0x84, s7  }
0x85: {  	s3 =	sadd.s32 s3, s18;
	s4 =	sshrl.u32 s4, $0x2;
	s5 =	sshrl.u32 s5, $0x2  }
0x86: {  	s15 =	sadd.s32 s6, s18;
	s0 =	sadd.s32 s27, s3;
	s3 =	sand.u32 $0x78, s8  }
0x87: {  	s4 =	sadd.s32 s4, s18;
	s9 =	sadd.s32 s5, s18;
	s5 =	sand.u32 $0x78, s16  }
0x88: {  	s7 =	sshrl.u32 s7, $0x2;
	s3 =	smul.u32 $0x84, s3;
	s1 =	sadd.s32 s27, s4  }
0x89: {  	s4 =	smul.u32 $0x84, s14;
	s14 =	sadd.s32 $0x60, s2;
	s2 =	sadd.s32 $0x70, s2  }
0x8a: {  	s6 =	sadd.s32 s27, s9;
	s14 =	sand.u32 $0x78, s14;
	s2 =	sand.u32 $0x78, s2  }
0x8b: {  	v1 =	vld.idx.msk [tilespmem:v0+s17+$0x0 ss:$0x1], $0xffff;
	s3 =	sshrl.u32 s3, $0x2;
	s4 =	sshrl.u32 s4, $0x2;
	s14 =	smul.u32 $0x84, s14  }
0x8c: {  	s16 =	smul.u32 $0x84, s2;
	s2 =	sadd.s32 s27, s15;
	s3 =	sadd.s32 s3, s18  }
0x8d: {  	s8 =	sadd.s32 s27, s3;
	s3 =	sadd.s32 s4, s18;
	s15 =	sshrl.u32 s14, $0x2  }
0x8e: {  	s9 =	sshrl.u32 s16, $0x2;
	s4 =	sadd.s32 s27, s3;
	s3 =	sadd.s32 s7, s18  }
0x8f: {  	s7 =	sadd.s32 s15, s18;
	s14 =	sadd.s32 s9, s18;
	s15 =	sadd.s32 $0xFFFFFC00, s25  }
0x90: {  	[tilespmem:s28+$0x0 ss:$0x21] =	vst.msk $0xffff, v1;
	v1 =	vld.idx.msk [tilespmem:v0+s17+$0x20 ss:$0x1], $0xffff;
	s16 =	sadd.s32 s27, s14;
	s14 =	sand.u32 $0xC00, s15  }
0x91: {  	v2 =	vld.idx.msk [tilespmem:v0+s14+$0x70 ss:$0x1], $0xffff  }
0x92: {  	v3 =	vld.idx.msk [tilespmem:v0+s14+$0x0 ss:$0x1], $0xffff  }
0x93: {  	v4 =	vld.idx.msk [tilespmem:v0+s14+$0x10 ss:$0x1], $0xffff  }
0x94: {  	v5 =	vld.idx.msk [tilespmem:v0+s14+$0x20 ss:$0x1], $0xffff  }
0x95: {  	v6 =	vld.idx.msk [tilespmem:v0+s14+$0x30 ss:$0x1], $0xffff  }
0x96: {  	v7 =	vld.idx.msk [tilespmem:v0+s14+$0x40 ss:$0x1], $0xffff;
	[tilespmem:s4+$0x0 ss:$0x21] =	vst.msk $0xffff, v2  }
0x97: {  	v8 =	vld.idx.msk [tilespmem:v0+s14+$0x50 ss:$0x1], $0xffff;
	[tilespmem:s28+$0x0 ss:$0x21] =	vst.msk $0xffff, v3  }
0x98: {  	p2 =	sgt.s32 s21, $0x100;
	s5 =	smul.u32 $0x84, s5;
	v9 =	vld.idx.msk [tilespmem:v0+s14+$0x60 ss:$0x1], $0xffff;
	[tilespmem:s29+$0x0 ss:$0x21] =	vst.msk $0xffff, v4  }
.Ltmp7:
0x99: {  	v4 =	vld.idx.msk [tilespmem:v0+s17+$0x10 ss:$0x1], $0xffff;
	[tilespmem:s30+$0x0 ss:$0x21] =	vst.msk $0xffff, v5;
	(pc) =	sbr.rel @!p2 .LBB1_7-.Ltmp7, $4  }
0x9a: {  	s5 =	sshrl.u32 s5, $0x2;
	[tilespmem:s0+$0x0 ss:$0x21] =	vst.msk $0xffff, v6;
	v2 =	vld.idx.msk [tilespmem:v0+s17+$0x30 ss:$0x1], $0xffff  }
0x9b: {  	s5 =	sadd.s32 s5, s18;
	[tilespmem:s31+$0x0 ss:$0x21] =	vst.msk $0xffff, v7;
	v3 =	vld.idx.msk [tilespmem:v0+s17+$0x40 ss:$0x1], $0xffff  }
0x9c: {  	s5 =	sadd.s32 s27, s5;
	s3 =	sadd.s32 s27, s3;
	[tilespmem:s1+$0x0 ss:$0x21] =	vst.msk $0xffff, v8;
	v5 =	vld.idx.msk [tilespmem:v0+s17+$0x50 ss:$0x1], $0xffff  }
0x9d: {  	s7 =	sadd.s32 s27, s7;
	s15 =	sadd.s32 $0x800, s25;
	s14 =	simm.s32 $0x100;
	[tilespmem:s8+$0x0 ss:$0x21] =	vst.msk $0xffff, v9;
	v6 =	vld.idx.msk [tilespmem:v0+s17+$0x60 ss:$0x1], $0xffff  }
.LBB1_6:
0x9e: {  	s9 =	sadd.s32 $0xFFFFFC00, s15;
	s14 =	sadd.s32 $0x100, s14;
	[tilespmem:s6+$0x0 ss:$0x21] =	vst.msk $0xffff, v4;
	v4 =	vld.idx.msk [tilespmem:v0+s17+$0x70 ss:$0x1], $0xffff;
	s17 =	sand.u32 $0xC00, s15  }
0x9f: {  	s9 =	sand.u32 $0xC00, s9;
	v7 =	vld.idx.msk [tilespmem:v0+s17+$0x0 ss:$0x1], $0xffff;
	p2 =	slt.s32 s14, s21;
	[tilespmem:s2+$0x0 ss:$0x21] =	vst.msk $0xffff, v1  }
0xa0: {  	v1 =	vld.idx.msk [tilespmem:v0+s9+$0x70 ss:$0x1], $0xffff;
	[tilespmem:s5+$0x0 ss:$0x21] =	vst.msk $0xffff, v2  }
0xa1: {  	v2 =	vld.idx.msk [tilespmem:v0+s9+$0x0 ss:$0x1], $0xffff;
	[tilespmem:s31+$0x0 ss:$0x21] =	vst.msk $0xffff, v3  }
0xa2: {  	v3 =	vld.idx.msk [tilespmem:v0+s9+$0x10 ss:$0x1], $0xffff;
	[tilespmem:s3+$0x0 ss:$0x21] =	vst.msk $0xffff, v5  }
0xa3: {  	v5 =	vld.idx.msk [tilespmem:v0+s9+$0x20 ss:$0x1], $0xffff;
	[tilespmem:s7+$0x0 ss:$0x21] =	vst.msk $0xffff, v6  }
0xa4: {  	v6 =	vld.idx.msk [tilespmem:v0+s9+$0x30 ss:$0x1], $0xffff;
	[tilespmem:s16+$0x0 ss:$0x21] =	vst.msk $0xffff, v4  }
0xa5: {  	v8 =	vld.idx.msk [tilespmem:v0+s9+$0x40 ss:$0x1], $0xffff;
	[tilespmem:s28+$0x0 ss:$0x21] =	vst.msk $0xffff, v7  }
0xa6: {  	v7 =	vld.idx.msk [tilespmem:v0+s9+$0x50 ss:$0x1], $0xffff;
	[tilespmem:s4+$0x0 ss:$0x21] =	vst.msk $0xffff, v1  }
0xa7: {  	[tilespmem:s28+$0x0 ss:$0x21] =	vst.msk $0xffff, v2;
	v9 =	vld.idx.msk [tilespmem:v0+s9+$0x60 ss:$0x1], $0xffff  }
0xa8: {  	[tilespmem:s29+$0x0 ss:$0x21] =	vst.msk $0xffff, v3;
	v4 =	vld.idx.msk [tilespmem:v0+s17+$0x10 ss:$0x1], $0xffff  }
.Ltmp8:
0xa9: {  	[tilespmem:s30+$0x0 ss:$0x21] =	vst.msk $0xffff, v5;
	v1 =	vld.idx.msk [tilespmem:v0+s17+$0x20 ss:$0x1], $0xffff;
	(pc) =	sbr.rel @p2 .LBB1_6-.Ltmp8, $4  }
0xaa: {  	[tilespmem:s0+$0x0 ss:$0x21] =	vst.msk $0xffff, v6;
	v2 =	vld.idx.msk [tilespmem:v0+s17+$0x30 ss:$0x1], $0xffff  }
0xab: {  	[tilespmem:s31+$0x0 ss:$0x21] =	vst.msk $0xffff, v8;
	v3 =	vld.idx.msk [tilespmem:v0+s17+$0x40 ss:$0x1], $0xffff  }
0xac: {  	[tilespmem:s1+$0x0 ss:$0x21] =	vst.msk $0xffff, v7;
	v5 =	vld.idx.msk [tilespmem:v0+s17+$0x50 ss:$0x1], $0xffff  }
0xad: {  	s15 =	sadd.s32 $0x800, s15;
	[tilespmem:s8+$0x0 ss:$0x21] =	vst.msk $0xffff, v9;
	v6 =	vld.idx.msk [tilespmem:v0+s17+$0x60 ss:$0x1], $0xffff  }
.LBB1_7:
0xae: {  	_ =	sdelay $0x2  }
0xaf: {  	[tilespmem:s6+$0x0 ss:$0x21] =	vst.msk $0xffff, v4  }
0xb0: {  	v0 =	vld.idx.msk [tilespmem:v0+s17+$0x70 ss:$0x1], $0xffff;
	[tilespmem:s2+$0x0 ss:$0x21] =	vst.msk $0xffff, v1  }
0xb1: {  	[tilespmem:s5+$0x0 ss:$0x21] =	vst.msk $0xffff, v2  }
0xb2: {  	[tilespmem:s31+$0x0 ss:$0x21] =	vst.msk $0xffff, v3  }
0xb3: {  	[tilespmem:s3+$0x0 ss:$0x21] =	vst.msk $0xffff, v5  }
0xb4: {  	[tilespmem:s7+$0x0 ss:$0x21] =	vst.msk $0xffff, v6  }
0xb5: {  	[tilespmem:s16+$0x0 ss:$0x21] =	vst.msk $0xffff, v0  }
.LBB1_8:
.Ltmp9:
0xb6: {  	(pc) =	sbr.rel @p1 .LBB1_11-.Ltmp9, $1  }
0xb7: {  	_ =	sdelay $0x3  }
0xb8: {  	s1 =	sand.u32 $0x380, s26;
	s0 =	sshrl.u32 s24, $0x4;
	s2 =	sadd.s32 s27, s18  }
0xb9: {  	s3 =	smov.u32 s23;
	s4 =	smov.u32 s21;
	s1 =	sadd.s32 s1, s22  }
.LBB1_10:
0xba: {  	s5 =	sand.u32 $0xC00, s3  }
0xbb: {  	s5 =	sadd.s32 s26, s5  }
0xbc: {  	s5 =	sand.u32 $0xC00, s5  }
0xbd: {  	s6 =	sand.u32 $0x70, s4;
	s30 =	sadd.s32 s4, s0;
	s5 =	sadd.s32 s5, s1  }
0xbe: {  	s4 =	sadd.s32 $0x10, s4;
	s31 =	sand.u32 $0x78, s30;
	s5 =	sadd.s32 s6, s5  }
0xbf: {  	p2 =	slt.s32 s4, s20;
	v0 =	vld [tilespmem:s5+$0x0];
	s5 =	smul.u32 $0x84, s31  }
.Ltmp10:
0xc0: {  	_ = 	snop;
	(pc) =	sbr.rel @p2 .LBB1_10-.Ltmp10, $4  }
0xc1: {  	_ = 	snop  }
0xc2: {  	s5 =	sshrl.u32 s5, $0x2  }
0xc3: {  	s5 =	sadd.s32 s5, s2  }
0xc4: {  	s3 =	sadd.s32 $0x80, s3;
	[tilespmem:s5+$0x0 ss:$0x21] =	vst.msk $0xffff, v0  }
.Ltmp11:
0xc5: {  	_ = 	snop;
	(pc) =	sbr.rel .LBB1_11-.Ltmp11, $1  }
0xc6: {  	_ =	sdelay $0x3  }
.LBB1_14:
0xc7: {  	_ =	sfence.sel $0x180000  }
0xc8: {  	s0 =	simm.s32 $0x1;
	[bflag:$0x0] =	sbarrier.arrive $0xFFFF  }
0xc9: {  	s30 =	simm.s32 $0x2;
	[sflag:s0] =	ssyncpa.u1 $0x1  }
0xca: {  	[sflag:s30] =	ssyncpa.u1 $0x1  }
0xcb: {  	_ =	strace $0x90000047  }
0xcc: {  	s31 =	stileid.u32;
	[bflag:$0x2] =	sbarrier.arrive $0xFFFF  }
0xcd: {  	p0 =	sne.s32 s31, $0x0;
	s0 =	rddreg [dreg:$0x1]  }
0xce: {  	s0 =	sadd.s32 @!p0 $0x100000, s0  }
0xcf: {  	[sflag:s0] =	ssyncadd.tile.s32 @!p0 $0x1;
	_ =	shalt  }
.Lfunc_end1:
_tile_overlayer_lowered:
.L_overlay_start_2:
0xd0: {  	(tag) =	ssettag $0x2  }
0xd1: {  	s0 =	rddreg [dreg:$0x0];
	s2 =	stileid.u32  }
0xd2: {  	s1 =	rddreg [dreg:$0x1];
	p0 =	sne.s32 s2, $0x0  }
0xd3: {  	s3 =	rddreg [dreg:$0x2];
	[bflag:$0x3] =	sbarrier.arrive $0xFFFF;
	s2 =	simm.s32 @!p0 $0x1C01  }
0xd4: {  	[timem:s3], [sflag:s2] =	dma.local @!p0 [hbm:s0], s1  }
0xd5: {  	s0 =	simm.s32 @!p0 $0x1  }
0xd6: {  	_ =	swait.ge @!p0 [sflag:s0], s1  }
0xd7: {  	s1 =	ssub.s32 @!p0 $0x0, s1;
	[sflag:s0] =	ssyncset.done @!p0 $0x0  }
0xd8: {  	[sflag:s0] =	ssyncadd.s32 @!p0 s1  }
0xd9: {  	[bflag:$0x3] =	sbarrier.arrive $0xFFFF  }
0xda: {  	_ =	shalt  }

</sc_bundles>
